<compile_context>
chip_gen: v7x
topology: tpu7x:2x2x1
jax: 0.10.2.dev20260603
libtpu: 0.0.44.dev20260713+nightly
codegen_flags: <defaults>
</compile_context>

<pallas_src>
import dataclasses
import functools

import jax
import jax.numpy as jnp
from jax import lax
from jax.experimental import pallas as pl
from jax.experimental.pallas import tpu as pltpu
from jax.experimental.pallas import tpu_sc as plsc

_USER_NUM = 6000
_ITEM_NUM = 4000
_N = _USER_NUM + _ITEM_NUM
_D = 128
_E = 320000
_LAYERS = 3

_NC = 2
_NS = 16
_NWORK = _NC * _NS
_LANES = 16
_W = 128
_NWIN = -(-(_E // _NWORK) // _W)
_EPAD = _NWORK * _NWIN * _W
_NPAD = 10240
_ROWS_PER_TILE = _NPAD // _NS

_mesh = plsc.VectorSubcoreMesh(
    core_axis_name="c", subcore_axis_name="s", num_cores=_NC, num_subcores=_NS
)

_sc_params = pltpu.CompilerParams()
if "needs_layout_passes" in pltpu.CompilerParams.__dataclass_fields__:
    _sc_params = dataclasses.replace(_sc_params, needs_layout_passes=False)


def _sc_layer(emb, src_w, dst_w, val_w):

    @functools.partial(
        pl.kernel,
        out_type=jax.ShapeDtypeStruct((_NC, _NPAD, _D), jnp.float32),
        mesh=_mesh,
        compiler_params=_sc_params,
        scratch_types=[
            pltpu.VMEM((_NWIN, _W), jnp.int32),
            pltpu.VMEM((_NWIN, _W), jnp.int32),
            pltpu.VMEM((_NWIN, _W), jnp.float32),
            pltpu.VMEM((_W, _D), jnp.float32),
            pltpu.VMEM_SHARED((_NPAD, _D), jnp.float32),
        ],
    )
    def layer(emb_hbm, src_hbm, dst_hbm, val_hbm, out_hbm,
              src_v, dst_v, val_v, rows_v, acc_sh):
        c = lax.axis_index("c")
        s = lax.axis_index("s")
        w = c * _NS + s

        pltpu.sync_copy(src_hbm.at[w], src_v)
        pltpu.sync_copy(dst_hbm.at[w], dst_v)
        pltpu.sync_copy(val_hbm.at[w], val_v)

        @pl.loop(0, _W)
        def _zero_rows(r):
            for c8 in range(_D // _LANES):
                rows_v[r, pl.ds(c8 * _LANES, _LANES)] = jnp.zeros(
                    (_LANES,), jnp.float32)

        base = s * _ROWS_PER_TILE
        for k in range(_ROWS_PER_TILE // _W):
            pltpu.sync_copy(rows_v.at[pl.ds(0, _W)],
                            acc_sh.at[pl.ds(base + k * _W, _W)])
        plsc.subcore_barrier()

        @pl.loop(0, _NWIN)
        def _window(j):
            pltpu.sync_copy(emb_hbm.at[src_v.at[j]], rows_v)

            @pl.loop(0, _W)
            def _scale(r):
                vv = plsc.load_gather(
                    val_v,
                    [jnp.full((_LANES,), j, jnp.int32),
                     jnp.full((_LANES,), r, jnp.int32)],
                )
                for c8 in range(_D // _LANES):
                    sl = pl.ds(c8 * _LANES, _LANES)
                    rows_v[r, sl] = rows_v[r, sl] * vv

            pltpu.sync_copy(rows_v, acc_sh.at[dst_v.at[j]], add=True)

        plsc.subcore_barrier()

        for k in range(_ROWS_PER_TILE // _W):
            pltpu.sync_copy(acc_sh.at[pl.ds(base + k * _W, _W)],
                            out_hbm.at[c, pl.ds(base + k * _W, _W)])

    return layer(emb, src_w, dst_w, val_w)


def _combine(partials, total_prev):

    def body(p_ref, t_ref, emb_ref, tot_ref):
        e = p_ref[0] + p_ref[1]
        emb_ref[...] = e
        tot_ref[...] = t_ref[...] + e

    return pl.pallas_call(
        body,
        out_shape=(jax.ShapeDtypeStruct((_NPAD, _D), jnp.float32),
                   jax.ShapeDtypeStruct((_NPAD, _D), jnp.float32)),
    )(partials, total_prev)


def _finalize(partials, total_prev):

    def body(p_ref, t_ref, o_ref):
        o_ref[...] = (t_ref[...] + p_ref[0] + p_ref[1]) * 0.25

    return pl.pallas_call(
        body,
        out_shape=jax.ShapeDtypeStruct((_NPAD, _D), jnp.float32),
    )(partials, total_prev)


def kernel(edge_index, edge_vals, user_embeds, item_embeds, keep_rate):
    del keep_rate
    emb0 = jnp.concatenate(
        [user_embeds, item_embeds,
         jnp.zeros((_NPAD - _N, _D), jnp.float32)], axis=0)
    dst = edge_index[0]
    src = edge_index[1]
    pad = _EPAD - _E
    src_w = jnp.pad(src, (0, pad)).reshape(_NWORK, _NWIN, _W)
    dst_w = jnp.pad(dst, (0, pad)).reshape(_NWORK, _NWIN, _W)
    val_w = jnp.pad(edge_vals, (0, pad)).reshape(_NWORK, _NWIN, _W)

    total = emb0
    emb = emb0
    for layer in range(_LAYERS):
        p = _sc_layer(emb, src_w, dst_w, val_w)
        if layer < _LAYERS - 1:
            emb, total = _combine(p, total)
        else:
            total = _finalize(p, total)
    return total[:_USER_NUM], total[_USER_NUM:_N]

# --- scband reference (transcript-rebuilt; emitter-appended) ---
"""Pipeline reference for scband-light-gcn-69123203661922 (READ-ONLY COPY).

The authoritative reference and input builder live on the scoring server;
editing this copy changes nothing except your own understanding.
"""

import jax, jax.numpy as jnp
import numpy as np

USER_NUM = 6000
ITEM_NUM = 4000
N_NODES = USER_NUM + ITEM_NUM
EMBED_DIM = 128
LAYER_NUM = 3
N_EDGES = 320000


def setup_inputs(seed: int = 0) -> dict:
    key = jax.random.key(seed)
    k1, k2, k3, k4 = jax.random.split(key, 4)
    edge_index = jax.random.randint(k1, (2, N_EDGES), 0, N_NODES, dtype=jnp.int32)
    edge_vals = jax.random.uniform(k2, (N_EDGES,), dtype=jnp.float32)
    # xavier-uniform style init for embedding tables (learned parameters)
    bound_u = float(np.sqrt(6.0 / (USER_NUM + EMBED_DIM)))
    bound_i = float(np.sqrt(6.0 / (ITEM_NUM + EMBED_DIM)))
    user_embeds = jax.random.uniform(k3, (USER_NUM, EMBED_DIM), dtype=jnp.float32, minval=-bound_u, maxval=bound_u)
    item_embeds = jax.random.uniform(k4, (ITEM_NUM, EMBED_DIM), dtype=jnp.float32, minval=-bound_i, maxval=bound_i)
    return {
        "edge_index": edge_index,
        "edge_vals": edge_vals,
        "user_embeds": user_embeds,
        "item_embeds": item_embeds,
        "keep_rate": 1,
    }


def reference(edge_index, edge_vals, user_embeds, item_embeds, keep_rate=1):
    # LightGCN forward: embed concat, L rounds of sparse propagation (spmm), mean of layer outputs
    embeds = jnp.concatenate([user_embeds, item_embeds], axis=0)
    embeds_list = [embeds]
    # keep_rate == 1.0 -> SpAdjEdgeDrop is identity (deterministic path)
    dst = edge_index[0]
    src = edge_index[1]
    for _ in range(LAYER_NUM):
        # spmm: out[dst] += vals * embeds[src]
        msg = embeds_list[-1][src] * edge_vals[:, None]
        new_embeds = jax.ops.segment_sum(msg, dst, num_segments=N_NODES)
        embeds_list.append(new_embeds)
    embeds = sum(embeds_list) / len(embeds_list)
    return (embeds[:USER_NUM], embeds[USER_NUM:])

if __name__ == "__main__":
    import jax
    _d = setup_inputs()
    print(jax.jit(kernel)(*tuple(_d.values())))

</pallas_src>

<mosaic_0001>
#map = affine_map<(d0, d1) -> (0, 0)>
#map1 = affine_map<(d0, d1) -> (0, 0, 0)>
module attributes {stable_mosaic.version = 14 : i64} {
  func.func @layer(%arg0: i32, %arg1: i32, %arg2: memref<10240x128xf32, #tpu.memory_space<hbm>>, %arg3: memref<32x79x128xi32, #tpu.memory_space<hbm>>, %arg4: memref<32x79x128xi32, #tpu.memory_space<hbm>>, %arg5: memref<32x79x128xf32, #tpu.memory_space<hbm>>, %arg6: memref<2x10240x128xf32, #tpu.memory_space<hbm>>, %arg7: memref<79x128xi32, #tpu.memory_space<vmem>>, %arg8: memref<79x128xi32, #tpu.memory_space<vmem>>, %arg9: memref<79x128xf32, #tpu.memory_space<vmem>>, %arg10: memref<128x128xf32, #tpu.memory_space<vmem>>, %arg11: memref<10240x128xf32, #tpu.memory_space<vmem_shared>>) attributes {dimension_semantics = [#tpu.dimension_semantics<core_parallel>, #tpu.dimension_semantics<subcore_parallel>], iteration_bounds = array<i64: 2, 16>, scalar_prefetch = 0 : i64, scratch_operands = 5 : i64, tpu.core_type = #tpu.core_type<sc_vector_subcore>, window_params = [{transform_indices = #map}, {transform_indices = #map1}, {transform_indices = #map1}, {transform_indices = #map1}, {transform_indices = #map1}]} {
    %mul3A = arith.constant 16 : i32
    %mul3A_0 = arith.muli %arg0, %mul3A : i32
    %add3A = arith.addi %mul3A_0, %arg1 : i32
    "tpu.region"() ({
      %run_scoped3A = tpu.sem_alloc : memref<!tpu.dma_semaphore, #tpu.memory_space<semaphore_mem>>
      %dma_start3A = arith.constant 0 : i32
      %dma_start3A_43 = arith.constant 0 : i32
      %dma_start3A_44 = tpu.memref_slice %arg3[%add3A, %dma_start3A, %dma_start3A_43] : memref<32x79x128xi32, #tpu.memory_space<hbm>> -> memref<1x79x128xi32, #tpu.memory_space<hbm>>
      %dma_start3A_45 = tpu.memref_squeeze %dma_start3A_44 : memref<1x79x128xi32, #tpu.memory_space<hbm>> -> memref<79x128xi32, #tpu.memory_space<hbm>>
      %dma_start3A_46 = arith.constant 0 : i32
      %dma_start3A_47 = arith.constant 0 : i32
      %dma_start3A_48 = tpu.memref_slice %arg3[%add3A, %dma_start3A_46, %dma_start3A_47] : memref<32x79x128xi32, #tpu.memory_space<hbm>> -> memref<1x79x128xi32, #tpu.memory_space<hbm>>
      %dma_start3A_49 = tpu.memref_squeeze %dma_start3A_48 : memref<1x79x128xi32, #tpu.memory_space<hbm>> -> memref<79x128xi32, #tpu.memory_space<hbm>>
      tpu.enqueue_dma source(%dma_start3A_49 : memref<79x128xi32, #tpu.memory_space<hbm>>) target(%arg7 : memref<79x128xi32, #tpu.memory_space<vmem>>) target_semaphore(%run_scoped3A : memref<!tpu.dma_semaphore, #tpu.memory_space<semaphore_mem>>)
      %dma_wait3A = arith.constant 0 : i32
      %dma_wait3A_50 = arith.constant 0 : i32
      %dma_wait3A_51 = tpu.memref_slice %arg3[%add3A, %dma_wait3A, %dma_wait3A_50] : memref<32x79x128xi32, #tpu.memory_space<hbm>> -> memref<1x79x128xi32, #tpu.memory_space<hbm>>
      %dma_wait3A_52 = tpu.memref_squeeze %dma_wait3A_51 : memref<1x79x128xi32, #tpu.memory_space<hbm>> -> memref<79x128xi32, #tpu.memory_space<hbm>>
      %dma_wait3A_53 = arith.constant 0 : i32
      %dma_wait3A_54 = arith.constant 0 : i32
      %dma_wait3A_55 = tpu.memref_slice %arg3[%add3A, %dma_wait3A_53, %dma_wait3A_54] : memref<32x79x128xi32, #tpu.memory_space<hbm>> -> memref<1x79x128xi32, #tpu.memory_space<hbm>>
      %dma_wait3A_56 = tpu.memref_squeeze %dma_wait3A_55 : memref<1x79x128xi32, #tpu.memory_space<hbm>> -> memref<79x128xi32, #tpu.memory_space<hbm>>
      tpu.wait_dma2 semaphore(%run_scoped3A : memref<!tpu.dma_semaphore, #tpu.memory_space<semaphore_mem>>) src(%dma_wait3A_56 : memref<79x128xi32, #tpu.memory_space<hbm>>) dst(%arg7 : memref<79x128xi32, #tpu.memory_space<vmem>>)
      tpu.yield
    }) : () -> ()
    "tpu.region"() ({
      %run_scoped3A = tpu.sem_alloc : memref<!tpu.dma_semaphore, #tpu.memory_space<semaphore_mem>>
      %dma_start3A = arith.constant 0 : i32
      %dma_start3A_43 = arith.constant 0 : i32
      %dma_start3A_44 = tpu.memref_slice %arg4[%add3A, %dma_start3A, %dma_start3A_43] : memref<32x79x128xi32, #tpu.memory_space<hbm>> -> memref<1x79x128xi32, #tpu.memory_space<hbm>>
      %dma_start3A_45 = tpu.memref_squeeze %dma_start3A_44 : memref<1x79x128xi32, #tpu.memory_space<hbm>> -> memref<79x128xi32, #tpu.memory_space<hbm>>
      %dma_start3A_46 = arith.constant 0 : i32
      %dma_start3A_47 = arith.constant 0 : i32
      %dma_start3A_48 = tpu.memref_slice %arg4[%add3A, %dma_start3A_46, %dma_start3A_47] : memref<32x79x128xi32, #tpu.memory_space<hbm>> -> memref<1x79x128xi32, #tpu.memory_space<hbm>>
      %dma_start3A_49 = tpu.memref_squeeze %dma_start3A_48 : memref<1x79x128xi32, #tpu.memory_space<hbm>> -> memref<79x128xi32, #tpu.memory_space<hbm>>
      tpu.enqueue_dma source(%dma_start3A_49 : memref<79x128xi32, #tpu.memory_space<hbm>>) target(%arg8 : memref<79x128xi32, #tpu.memory_space<vmem>>) target_semaphore(%run_scoped3A : memref<!tpu.dma_semaphore, #tpu.memory_space<semaphore_mem>>)
      %dma_wait3A = arith.constant 0 : i32
      %dma_wait3A_50 = arith.constant 0 : i32
      %dma_wait3A_51 = tpu.memref_slice %arg4[%add3A, %dma_wait3A, %dma_wait3A_50] : memref<32x79x128xi32, #tpu.memory_space<hbm>> -> memref<1x79x128xi32, #tpu.memory_space<hbm>>
      %dma_wait3A_52 = tpu.memref_squeeze %dma_wait3A_51 : memref<1x79x128xi32, #tpu.memory_space<hbm>> -> memref<79x128xi32, #tpu.memory_space<hbm>>
      %dma_wait3A_53 = arith.constant 0 : i32
      %dma_wait3A_54 = arith.constant 0 : i32
      %dma_wait3A_55 = tpu.memref_slice %arg4[%add3A, %dma_wait3A_53, %dma_wait3A_54] : memref<32x79x128xi32, #tpu.memory_space<hbm>> -> memref<1x79x128xi32, #tpu.memory_space<hbm>>
      %dma_wait3A_56 = tpu.memref_squeeze %dma_wait3A_55 : memref<1x79x128xi32, #tpu.memory_space<hbm>> -> memref<79x128xi32, #tpu.memory_space<hbm>>
      tpu.wait_dma2 semaphore(%run_scoped3A : memref<!tpu.dma_semaphore, #tpu.memory_space<semaphore_mem>>) src(%dma_wait3A_56 : memref<79x128xi32, #tpu.memory_space<hbm>>) dst(%arg8 : memref<79x128xi32, #tpu.memory_space<vmem>>)
      tpu.yield
    }) : () -> ()
    "tpu.region"() ({
      %run_scoped3A = tpu.sem_alloc : memref<!tpu.dma_semaphore, #tpu.memory_space<semaphore_mem>>
      %dma_start3A = arith.constant 0 : i32
      %dma_start3A_43 = arith.constant 0 : i32
      %dma_start3A_44 = tpu.memref_slice %arg5[%add3A, %dma_start3A, %dma_start3A_43] : memref<32x79x128xf32, #tpu.memory_space<hbm>> -> memref<1x79x128xf32, #tpu.memory_space<hbm>>
      %dma_start3A_45 = tpu.memref_squeeze %dma_start3A_44 : memref<1x79x128xf32, #tpu.memory_space<hbm>> -> memref<79x128xf32, #tpu.memory_space<hbm>>
      %dma_start3A_46 = arith.constant 0 : i32
      %dma_start3A_47 = arith.constant 0 : i32
      %dma_start3A_48 = tpu.memref_slice %arg5[%add3A, %dma_start3A_46, %dma_start3A_47] : memref<32x79x128xf32, #tpu.memory_space<hbm>> -> memref<1x79x128xf32, #tpu.memory_space<hbm>>
      %dma_start3A_49 = tpu.memref_squeeze %dma_start3A_48 : memref<1x79x128xf32, #tpu.memory_space<hbm>> -> memref<79x128xf32, #tpu.memory_space<hbm>>
      tpu.enqueue_dma source(%dma_start3A_49 : memref<79x128xf32, #tpu.memory_space<hbm>>) target(%arg9 : memref<79x128xf32, #tpu.memory_space<vmem>>) target_semaphore(%run_scoped3A : memref<!tpu.dma_semaphore, #tpu.memory_space<semaphore_mem>>)
      %dma_wait3A = arith.constant 0 : i32
      %dma_wait3A_50 = arith.constant 0 : i32
      %dma_wait3A_51 = tpu.memref_slice %arg5[%add3A, %dma_wait3A, %dma_wait3A_50] : memref<32x79x128xf32, #tpu.memory_space<hbm>> -> memref<1x79x128xf32, #tpu.memory_space<hbm>>
      %dma_wait3A_52 = tpu.memref_squeeze %dma_wait3A_51 : memref<1x79x128xf32, #tpu.memory_space<hbm>> -> memref<79x128xf32, #tpu.memory_space<hbm>>
      %dma_wait3A_53 = arith.constant 0 : i32
      %dma_wait3A_54 = arith.constant 0 : i32
      %dma_wait3A_55 = tpu.memref_slice %arg5[%add3A, %dma_wait3A_53, %dma_wait3A_54] : memref<32x79x128xf32, #tpu.memory_space<hbm>> -> memref<1x79x128xf32, #tpu.memory_space<hbm>>
      %dma_wait3A_56 = tpu.memref_squeeze %dma_wait3A_55 : memref<1x79x128xf32, #tpu.memory_space<hbm>> -> memref<79x128xf32, #tpu.memory_space<hbm>>
      tpu.wait_dma2 semaphore(%run_scoped3A : memref<!tpu.dma_semaphore, #tpu.memory_space<semaphore_mem>>) src(%dma_wait3A_56 : memref<79x128xf32, #tpu.memory_space<hbm>>) dst(%arg9 : memref<79x128xf32, #tpu.memory_space<vmem>>)
      tpu.yield
    }) : () -> ()
    %scan3A = arith.constant 0 : i32
    %scan3A_1 = arith.constant 128 : i32
    %scan3A_2 = arith.addi %scan3A, %scan3A_1 : i32
    %scan3A_3 = arith.constant 1 : i32
    scf.for %scan3A_43 = %scan3A to %scan3A_2 step %scan3A_3  : i32 {
      %mul3A_44 = arith.constant 1 : i32
      %mul3A_45 = arith.muli %scan3A_43, %mul3A_44 : i32
      %add3A_46 = arith.constant 0 : i32
      %add3A_47 = arith.addi %add3A_46, %mul3A_45 : i32
      %broadcast_in_dim3A = arith.constant 0.000000e+00 : f32
      %broadcast_in_dim3A_48 = vector.broadcast %broadcast_in_dim3A : f32 to vector<16xf32>
      %swap3A = arith.index_cast %add3A_47 : i32 to index
      %swap3A_49 = arith.constant 0 : index
      %swap3A_50 = tpu.vector_load %arg10[%swap3A, %swap3A_49] {strides = array<i32>} : memref<128x128xf32, #tpu.memory_space<vmem>>, vector<16xf32>,
      tpu.vector_store %arg10[%swap3A, %swap3A_49], %broadcast_in_dim3A_48 {strides = array<i32>} : memref<128x128xf32, #tpu.memory_space<vmem>>, vector<16xf32>,
      %broadcast_in_dim3A_51 = arith.constant 0.000000e+00 : f32
      %broadcast_in_dim3A_52 = vector.broadcast %broadcast_in_dim3A_51 : f32 to vector<16xf32>
      %swap3A_53 = arith.index_cast %add3A_47 : i32 to index
      %swap3A_54 = arith.constant 16 : index
      %swap3A_55 = tpu.vector_load %arg10[%swap3A_53, %swap3A_54] {strides = array<i32>} : memref<128x128xf32, #tpu.memory_space<vmem>>, vector<16xf32>,
      tpu.vector_store %arg10[%swap3A_53, %swap3A_54], %broadcast_in_dim3A_52 {strides = array<i32>} : memref<128x128xf32, #tpu.memory_space<vmem>>, vector<16xf32>,
      %broadcast_in_dim3A_56 = arith.constant 0.000000e+00 : f32
      %broadcast_in_dim3A_57 = vector.broadcast %broadcast_in_dim3A_56 : f32 to vector<16xf32>
      %swap3A_58 = arith.index_cast %add3A_47 : i32 to index
      %swap3A_59 = arith.constant 32 : index
      %swap3A_60 = tpu.vector_load %arg10[%swap3A_58, %swap3A_59] {strides = array<i32>} : memref<128x128xf32, #tpu.memory_space<vmem>>, vector<16xf32>,
      tpu.vector_store %arg10[%swap3A_58, %swap3A_59], %broadcast_in_dim3A_57 {strides = array<i32>} : memref<128x128xf32, #tpu.memory_space<vmem>>, vector<16xf32>,
      %broadcast_in_dim3A_61 = arith.constant 0.000000e+00 : f32
      %broadcast_in_dim3A_62 = vector.broadcast %broadcast_in_dim3A_61 : f32 to vector<16xf32>
      %swap3A_63 = arith.index_cast %add3A_47 : i32 to index
      %swap3A_64 = arith.constant 48 : index
      %swap3A_65 = tpu.vector_load %arg10[%swap3A_63, %swap3A_64] {strides = array<i32>} : memref<128x128xf32, #tpu.memory_space<vmem>>, vector<16xf32>,
      tpu.vector_store %arg10[%swap3A_63, %swap3A_64], %broadcast_in_dim3A_62 {strides = array<i32>} : memref<128x128xf32, #tpu.memory_space<vmem>>, vector<16xf32>,
      %broadcast_in_dim3A_66 = arith.constant 0.000000e+00 : f32
      %broadcast_in_dim3A_67 = vector.broadcast %broadcast_in_dim3A_66 : f32 to vector<16xf32>
      %swap3A_68 = arith.index_cast %add3A_47 : i32 to index
      %swap3A_69 = arith.constant 64 : index
      %swap3A_70 = tpu.vector_load %arg10[%swap3A_68, %swap3A_69] {strides = array<i32>} : memref<128x128xf32, #tpu.memory_space<vmem>>, vector<16xf32>,
      tpu.vector_store %arg10[%swap3A_68, %swap3A_69], %broadcast_in_dim3A_67 {strides = array<i32>} : memref<128x128xf32, #tpu.memory_space<vmem>>, vector<16xf32>,
      %broadcast_in_dim3A_71 = arith.constant 0.000000e+00 : f32
      %broadcast_in_dim3A_72 = vector.broadcast %broadcast_in_dim3A_71 : f32 to vector<16xf32>
      %swap3A_73 = arith.index_cast %add3A_47 : i32 to index
      %swap3A_74 = arith.constant 80 : index
      %swap3A_75 = tpu.vector_load %arg10[%swap3A_73, %swap3A_74] {strides = array<i32>} : memref<128x128xf32, #tpu.memory_space<vmem>>, vector<16xf32>,
      tpu.vector_store %arg10[%swap3A_73, %swap3A_74], %broadcast_in_dim3A_72 {strides = array<i32>} : memref<128x128xf32, #tpu.memory_space<vmem>>, vector<16xf32>,
      %broadcast_in_dim3A_76 = arith.constant 0.000000e+00 : f32
      %broadcast_in_dim3A_77 = vector.broadcast %broadcast_in_dim3A_76 : f32 to vector<16xf32>
      %swap3A_78 = arith.index_cast %add3A_47 : i32 to index
      %swap3A_79 = arith.constant 96 : index
      %swap3A_80 = tpu.vector_load %arg10[%swap3A_78, %swap3A_79] {strides = array<i32>} : memref<128x128xf32, #tpu.memory_space<vmem>>, vector<16xf32>,
      tpu.vector_store %arg10[%swap3A_78, %swap3A_79], %broadcast_in_dim3A_77 {strides = array<i32>} : memref<128x128xf32, #tpu.memory_space<vmem>>, vector<16xf32>,
      %broadcast_in_dim3A_81 = arith.constant 0.000000e+00 : f32
      %broadcast_in_dim3A_82 = vector.broadcast %broadcast_in_dim3A_81 : f32 to vector<16xf32>
      %swap3A_83 = arith.index_cast %add3A_47 : i32 to index
      %swap3A_84 = arith.constant 112 : index
      %swap3A_85 = tpu.vector_load %arg10[%swap3A_83, %swap3A_84] {strides = array<i32>} : memref<128x128xf32, #tpu.memory_space<vmem>>, vector<16xf32>,
      tpu.vector_store %arg10[%swap3A_83, %swap3A_84], %broadcast_in_dim3A_82 {strides = array<i32>} : memref<128x128xf32, #tpu.memory_space<vmem>>, vector<16xf32>,
    }
    %scan3A_4 = arith.constant 128 : i32
    %mul3A_5 = arith.constant 640 : i32
    %mul3A_6 = arith.muli %arg1, %mul3A_5 : i32
    %add3A_7 = arith.constant 0 : i32
    %add3A_8 = arith.addi %mul3A_6, %add3A_7 : i32
    "tpu.region"() ({
      %run_scoped3A = tpu.sem_alloc : memref<!tpu.dma_semaphore, #tpu.memory_space<semaphore_mem>>
      %dma_start3A = arith.constant 0 : i32
      %dma_start3A_43 = arith.constant 0 : i32
      %dma_start3A_44 = tpu.memref_slice %arg10[%dma_start3A, %dma_start3A_43] : memref<128x128xf32, #tpu.memory_space<vmem>> -> memref<128x128xf32, #tpu.memory_space<vmem>>
      %dma_start3A_45 = arith.constant 0 : i32
      %dma_start3A_46 = tpu.memref_slice %arg11[%add3A_8, %dma_start3A_45] : memref<10240x128xf32, #tpu.memory_space<vmem_shared>> -> memref<128x128xf32, #tpu.memory_space<vmem_shared>>
      %dma_start3A_47 = arith.constant 0 : i32
      %dma_start3A_48 = tpu.memref_slice %arg11[%add3A_8, %dma_start3A_47] : memref<10240x128xf32, #tpu.memory_space<vmem_shared>> -> memref<128x128xf32, #tpu.memory_space<vmem_shared>>
      %dma_start3A_49 = arith.constant 0 : i32
      %dma_start3A_50 = arith.constant 0 : i32
      %dma_start3A_51 = tpu.memref_slice %arg10[%dma_start3A_49, %dma_start3A_50] : memref<128x128xf32, #tpu.memory_space<vmem>> -> memref<128x128xf32, #tpu.memory_space<vmem>>
      tpu.enqueue_dma source(%dma_start3A_51 : memref<128x128xf32, #tpu.memory_space<vmem>>) target(%dma_start3A_48 : memref<128x128xf32, #tpu.memory_space<vmem_shared>>) target_semaphore(%run_scoped3A : memref<!tpu.dma_semaphore, #tpu.memory_space<semaphore_mem>>)
      %dma_wait3A = arith.constant 0 : i32
      %dma_wait3A_52 = arith.constant 0 : i32
      %dma_wait3A_53 = tpu.memref_slice %arg10[%dma_wait3A, %dma_wait3A_52] : memref<128x128xf32, #tpu.memory_space<vmem>> -> memref<128x128xf32, #tpu.memory_space<vmem>>
      %dma_wait3A_54 = arith.constant 0 : i32
      %dma_wait3A_55 = tpu.memref_slice %arg11[%add3A_8, %dma_wait3A_54] : memref<10240x128xf32, #tpu.memory_space<vmem_shared>> -> memref<128x128xf32, #tpu.memory_space<vmem_shared>>
      %dma_wait3A_56 = arith.constant 0 : i32
      %dma_wait3A_57 = tpu.memref_slice %arg11[%add3A_8, %dma_wait3A_56] : memref<10240x128xf32, #tpu.memory_space<vmem_shared>> -> memref<128x128xf32, #tpu.memory_space<vmem_shared>>
      %dma_wait3A_58 = arith.constant 0 : i32
      %dma_wait3A_59 = arith.constant 0 : i32
      %dma_wait3A_60 = tpu.memref_slice %arg10[%dma_wait3A_58, %dma_wait3A_59] : memref<128x128xf32, #tpu.memory_space<vmem>> -> memref<128x128xf32, #tpu.memory_space<vmem>>
      tpu.wait_dma2 semaphore(%run_scoped3A : memref<!tpu.dma_semaphore, #tpu.memory_space<semaphore_mem>>) src(%dma_wait3A_60 : memref<128x128xf32, #tpu.memory_space<vmem>>) dst(%dma_wait3A_57 : memref<128x128xf32, #tpu.memory_space<vmem_shared>>)
      tpu.yield
    }) : () -> ()
    %add3A_9 = arith.constant 128 : i32
    %add3A_10 = arith.addi %mul3A_6, %add3A_9 : i32
    "tpu.region"() ({
      %run_scoped3A = tpu.sem_alloc : memref<!tpu.dma_semaphore, #tpu.memory_space<semaphore_mem>>
      %dma_start3A = arith.constant 0 : i32
      %dma_start3A_43 = arith.constant 0 : i32
      %dma_start3A_44 = tpu.memref_slice %arg10[%dma_start3A, %dma_start3A_43] : memref<128x128xf32, #tpu.memory_space<vmem>> -> memref<128x128xf32, #tpu.memory_space<vmem>>
      %dma_start3A_45 = arith.constant 0 : i32
      %dma_start3A_46 = tpu.memref_slice %arg11[%add3A_10, %dma_start3A_45] : memref<10240x128xf32, #tpu.memory_space<vmem_shared>> -> memref<128x128xf32, #tpu.memory_space<vmem_shared>>
      %dma_start3A_47 = arith.constant 0 : i32
      %dma_start3A_48 = tpu.memref_slice %arg11[%add3A_10, %dma_start3A_47] : memref<10240x128xf32, #tpu.memory_space<vmem_shared>> -> memref<128x128xf32, #tpu.memory_space<vmem_shared>>
      %dma_start3A_49 = arith.constant 0 : i32
      %dma_start3A_50 = arith.constant 0 : i32
      %dma_start3A_51 = tpu.memref_slice %arg10[%dma_start3A_49, %dma_start3A_50] : memref<128x128xf32, #tpu.memory_space<vmem>> -> memref<128x128xf32, #tpu.memory_space<vmem>>
      tpu.enqueue_dma source(%dma_start3A_51 : memref<128x128xf32, #tpu.memory_space<vmem>>) target(%dma_start3A_48 : memref<128x128xf32, #tpu.memory_space<vmem_shared>>) target_semaphore(%run_scoped3A : memref<!tpu.dma_semaphore, #tpu.memory_space<semaphore_mem>>)
      %dma_wait3A = arith.constant 0 : i32
      %dma_wait3A_52 = arith.constant 0 : i32
      %dma_wait3A_53 = tpu.memref_slice %arg10[%dma_wait3A, %dma_wait3A_52] : memref<128x128xf32, #tpu.memory_space<vmem>> -> memref<128x128xf32, #tpu.memory_space<vmem>>
      %dma_wait3A_54 = arith.constant 0 : i32
      %dma_wait3A_55 = tpu.memref_slice %arg11[%add3A_10, %dma_wait3A_54] : memref<10240x128xf32, #tpu.memory_space<vmem_shared>> -> memref<128x128xf32, #tpu.memory_space<vmem_shared>>
      %dma_wait3A_56 = arith.constant 0 : i32
      %dma_wait3A_57 = tpu.memref_slice %arg11[%add3A_10, %dma_wait3A_56] : memref<10240x128xf32, #tpu.memory_space<vmem_shared>> -> memref<128x128xf32, #tpu.memory_space<vmem_shared>>
      %dma_wait3A_58 = arith.constant 0 : i32
      %dma_wait3A_59 = arith.constant 0 : i32
      %dma_wait3A_60 = tpu.memref_slice %arg10[%dma_wait3A_58, %dma_wait3A_59] : memref<128x128xf32, #tpu.memory_space<vmem>> -> memref<128x128xf32, #tpu.memory_space<vmem>>
      tpu.wait_dma2 semaphore(%run_scoped3A : memref<!tpu.dma_semaphore, #tpu.memory_space<semaphore_mem>>) src(%dma_wait3A_60 : memref<128x128xf32, #tpu.memory_space<vmem>>) dst(%dma_wait3A_57 : memref<128x128xf32, #tpu.memory_space<vmem_shared>>)
      tpu.yield
    }) : () -> ()
    %add3A_11 = arith.constant 256 : i32
    %add3A_12 = arith.addi %mul3A_6, %add3A_11 : i32
    "tpu.region"() ({
      %run_scoped3A = tpu.sem_alloc : memref<!tpu.dma_semaphore, #tpu.memory_space<semaphore_mem>>
      %dma_start3A = arith.constant 0 : i32
      %dma_start3A_43 = arith.constant 0 : i32
      %dma_start3A_44 = tpu.memref_slice %arg10[%dma_start3A, %dma_start3A_43] : memref<128x128xf32, #tpu.memory_space<vmem>> -> memref<128x128xf32, #tpu.memory_space<vmem>>
      %dma_start3A_45 = arith.constant 0 : i32
      %dma_start3A_46 = tpu.memref_slice %arg11[%add3A_12, %dma_start3A_45] : memref<10240x128xf32, #tpu.memory_space<vmem_shared>> -> memref<128x128xf32, #tpu.memory_space<vmem_shared>>
      %dma_start3A_47 = arith.constant 0 : i32
      %dma_start3A_48 = tpu.memref_slice %arg11[%add3A_12, %dma_start3A_47] : memref<10240x128xf32, #tpu.memory_space<vmem_shared>> -> memref<128x128xf32, #tpu.memory_space<vmem_shared>>
      %dma_start3A_49 = arith.constant 0 : i32
      %dma_start3A_50 = arith.constant 0 : i32
      %dma_start3A_51 = tpu.memref_slice %arg10[%dma_start3A_49, %dma_start3A_50] : memref<128x128xf32, #tpu.memory_space<vmem>> -> memref<128x128xf32, #tpu.memory_space<vmem>>
      tpu.enqueue_dma source(%dma_start3A_51 : memref<128x128xf32, #tpu.memory_space<vmem>>) target(%dma_start3A_48 : memref<128x128xf32, #tpu.memory_space<vmem_shared>>) target_semaphore(%run_scoped3A : memref<!tpu.dma_semaphore, #tpu.memory_space<semaphore_mem>>)
      %dma_wait3A = arith.constant 0 : i32
      %dma_wait3A_52 = arith.constant 0 : i32
      %dma_wait3A_53 = tpu.memref_slice %arg10[%dma_wait3A, %dma_wait3A_52] : memref<128x128xf32, #tpu.memory_space<vmem>> -> memref<128x128xf32, #tpu.memory_space<vmem>>
      %dma_wait3A_54 = arith.constant 0 : i32
      %dma_wait3A_55 = tpu.memref_slice %arg11[%add3A_12, %dma_wait3A_54] : memref<10240x128xf32, #tpu.memory_space<vmem_shared>> -> memref<128x128xf32, #tpu.memory_space<vmem_shared>>
      %dma_wait3A_56 = arith.constant 0 : i32
      %dma_wait3A_57 = tpu.memref_slice %arg11[%add3A_12, %dma_wait3A_56] : memref<10240x128xf32, #tpu.memory_space<vmem_shared>> -> memref<128x128xf32, #tpu.memory_space<vmem_shared>>
      %dma_wait3A_58 = arith.constant 0 : i32
      %dma_wait3A_59 = arith.constant 0 : i32
      %dma_wait3A_60 = tpu.memref_slice %arg10[%dma_wait3A_58, %dma_wait3A_59] : memref<128x128xf32, #tpu.memory_space<vmem>> -> memref<128x128xf32, #tpu.memory_space<vmem>>
      tpu.wait_dma2 semaphore(%run_scoped3A : memref<!tpu.dma_semaphore, #tpu.memory_space<semaphore_mem>>) src(%dma_wait3A_60 : memref<128x128xf32, #tpu.memory_space<vmem>>) dst(%dma_wait3A_57 : memref<128x128xf32, #tpu.memory_space<vmem_shared>>)
      tpu.yield
    }) : () -> ()
    %add3A_13 = arith.constant 384 : i32
    %add3A_14 = arith.addi %mul3A_6, %add3A_13 : i32
    "tpu.region"() ({
      %run_scoped3A = tpu.sem_alloc : memref<!tpu.dma_semaphore, #tpu.memory_space<semaphore_mem>>
      %dma_start3A = arith.constant 0 : i32
      %dma_start3A_43 = arith.constant 0 : i32
      %dma_start3A_44 = tpu.memref_slice %arg10[%dma_start3A, %dma_start3A_43] : memref<128x128xf32, #tpu.memory_space<vmem>> -> memref<128x128xf32, #tpu.memory_space<vmem>>
      %dma_start3A_45 = arith.constant 0 : i32
      %dma_start3A_46 = tpu.memref_slice %arg11[%add3A_14, %dma_start3A_45] : memref<10240x128xf32, #tpu.memory_space<vmem_shared>> -> memref<128x128xf32, #tpu.memory_space<vmem_shared>>
      %dma_start3A_47 = arith.constant 0 : i32
      %dma_start3A_48 = tpu.memref_slice %arg11[%add3A_14, %dma_start3A_47] : memref<10240x128xf32, #tpu.memory_space<vmem_shared>> -> memref<128x128xf32, #tpu.memory_space<vmem_shared>>
      %dma_start3A_49 = arith.constant 0 : i32
      %dma_start3A_50 = arith.constant 0 : i32
      %dma_start3A_51 = tpu.memref_slice %arg10[%dma_start3A_49, %dma_start3A_50] : memref<128x128xf32, #tpu.memory_space<vmem>> -> memref<128x128xf32, #tpu.memory_space<vmem>>
      tpu.enqueue_dma source(%dma_start3A_51 : memref<128x128xf32, #tpu.memory_space<vmem>>) target(%dma_start3A_48 : memref<128x128xf32, #tpu.memory_space<vmem_shared>>) target_semaphore(%run_scoped3A : memref<!tpu.dma_semaphore, #tpu.memory_space<semaphore_mem>>)
      %dma_wait3A = arith.constant 0 : i32
      %dma_wait3A_52 = arith.constant 0 : i32
      %dma_wait3A_53 = tpu.memref_slice %arg10[%dma_wait3A, %dma_wait3A_52] : memref<128x128xf32, #tpu.memory_space<vmem>> -> memref<128x128xf32, #tpu.memory_space<vmem>>
      %dma_wait3A_54 = arith.constant 0 : i32
      %dma_wait3A_55 = tpu.memref_slice %arg11[%add3A_14, %dma_wait3A_54] : memref<10240x128xf32, #tpu.memory_space<vmem_shared>> -> memref<128x128xf32, #tpu.memory_space<vmem_shared>>
      %dma_wait3A_56 = arith.constant 0 : i32
      %dma_wait3A_57 = tpu.memref_slice %arg11[%add3A_14, %dma_wait3A_56] : memref<10240x128xf32, #tpu.memory_space<vmem_shared>> -> memref<128x128xf32, #tpu.memory_space<vmem_shared>>
      %dma_wait3A_58 = arith.constant 0 : i32
      %dma_wait3A_59 = arith.constant 0 : i32
      %dma_wait3A_60 = tpu.memref_slice %arg10[%dma_wait3A_58, %dma_wait3A_59] : memref<128x128xf32, #tpu.memory_space<vmem>> -> memref<128x128xf32, #tpu.memory_space<vmem>>
      tpu.wait_dma2 semaphore(%run_scoped3A : memref<!tpu.dma_semaphore, #tpu.memory_space<semaphore_mem>>) src(%dma_wait3A_60 : memref<128x128xf32, #tpu.memory_space<vmem>>) dst(%dma_wait3A_57 : memref<128x128xf32, #tpu.memory_space<vmem_shared>>)
      tpu.yield
    }) : () -> ()
    %add3A_15 = arith.constant 512 : i32
    %add3A_16 = arith.addi %mul3A_6, %add3A_15 : i32
    "tpu.region"() ({
      %run_scoped3A = tpu.sem_alloc : memref<!tpu.dma_semaphore, #tpu.memory_space<semaphore_mem>>
      %dma_start3A = arith.constant 0 : i32
      %dma_start3A_43 = arith.constant 0 : i32
      %dma_start3A_44 = tpu.memref_slice %arg10[%dma_start3A, %dma_start3A_43] : memref<128x128xf32, #tpu.memory_space<vmem>> -> memref<128x128xf32, #tpu.memory_space<vmem>>
      %dma_start3A_45 = arith.constant 0 : i32
      %dma_start3A_46 = tpu.memref_slice %arg11[%add3A_16, %dma_start3A_45] : memref<10240x128xf32, #tpu.memory_space<vmem_shared>> -> memref<128x128xf32, #tpu.memory_space<vmem_shared>>
      %dma_start3A_47 = arith.constant 0 : i32
      %dma_start3A_48 = tpu.memref_slice %arg11[%add3A_16, %dma_start3A_47] : memref<10240x128xf32, #tpu.memory_space<vmem_shared>> -> memref<128x128xf32, #tpu.memory_space<vmem_shared>>
      %dma_start3A_49 = arith.constant 0 : i32
      %dma_start3A_50 = arith.constant 0 : i32
      %dma_start3A_51 = tpu.memref_slice %arg10[%dma_start3A_49, %dma_start3A_50] : memref<128x128xf32, #tpu.memory_space<vmem>> -> memref<128x128xf32, #tpu.memory_space<vmem>>
      tpu.enqueue_dma source(%dma_start3A_51 : memref<128x128xf32, #tpu.memory_space<vmem>>) target(%dma_start3A_48 : memref<128x128xf32, #tpu.memory_space<vmem_shared>>) target_semaphore(%run_scoped3A : memref<!tpu.dma_semaphore, #tpu.memory_space<semaphore_mem>>)
      %dma_wait3A = arith.constant 0 : i32
      %dma_wait3A_52 = arith.constant 0 : i32
      %dma_wait3A_53 = tpu.memref_slice %arg10[%dma_wait3A, %dma_wait3A_52] : memref<128x128xf32, #tpu.memory_space<vmem>> -> memref<128x128xf32, #tpu.memory_space<vmem>>
      %dma_wait3A_54 = arith.constant 0 : i32
      %dma_wait3A_55 = tpu.memref_slice %arg11[%add3A_16, %dma_wait3A_54] : memref<10240x128xf32, #tpu.memory_space<vmem_shared>> -> memref<128x128xf32, #tpu.memory_space<vmem_shared>>
      %dma_wait3A_56 = arith.constant 0 : i32
      %dma_wait3A_57 = tpu.memref_slice %arg11[%add3A_16, %dma_wait3A_56] : memref<10240x128xf32, #tpu.memory_space<vmem_shared>> -> memref<128x128xf32, #tpu.memory_space<vmem_shared>>
      %dma_wait3A_58 = arith.constant 0 : i32
      %dma_wait3A_59 = arith.constant 0 : i32
      %dma_wait3A_60 = tpu.memref_slice %arg10[%dma_wait3A_58, %dma_wait3A_59] : memref<128x128xf32, #tpu.memory_space<vmem>> -> memref<128x128xf32, #tpu.memory_space<vmem>>
      tpu.wait_dma2 semaphore(%run_scoped3A : memref<!tpu.dma_semaphore, #tpu.memory_space<semaphore_mem>>) src(%dma_wait3A_60 : memref<128x128xf32, #tpu.memory_space<vmem>>) dst(%dma_wait3A_57 : memref<128x128xf32, #tpu.memory_space<vmem_shared>>)
      tpu.yield
    }) : () -> ()
    %barrier3A = arith.constant 0 : index
    tpu.barrier barrier_id(%barrier3A)
    %scan3A_17 = arith.constant 0 : i32
    %scan3A_18 = arith.constant 79 : i32
    %scan3A_19 = arith.addi %scan3A_17, %scan3A_18 : i32
    %scan3A_20 = arith.constant 1 : i32
    scf.for %scan3A_43 = %scan3A_17 to %scan3A_19 step %scan3A_20  : i32 {
      %mul3A_44 = arith.constant 1 : i32
      %mul3A_45 = arith.muli %scan3A_43, %mul3A_44 : i32
      %add3A_46 = arith.constant 0 : i32
      %add3A_47 = arith.addi %add3A_46, %mul3A_45 : i32
      "tpu.region"() ({
        %run_scoped3A = tpu.sem_alloc : memref<!tpu.dma_semaphore, #tpu.memory_space<semaphore_mem>>
        %dma_start3A = arith.constant 0 : i32
        %dma_start3A_53 = tpu.memref_slice %arg7[%add3A_47, %dma_start3A] : memref<79x128xi32, #tpu.memory_space<vmem>> -> memref<1x128xi32, #tpu.memory_space<vmem>>
        %dma_start3A_54 = tpu.memref_squeeze %dma_start3A_53 : memref<1x128xi32, #tpu.memory_space<vmem>> -> memref<128xi32, #tpu.memory_space<vmem>>
        %dma_start3A_55 = arith.constant 0 : i32
        %dma_start3A_56 = arith.constant 0 : i32
        %dma_start3A_57 = tpu.memref_slice %arg2[%dma_start3A_55, %dma_start3A_56] : memref<10240x128xf32, #tpu.memory_space<hbm>> -> memref<10240x128xf32, #tpu.memory_space<hbm>>
        tpu.enqueue_indirect_dma source(%dma_start3A_57 : memref<10240x128xf32, #tpu.memory_space<hbm>>) target(%arg10 : memref<128x128xf32, #tpu.memory_space<vmem>>) offsets(%dma_start3A_54 : memref<128xi32, #tpu.memory_space<vmem>>) semaphore(%run_scoped3A : memref<!tpu.dma_semaphore, #tpu.memory_space<semaphore_mem>>)
        %dma_wait3A = arith.constant 0 : i32
        %dma_wait3A_58 = tpu.memref_slice %arg7[%add3A_47, %dma_wait3A] : memref<79x128xi32, #tpu.memory_space<vmem>> -> memref<1x128xi32, #tpu.memory_space<vmem>>
        %dma_wait3A_59 = tpu.memref_squeeze %dma_wait3A_58 : memref<1x128xi32, #tpu.memory_space<vmem>> -> memref<128xi32, #tpu.memory_space<vmem>>
        %dma_wait3A_60 = arith.constant 0 : i32
        %dma_wait3A_61 = arith.constant 0 : i32
        %dma_wait3A_62 = tpu.memref_slice %arg2[%dma_wait3A_60, %dma_wait3A_61] : memref<10240x128xf32, #tpu.memory_space<hbm>> -> memref<10240x128xf32, #tpu.memory_space<hbm>>
        tpu.wait_indirect_dma semaphore(%run_scoped3A : memref<!tpu.dma_semaphore, #tpu.memory_space<semaphore_mem>>) src(%dma_wait3A_62 : memref<10240x128xf32, #tpu.memory_space<hbm>>) dst(%arg10 : memref<128x128xf32, #tpu.memory_space<vmem>>)
        tpu.yield
      }) : () -> ()
      %scan3A_48 = arith.constant 0 : i32
      %scan3A_49 = arith.constant 128 : i32
      %scan3A_50 = arith.addi %scan3A_48, %scan3A_49 : i32
      %scan3A_51 = arith.constant 1 : i32
      scf.for %scan3A_53 = %scan3A_48 to %scan3A_50 step %scan3A_51  : i32 {
        %mul3A_54 = arith.constant 1 : i32
        %mul3A_55 = arith.muli %scan3A_53, %mul3A_54 : i32
        %add3A_56 = arith.constant 0 : i32
        %add3A_57 = arith.addi %add3A_56, %mul3A_55 : i32
        %broadcast_in_dim3A = vector.broadcast %add3A_47 : i32 to vector<16xi32>
        %broadcast_in_dim3A_58 = vector.broadcast %add3A_57 : i32 to vector<16xi32>
        %gather3A = tpu.vector_load_idx %arg9[%broadcast_in_dim3A, %broadcast_in_dim3A_58] : memref<79x128xf32, #tpu.memory_space<vmem>>[vector<16xi32>, vector<16xi32>], vector<16xf32>,
        %get3A = arith.index_cast %add3A_57 : i32 to index
        %get3A_59 = arith.constant 0 : index
        %get3A_60 = tpu.vector_load %arg10[%get3A, %get3A_59] {strides = array<i32>} : memref<128x128xf32, #tpu.memory_space<vmem>>, vector<16xf32>,
        %mul3A_61 = arith.mulf %get3A_60, %gather3A : vector<16xf32>
        %swap3A = arith.index_cast %add3A_57 : i32 to index
        %swap3A_62 = arith.constant 0 : index
        %swap3A_63 = tpu.vector_load %arg10[%swap3A, %swap3A_62] {strides = array<i32>} : memref<128x128xf32, #tpu.memory_space<vmem>>, vector<16xf32>,
        tpu.vector_store %arg10[%swap3A, %swap3A_62], %mul3A_61 {strides = array<i32>} : memref<128x128xf32, #tpu.memory_space<vmem>>, vector<16xf32>,
        %get3A_64 = arith.index_cast %add3A_57 : i32 to index
        %get3A_65 = arith.constant 16 : index
        %get3A_66 = tpu.vector_load %arg10[%get3A_64, %get3A_65] {strides = array<i32>} : memref<128x128xf32, #tpu.memory_space<vmem>>, vector<16xf32>,
        %mul3A_67 = arith.mulf %get3A_66, %gather3A : vector<16xf32>
        %swap3A_68 = arith.index_cast %add3A_57 : i32 to index
        %swap3A_69 = arith.constant 16 : index
        %swap3A_70 = tpu.vector_load %arg10[%swap3A_68, %swap3A_69] {strides = array<i32>} : memref<128x128xf32, #tpu.memory_space<vmem>>, vector<16xf32>,
        tpu.vector_store %arg10[%swap3A_68, %swap3A_69], %mul3A_67 {strides = array<i32>} : memref<128x128xf32, #tpu.memory_space<vmem>>, vector<16xf32>,
        %get3A_71 = arith.index_cast %add3A_57 : i32 to index
        %get3A_72 = arith.constant 32 : index
        %get3A_73 = tpu.vector_load %arg10[%get3A_71, %get3A_72] {strides = array<i32>} : memref<128x128xf32, #tpu.memory_space<vmem>>, vector<16xf32>,
        %mul3A_74 = arith.mulf %get3A_73, %gather3A : vector<16xf32>
        %swap3A_75 = arith.index_cast %add3A_57 : i32 to index
        %swap3A_76 = arith.constant 32 : index
        %swap3A_77 = tpu.vector_load %arg10[%swap3A_75, %swap3A_76] {strides = array<i32>} : memref<128x128xf32, #tpu.memory_space<vmem>>, vector<16xf32>,
        tpu.vector_store %arg10[%swap3A_75, %swap3A_76], %mul3A_74 {strides = array<i32>} : memref<128x128xf32, #tpu.memory_space<vmem>>, vector<16xf32>,
        %get3A_78 = arith.index_cast %add3A_57 : i32 to index
        %get3A_79 = arith.constant 48 : index
        %get3A_80 = tpu.vector_load %arg10[%get3A_78, %get3A_79] {strides = array<i32>} : memref<128x128xf32, #tpu.memory_space<vmem>>, vector<16xf32>,
        %mul3A_81 = arith.mulf %get3A_80, %gather3A : vector<16xf32>
        %swap3A_82 = arith.index_cast %add3A_57 : i32 to index
        %swap3A_83 = arith.constant 48 : index
        %swap3A_84 = tpu.vector_load %arg10[%swap3A_82, %swap3A_83] {strides = array<i32>} : memref<128x128xf32, #tpu.memory_space<vmem>>, vector<16xf32>,
        tpu.vector_store %arg10[%swap3A_82, %swap3A_83], %mul3A_81 {strides = array<i32>} : memref<128x128xf32, #tpu.memory_space<vmem>>, vector<16xf32>,
        %get3A_85 = arith.index_cast %add3A_57 : i32 to index
        %get3A_86 = arith.constant 64 : index
        %get3A_87 = tpu.vector_load %arg10[%get3A_85, %get3A_86] {strides = array<i32>} : memref<128x128xf32, #tpu.memory_space<vmem>>, vector<16xf32>,
        %mul3A_88 = arith.mulf %get3A_87, %gather3A : vector<16xf32>
        %swap3A_89 = arith.index_cast %add3A_57 : i32 to index
        %swap3A_90 = arith.constant 64 : index
        %swap3A_91 = tpu.vector_load %arg10[%swap3A_89, %swap3A_90] {strides = array<i32>} : memref<128x128xf32, #tpu.memory_space<vmem>>, vector<16xf32>,
        tpu.vector_store %arg10[%swap3A_89, %swap3A_90], %mul3A_88 {strides = array<i32>} : memref<128x128xf32, #tpu.memory_space<vmem>>, vector<16xf32>,
        %get3A_92 = arith.index_cast %add3A_57 : i32 to index
        %get3A_93 = arith.constant 80 : index
        %get3A_94 = tpu.vector_load %arg10[%get3A_92, %get3A_93] {strides = array<i32>} : memref<128x128xf32, #tpu.memory_space<vmem>>, vector<16xf32>,
        %mul3A_95 = arith.mulf %get3A_94, %gather3A : vector<16xf32>
        %swap3A_96 = arith.index_cast %add3A_57 : i32 to index
        %swap3A_97 = arith.constant 80 : index
        %swap3A_98 = tpu.vector_load %arg10[%swap3A_96, %swap3A_97] {strides = array<i32>} : memref<128x128xf32, #tpu.memory_space<vmem>>, vector<16xf32>,
        tpu.vector_store %arg10[%swap3A_96, %swap3A_97], %mul3A_95 {strides = array<i32>} : memref<128x128xf32, #tpu.memory_space<vmem>>, vector<16xf32>,
        %get3A_99 = arith.index_cast %add3A_57 : i32 to index
        %get3A_100 = arith.constant 96 : index
        %get3A_101 = tpu.vector_load %arg10[%get3A_99, %get3A_100] {strides = array<i32>} : memref<128x128xf32, #tpu.memory_space<vmem>>, vector<16xf32>,
        %mul3A_102 = arith.mulf %get3A_101, %gather3A : vector<16xf32>
        %swap3A_103 = arith.index_cast %add3A_57 : i32 to index
        %swap3A_104 = arith.constant 96 : index
        %swap3A_105 = tpu.vector_load %arg10[%swap3A_103, %swap3A_104] {strides = array<i32>} : memref<128x128xf32, #tpu.memory_space<vmem>>, vector<16xf32>,
        tpu.vector_store %arg10[%swap3A_103, %swap3A_104], %mul3A_102 {strides = array<i32>} : memref<128x128xf32, #tpu.memory_space<vmem>>, vector<16xf32>,
        %get3A_106 = arith.index_cast %add3A_57 : i32 to index
        %get3A_107 = arith.constant 112 : index
        %get3A_108 = tpu.vector_load %arg10[%get3A_106, %get3A_107] {strides = array<i32>} : memref<128x128xf32, #tpu.memory_space<vmem>>, vector<16xf32>,
        %mul3A_109 = arith.mulf %get3A_108, %gather3A : vector<16xf32>
        %swap3A_110 = arith.index_cast %add3A_57 : i32 to index
        %swap3A_111 = arith.constant 112 : index
        %swap3A_112 = tpu.vector_load %arg10[%swap3A_110, %swap3A_111] {strides = array<i32>} : memref<128x128xf32, #tpu.memory_space<vmem>>, vector<16xf32>,
        tpu.vector_store %arg10[%swap3A_110, %swap3A_111], %mul3A_109 {strides = array<i32>} : memref<128x128xf32, #tpu.memory_space<vmem>>, vector<16xf32>,
      }
      %scan3A_52 = arith.constant 128 : i32
      "tpu.region"() ({
        %run_scoped3A = tpu.sem_alloc : memref<!tpu.dma_semaphore, #tpu.memory_space<semaphore_mem>>
        %dma_start3A = arith.constant 0 : i32
        %dma_start3A_53 = tpu.memref_slice %arg8[%add3A_47, %dma_start3A] : memref<79x128xi32, #tpu.memory_space<vmem>> -> memref<1x128xi32, #tpu.memory_space<vmem>>
        %dma_start3A_54 = tpu.memref_squeeze %dma_start3A_53 : memref<1x128xi32, #tpu.memory_space<vmem>> -> memref<128xi32, #tpu.memory_space<vmem>>
        %dma_start3A_55 = arith.constant 0 : i32
        %dma_start3A_56 = arith.constant 0 : i32
        %dma_start3A_57 = tpu.memref_slice %arg11[%dma_start3A_55, %dma_start3A_56] : memref<10240x128xf32, #tpu.memory_space<vmem_shared>> -> memref<10240x128xf32, #tpu.memory_space<vmem_shared>>
        tpu.enqueue_indirect_dma source(%arg10 : memref<128x128xf32, #tpu.memory_space<vmem>>) target(%dma_start3A_57 : memref<10240x128xf32, #tpu.memory_space<vmem_shared>>) offsets(%dma_start3A_54 : memref<128xi32, #tpu.memory_space<vmem>>) semaphore(%run_scoped3A : memref<!tpu.dma_semaphore, #tpu.memory_space<semaphore_mem>>) {add = true}
        %dma_wait3A = arith.constant 0 : i32
        %dma_wait3A_58 = tpu.memref_slice %arg8[%add3A_47, %dma_wait3A] : memref<79x128xi32, #tpu.memory_space<vmem>> -> memref<1x128xi32, #tpu.memory_space<vmem>>
        %dma_wait3A_59 = tpu.memref_squeeze %dma_wait3A_58 : memref<1x128xi32, #tpu.memory_space<vmem>> -> memref<128xi32, #tpu.memory_space<vmem>>
        %dma_wait3A_60 = arith.constant 0 : i32
        %dma_wait3A_61 = arith.constant 0 : i32
        %dma_wait3A_62 = tpu.memref_slice %arg11[%dma_wait3A_60, %dma_wait3A_61] : memref<10240x128xf32, #tpu.memory_space<vmem_shared>> -> memref<10240x128xf32, #tpu.memory_space<vmem_shared>>
        tpu.wait_indirect_dma semaphore(%run_scoped3A : memref<!tpu.dma_semaphore, #tpu.memory_space<semaphore_mem>>) src(%arg10 : memref<128x128xf32, #tpu.memory_space<vmem>>) dst(%dma_wait3A_62 : memref<10240x128xf32, #tpu.memory_space<vmem_shared>>)
        tpu.yield
      }) : () -> ()
    }
    %scan3A_21 = arith.constant 79 : i32
    %barrier3A_22 = arith.constant 0 : index
    tpu.barrier barrier_id(%barrier3A_22)
    %add3A_23 = arith.constant 0 : i32
    %add3A_24 = arith.addi %mul3A_6, %add3A_23 : i32
    %add3A_25 = arith.constant 0 : i32
    %add3A_26 = arith.addi %mul3A_6, %add3A_25 : i32
    "tpu.region"() ({
      %run_scoped3A = tpu.sem_alloc : memref<!tpu.dma_semaphore, #tpu.memory_space<semaphore_mem>>
      %dma_start3A = arith.constant 0 : i32
      %dma_start3A_43 = tpu.memref_slice %arg6[%arg0, %add3A_26, %dma_start3A] : memref<2x10240x128xf32, #tpu.memory_space<hbm>> -> memref<1x128x128xf32, #tpu.memory_space<hbm>>
      %dma_start3A_44 = tpu.memref_squeeze %dma_start3A_43 : memref<1x128x128xf32, #tpu.memory_space<hbm>> -> memref<128x128xf32, #tpu.memory_space<hbm>>
      %dma_start3A_45 = arith.constant 0 : i32
      %dma_start3A_46 = tpu.memref_slice %arg11[%add3A_24, %dma_start3A_45] : memref<10240x128xf32, #tpu.memory_space<vmem_shared>> -> memref<128x128xf32, #tpu.memory_space<vmem_shared>>
      tpu.enqueue_dma source(%dma_start3A_46 : memref<128x128xf32, #tpu.memory_space<vmem_shared>>) target(%dma_start3A_44 : memref<128x128xf32, #tpu.memory_space<hbm>>) target_semaphore(%run_scoped3A : memref<!tpu.dma_semaphore, #tpu.memory_space<semaphore_mem>>)
      %dma_wait3A = arith.constant 0 : i32
      %dma_wait3A_47 = tpu.memref_slice %arg6[%arg0, %add3A_26, %dma_wait3A] : memref<2x10240x128xf32, #tpu.memory_space<hbm>> -> memref<1x128x128xf32, #tpu.memory_space<hbm>>
      %dma_wait3A_48 = tpu.memref_squeeze %dma_wait3A_47 : memref<1x128x128xf32, #tpu.memory_space<hbm>> -> memref<128x128xf32, #tpu.memory_space<hbm>>
      %dma_wait3A_49 = arith.constant 0 : i32
      %dma_wait3A_50 = tpu.memref_slice %arg11[%add3A_24, %dma_wait3A_49] : memref<10240x128xf32, #tpu.memory_space<vmem_shared>> -> memref<128x128xf32, #tpu.memory_space<vmem_shared>>
      tpu.wait_dma2 semaphore(%run_scoped3A : memref<!tpu.dma_semaphore, #tpu.memory_space<semaphore_mem>>) src(%dma_wait3A_50 : memref<128x128xf32, #tpu.memory_space<vmem_shared>>) dst(%dma_wait3A_48 : memref<128x128xf32, #tpu.memory_space<hbm>>)
      tpu.yield
    }) : () -> ()
    %add3A_27 = arith.constant 128 : i32
    %add3A_28 = arith.addi %mul3A_6, %add3A_27 : i32
    %add3A_29 = arith.constant 128 : i32
    %add3A_30 = arith.addi %mul3A_6, %add3A_29 : i32
    "tpu.region"() ({
      %run_scoped3A = tpu.sem_alloc : memref<!tpu.dma_semaphore, #tpu.memory_space<semaphore_mem>>
      %dma_start3A = arith.constant 0 : i32
      %dma_start3A_43 = tpu.memref_slice %arg6[%arg0, %add3A_30, %dma_start3A] : memref<2x10240x128xf32, #tpu.memory_space<hbm>> -> memref<1x128x128xf32, #tpu.memory_space<hbm>>
      %dma_start3A_44 = tpu.memref_squeeze %dma_start3A_43 : memref<1x128x128xf32, #tpu.memory_space<hbm>> -> memref<128x128xf32, #tpu.memory_space<hbm>>
      %dma_start3A_45 = arith.constant 0 : i32
      %dma_start3A_46 = tpu.memref_slice %arg11[%add3A_28, %dma_start3A_45] : memref<10240x128xf32, #tpu.memory_space<vmem_shared>> -> memref<128x128xf32, #tpu.memory_space<vmem_shared>>
      tpu.enqueue_dma source(%dma_start3A_46 : memref<128x128xf32, #tpu.memory_space<vmem_shared>>) target(%dma_start3A_44 : memref<128x128xf32, #tpu.memory_space<hbm>>) target_semaphore(%run_scoped3A : memref<!tpu.dma_semaphore, #tpu.memory_space<semaphore_mem>>)
      %dma_wait3A = arith.constant 0 : i32
      %dma_wait3A_47 = tpu.memref_slice %arg6[%arg0, %add3A_30, %dma_wait3A] : memref<2x10240x128xf32, #tpu.memory_space<hbm>> -> memref<1x128x128xf32, #tpu.memory_space<hbm>>
      %dma_wait3A_48 = tpu.memref_squeeze %dma_wait3A_47 : memref<1x128x128xf32, #tpu.memory_space<hbm>> -> memref<128x128xf32, #tpu.memory_space<hbm>>
      %dma_wait3A_49 = arith.constant 0 : i32
      %dma_wait3A_50 = tpu.memref_slice %arg11[%add3A_28, %dma_wait3A_49] : memref<10240x128xf32, #tpu.memory_space<vmem_shared>> -> memref<128x128xf32, #tpu.memory_space<vmem_shared>>
      tpu.wait_dma2 semaphore(%run_scoped3A : memref<!tpu.dma_semaphore, #tpu.memory_space<semaphore_mem>>) src(%dma_wait3A_50 : memref<128x128xf32, #tpu.memory_space<vmem_shared>>) dst(%dma_wait3A_48 : memref<128x128xf32, #tpu.memory_space<hbm>>)
      tpu.yield
    }) : () -> ()
    %add3A_31 = arith.constant 256 : i32
    %add3A_32 = arith.addi %mul3A_6, %add3A_31 : i32
    %add3A_33 = arith.constant 256 : i32
    %add3A_34 = arith.addi %mul3A_6, %add3A_33 : i32
    "tpu.region"() ({
      %run_scoped3A = tpu.sem_alloc : memref<!tpu.dma_semaphore, #tpu.memory_space<semaphore_mem>>
      %dma_start3A = arith.constant 0 : i32
      %dma_start3A_43 = tpu.memref_slice %arg6[%arg0, %add3A_34, %dma_start3A] : memref<2x10240x128xf32, #tpu.memory_space<hbm>> -> memref<1x128x128xf32, #tpu.memory_space<hbm>>
      %dma_start3A_44 = tpu.memref_squeeze %dma_start3A_43 : memref<1x128x128xf32, #tpu.memory_space<hbm>> -> memref<128x128xf32, #tpu.memory_space<hbm>>
      %dma_start3A_45 = arith.constant 0 : i32
      %dma_start3A_46 = tpu.memref_slice %arg11[%add3A_32, %dma_start3A_45] : memref<10240x128xf32, #tpu.memory_space<vmem_shared>> -> memref<128x128xf32, #tpu.memory_space<vmem_shared>>
      tpu.enqueue_dma source(%dma_start3A_46 : memref<128x128xf32, #tpu.memory_space<vmem_shared>>) target(%dma_start3A_44 : memref<128x128xf32, #tpu.memory_space<hbm>>) target_semaphore(%run_scoped3A : memref<!tpu.dma_semaphore, #tpu.memory_space<semaphore_mem>>)
      %dma_wait3A = arith.constant 0 : i32
      %dma_wait3A_47 = tpu.memref_slice %arg6[%arg0, %add3A_34, %dma_wait3A] : memref<2x10240x128xf32, #tpu.memory_space<hbm>> -> memref<1x128x128xf32, #tpu.memory_space<hbm>>
      %dma_wait3A_48 = tpu.memref_squeeze %dma_wait3A_47 : memref<1x128x128xf32, #tpu.memory_space<hbm>> -> memref<128x128xf32, #tpu.memory_space<hbm>>
      %dma_wait3A_49 = arith.constant 0 : i32
      %dma_wait3A_50 = tpu.memref_slice %arg11[%add3A_32, %dma_wait3A_49] : memref<10240x128xf32, #tpu.memory_space<vmem_shared>> -> memref<128x128xf32, #tpu.memory_space<vmem_shared>>
      tpu.wait_dma2 semaphore(%run_scoped3A : memref<!tpu.dma_semaphore, #tpu.memory_space<semaphore_mem>>) src(%dma_wait3A_50 : memref<128x128xf32, #tpu.memory_space<vmem_shared>>) dst(%dma_wait3A_48 : memref<128x128xf32, #tpu.memory_space<hbm>>)
      tpu.yield
    }) : () -> ()
    %add3A_35 = arith.constant 384 : i32
    %add3A_36 = arith.addi %mul3A_6, %add3A_35 : i32
    %add3A_37 = arith.constant 384 : i32
    %add3A_38 = arith.addi %mul3A_6, %add3A_37 : i32
    "tpu.region"() ({
      %run_scoped3A = tpu.sem_alloc : memref<!tpu.dma_semaphore, #tpu.memory_space<semaphore_mem>>
      %dma_start3A = arith.constant 0 : i32
      %dma_start3A_43 = tpu.memref_slice %arg6[%arg0, %add3A_38, %dma_start3A] : memref<2x10240x128xf32, #tpu.memory_space<hbm>> -> memref<1x128x128xf32, #tpu.memory_space<hbm>>
      %dma_start3A_44 = tpu.memref_squeeze %dma_start3A_43 : memref<1x128x128xf32, #tpu.memory_space<hbm>> -> memref<128x128xf32, #tpu.memory_space<hbm>>
      %dma_start3A_45 = arith.constant 0 : i32
      %dma_start3A_46 = tpu.memref_slice %arg11[%add3A_36, %dma_start3A_45] : memref<10240x128xf32, #tpu.memory_space<vmem_shared>> -> memref<128x128xf32, #tpu.memory_space<vmem_shared>>
      tpu.enqueue_dma source(%dma_start3A_46 : memref<128x128xf32, #tpu.memory_space<vmem_shared>>) target(%dma_start3A_44 : memref<128x128xf32, #tpu.memory_space<hbm>>) target_semaphore(%run_scoped3A : memref<!tpu.dma_semaphore, #tpu.memory_space<semaphore_mem>>)
      %dma_wait3A = arith.constant 0 : i32
      %dma_wait3A_47 = tpu.memref_slice %arg6[%arg0, %add3A_38, %dma_wait3A] : memref<2x10240x128xf32, #tpu.memory_space<hbm>> -> memref<1x128x128xf32, #tpu.memory_space<hbm>>
      %dma_wait3A_48 = tpu.memref_squeeze %dma_wait3A_47 : memref<1x128x128xf32, #tpu.memory_space<hbm>> -> memref<128x128xf32, #tpu.memory_space<hbm>>
      %dma_wait3A_49 = arith.constant 0 : i32
      %dma_wait3A_50 = tpu.memref_slice %arg11[%add3A_36, %dma_wait3A_49] : memref<10240x128xf32, #tpu.memory_space<vmem_shared>> -> memref<128x128xf32, #tpu.memory_space<vmem_shared>>
      tpu.wait_dma2 semaphore(%run_scoped3A : memref<!tpu.dma_semaphore, #tpu.memory_space<semaphore_mem>>) src(%dma_wait3A_50 : memref<128x128xf32, #tpu.memory_space<vmem_shared>>) dst(%dma_wait3A_48 : memref<128x128xf32, #tpu.memory_space<hbm>>)
      tpu.yield
    }) : () -> ()
    %add3A_39 = arith.constant 512 : i32
    %add3A_40 = arith.addi %mul3A_6, %add3A_39 : i32
    %add3A_41 = arith.constant 512 : i32
    %add3A_42 = arith.addi %mul3A_6, %add3A_41 : i32
    "tpu.region"() ({
      %run_scoped3A = tpu.sem_alloc : memref<!tpu.dma_semaphore, #tpu.memory_space<semaphore_mem>>
      %dma_start3A = arith.constant 0 : i32
      %dma_start3A_43 = tpu.memref_slice %arg6[%arg0, %add3A_42, %dma_start3A] : memref<2x10240x128xf32, #tpu.memory_space<hbm>> -> memref<1x128x128xf32, #tpu.memory_space<hbm>>
      %dma_start3A_44 = tpu.memref_squeeze %dma_start3A_43 : memref<1x128x128xf32, #tpu.memory_space<hbm>> -> memref<128x128xf32, #tpu.memory_space<hbm>>
      %dma_start3A_45 = arith.constant 0 : i32
      %dma_start3A_46 = tpu.memref_slice %arg11[%add3A_40, %dma_start3A_45] : memref<10240x128xf32, #tpu.memory_space<vmem_shared>> -> memref<128x128xf32, #tpu.memory_space<vmem_shared>>
      tpu.enqueue_dma source(%dma_start3A_46 : memref<128x128xf32, #tpu.memory_space<vmem_shared>>) target(%dma_start3A_44 : memref<128x128xf32, #tpu.memory_space<hbm>>) target_semaphore(%run_scoped3A : memref<!tpu.dma_semaphore, #tpu.memory_space<semaphore_mem>>)
      %dma_wait3A = arith.constant 0 : i32
      %dma_wait3A_47 = tpu.memref_slice %arg6[%arg0, %add3A_42, %dma_wait3A] : memref<2x10240x128xf32, #tpu.memory_space<hbm>> -> memref<1x128x128xf32, #tpu.memory_space<hbm>>
      %dma_wait3A_48 = tpu.memref_squeeze %dma_wait3A_47 : memref<1x128x128xf32, #tpu.memory_space<hbm>> -> memref<128x128xf32, #tpu.memory_space<hbm>>
      %dma_wait3A_49 = arith.constant 0 : i32
      %dma_wait3A_50 = tpu.memref_slice %arg11[%add3A_40, %dma_wait3A_49] : memref<10240x128xf32, #tpu.memory_space<vmem_shared>> -> memref<128x128xf32, #tpu.memory_space<vmem_shared>>
      tpu.wait_dma2 semaphore(%run_scoped3A : memref<!tpu.dma_semaphore, #tpu.memory_space<semaphore_mem>>) src(%dma_wait3A_50 : memref<128x128xf32, #tpu.memory_space<vmem_shared>>) dst(%dma_wait3A_48 : memref<128x128xf32, #tpu.memory_space<hbm>>)
      tpu.yield
    }) : () -> ()
    return
  }
}

#map = affine_map<(d0, d1) -> (0, 0)>
#map1 = affine_map<(d0, d1) -> (0, 0, 0)>
module attributes {stable_mosaic.version = 14 : i64} {
  func.func @layer(%arg0: i32, %arg1: i32, %arg2: memref<10240x128xf32, #tpu.memory_space<hbm>>, %arg3: memref<32x79x128xi32, #tpu.memory_space<hbm>>, %arg4: memref<32x79x128xi32, #tpu.memory_space<hbm>>, %arg5: memref<32x79x128xf32, #tpu.memory_space<hbm>>, %arg6: memref<2x10240x128xf32, #tpu.memory_space<hbm>>, %arg7: memref<79x128xi32, #tpu.memory_space<vmem>>, %arg8: memref<79x128xi32, #tpu.memory_space<vmem>>, %arg9: memref<79x128xf32, #tpu.memory_space<vmem>>, %arg10: memref<128x128xf32, #tpu.memory_space<vmem>>, %arg11: memref<10240x128xf32, #tpu.memory_space<vmem_shared>>) attributes {dimension_semantics = [#tpu.dimension_semantics<core_parallel>, #tpu.dimension_semantics<subcore_parallel>], iteration_bounds = array<i64: 2, 16>, scalar_prefetch = 0 : i64, scratch_operands = 5 : i64, tpu.core_type = #tpu.core_type<sc_vector_subcore>, window_params = [{transform_indices = #map}, {transform_indices = #map1}, {transform_indices = #map1}, {transform_indices = #map1}, {transform_indices = #map1}]} {
    %mul3A = arith.constant 16 : i32
    %mul3A_0 = arith.muli %arg0, %mul3A : i32
    %add3A = arith.addi %mul3A_0, %arg1 : i32
    "tpu.region"() ({
      %run_scoped3A = tpu.sem_alloc : memref<!tpu.dma_semaphore, #tpu.memory_space<semaphore_mem>>
      %dma_start3A = arith.constant 0 : i32
      %dma_start3A_43 = arith.constant 0 : i32
      %dma_start3A_44 = tpu.memref_slice %arg3[%add3A, %dma_start3A, %dma_start3A_43] : memref<32x79x128xi32, #tpu.memory_space<hbm>> -> memref<1x79x128xi32, #tpu.memory_space<hbm>>
      %dma_start3A_45 = tpu.memref_squeeze %dma_start3A_44 : memref<1x79x128xi32, #tpu.memory_space<hbm>> -> memref<79x128xi32, #tpu.memory_space<hbm>>
      %dma_start3A_46 = arith.constant 0 : i32
      %dma_start3A_47 = arith.constant 0 : i32
      %dma_start3A_48 = tpu.memref_slice %arg3[%add3A, %dma_start3A_46, %dma_start3A_47] : memref<32x79x128xi32, #tpu.memory_space<hbm>> -> memref<1x79x128xi32, #tpu.memory_space<hbm>>
      %dma_start3A_49 = tpu.memref_squeeze %dma_start3A_48 : memref<1x79x128xi32, #tpu.memory_space<hbm>> -> memref<79x128xi32, #tpu.memory_space<hbm>>
      tpu.enqueue_dma source(%dma_start3A_49 : memref<79x128xi32, #tpu.memory_space<hbm>>) target(%arg7 : memref<79x128xi32, #tpu.memory_space<vmem>>) target_semaphore(%run_scoped3A : memref<!tpu.dma_semaphore, #tpu.memory_space<semaphore_mem>>)
      %dma_wait3A = arith.constant 0 : i32
      %dma_wait3A_50 = arith.constant 0 : i32
      %dma_wait3A_51 = tpu.memref_slice %arg3[%add3A, %dma_wait3A, %dma_wait3A_50] : memref<32x79x128xi32, #tpu.memory_space<hbm>> -> memref<1x79x128xi32, #tpu.memory_space<hbm>>
      %dma_wait3A_52 = tpu.memref_squeeze %dma_wait3A_51 : memref<1x79x128xi32, #tpu.memory_space<hbm>> -> memref<79x128xi32, #tpu.memory_space<hbm>>
      %dma_wait3A_53 = arith.constant 0 : i32
      %dma_wait3A_54 = arith.constant 0 : i32
      %dma_wait3A_55 = tpu.memref_slice %arg3[%add3A, %dma_wait3A_53, %dma_wait3A_54] : memref<32x79x128xi32, #tpu.memory_space<hbm>> -> memref<1x79x128xi32, #tpu.memory_space<hbm>>
      %dma_wait3A_56 = tpu.memref_squeeze %dma_wait3A_55 : memref<1x79x128xi32, #tpu.memory_space<hbm>> -> memref<79x128xi32, #tpu.memory_space<hbm>>
      tpu.wait_dma2 semaphore(%run_scoped3A : memref<!tpu.dma_semaphore, #tpu.memory_space<semaphore_mem>>) src(%dma_wait3A_56 : memref<79x128xi32, #tpu.memory_space<hbm>>) dst(%arg7 : memref<79x128xi32, #tpu.memory_space<vmem>>)
      tpu.yield
    }) : () -> ()
    "tpu.region"() ({
      %run_scoped3A = tpu.sem_alloc : memref<!tpu.dma_semaphore, #tpu.memory_space<semaphore_mem>>
      %dma_start3A = arith.constant 0 : i32
      %dma_start3A_43 = arith.constant 0 : i32
      %dma_start3A_44 = tpu.memref_slice %arg4[%add3A, %dma_start3A, %dma_start3A_43] : memref<32x79x128xi32, #tpu.memory_space<hbm>> -> memref<1x79x128xi32, #tpu.memory_space<hbm>>
      %dma_start3A_45 = tpu.memref_squeeze %dma_start3A_44 : memref<1x79x128xi32, #tpu.memory_space<hbm>> -> memref<79x128xi32, #tpu.memory_space<hbm>>
      %dma_start3A_46 = arith.constant 0 : i32
      %dma_start3A_47 = arith.constant 0 : i32
      %dma_start3A_48 = tpu.memref_slice %arg4[%add3A, %dma_start3A_46, %dma_start3A_47] : memref<32x79x128xi32, #tpu.memory_space<hbm>> -> memref<1x79x128xi32, #tpu.memory_space<hbm>>
      %dma_start3A_49 = tpu.memref_squeeze %dma_start3A_48 : memref<1x79x128xi32, #tpu.memory_space<hbm>> -> memref<79x128xi32, #tpu.memory_space<hbm>>
      tpu.enqueue_dma source(%dma_start3A_49 : memref<79x128xi32, #tpu.memory_space<hbm>>) target(%arg8 : memref<79x128xi32, #tpu.memory_space<vmem>>) target_semaphore(%run_scoped3A : memref<!tpu.dma_semaphore, #tpu.memory_space<semaphore_mem>>)
      %dma_wait3A = arith.constant 0 : i32
      %dma_wait3A_50 = arith.constant 0 : i32
      %dma_wait3A_51 = tpu.memref_slice %arg4[%add3A, %dma_wait3A, %dma_wait3A_50] : memref<32x79x128xi32, #tpu.memory_space<hbm>> -> memref<1x79x128xi32, #tpu.memory_space<hbm>>
      %dma_wait3A_52 = tpu.memref_squeeze %dma_wait3A_51 : memref<1x79x128xi32, #tpu.memory_space<hbm>> -> memref<79x128xi32, #tpu.memory_space<hbm>>
      %dma_wait3A_53 = arith.constant 0 : i32
      %dma_wait3A_54 = arith.constant 0 : i32
      %dma_wait3A_55 = tpu.memref_slice %arg4[%add3A, %dma_wait3A_53, %dma_wait3A_54] : memref<32x79x128xi32, #tpu.memory_space<hbm>> -> memref<1x79x128xi32, #tpu.memory_space<hbm>>
      %dma_wait3A_56 = tpu.memref_squeeze %dma_wait3A_55 : memref<1x79x128xi32, #tpu.memory_space<hbm>> -> memref<79x128xi32, #tpu.memory_space<hbm>>
      tpu.wait_dma2 semaphore(%run_scoped3A : memref<!tpu.dma_semaphore, #tpu.memory_space<semaphore_mem>>) src(%dma_wait3A_56 : memref<79x128xi32, #tpu.memory_space<hbm>>) dst(%arg8 : memref<79x128xi32, #tpu.memory_space<vmem>>)
      tpu.yield
    }) : () -> ()
    "tpu.region"() ({
      %run_scoped3A = tpu.sem_alloc : memref<!tpu.dma_semaphore, #tpu.memory_space<semaphore_mem>>
      %dma_start3A = arith.constant 0 : i32
      %dma_start3A_43 = arith.constant 0 : i32
      %dma_start3A_44 = tpu.memref_slice %arg5[%add3A, %dma_start3A, %dma_start3A_43] : memref<32x79x128xf32, #tpu.memory_space<hbm>> -> memref<1x79x128xf32, #tpu.memory_space<hbm>>
      %dma_start3A_45 = tpu.memref_squeeze %dma_start3A_44 : memref<1x79x128xf32, #tpu.memory_space<hbm>> -> memref<79x128xf32, #tpu.memory_space<hbm>>
      %dma_start3A_46 = arith.constant 0 : i32
      %dma_start3A_47 = arith.constant 0 : i32
      %dma_start3A_48 = tpu.memref_slice %arg5[%add3A, %dma_start3A_46, %dma_start3A_47] : memref<32x79x128xf32, #tpu.memory_space<hbm>> -> memref<1x79x128xf32, #tpu.memory_space<hbm>>
      %dma_start3A_49 = tpu.memref_squeeze %dma_start3A_48 : memref<1x79x128xf32, #tpu.memory_space<hbm>> -> memref<79x128xf32, #tpu.memory_space<hbm>>
      tpu.enqueue_dma source(%dma_start3A_49 : memref<79x128xf32, #tpu.memory_space<hbm>>) target(%arg9 : memref<79x128xf32, #tpu.memory_space<vmem>>) target_semaphore(%run_scoped3A : memref<!tpu.dma_semaphore, #tpu.memory_space<semaphore_mem>>)
      %dma_wait3A = arith.constant 0 : i32
      %dma_wait3A_50 = arith.constant 0 : i32
      %dma_wait3A_51 = tpu.memref_slice %arg5[%add3A, %dma_wait3A, %dma_wait3A_50] : memref<32x79x128xf32, #tpu.memory_space<hbm>> -> memref<1x79x128xf32, #tpu.memory_space<hbm>>
      %dma_wait3A_52 = tpu.memref_squeeze %dma_wait3A_51 : memref<1x79x128xf32, #tpu.memory_space<hbm>> -> memref<79x128xf32, #tpu.memory_space<hbm>>
      %dma_wait3A_53 = arith.constant 0 : i32
      %dma_wait3A_54 = arith.constant 0 : i32
      %dma_wait3A_55 = tpu.memref_slice %arg5[%add3A, %dma_wait3A_53, %dma_wait3A_54] : memref<32x79x128xf32, #tpu.memory_space<hbm>> -> memref<1x79x128xf32, #tpu.memory_space<hbm>>
      %dma_wait3A_56 = tpu.memref_squeeze %dma_wait3A_55 : memref<1x79x128xf32, #tpu.memory_space<hbm>> -> memref<79x128xf32, #tpu.memory_space<hbm>>
      tpu.wait_dma2 semaphore(%run_scoped3A : memref<!tpu.dma_semaphore, #tpu.memory_space<semaphore_mem>>) src(%dma_wait3A_56 : memref<79x128xf32, #tpu.memory_space<hbm>>) dst(%arg9 : memref<79x128xf32, #tpu.memory_space<vmem>>)
      tpu.yield
    }) : () -> ()
    %scan3A = arith.constant 0 : i32
    %scan3A_1 = arith.constant 128 : i32
    %scan3A_2 = arith.addi %scan3A, %scan3A_1 : i32
    %scan3A_3 = arith.constant 1 : i32
    scf.for %scan3A_43 = %scan3A to %scan3A_2 step %scan3A_3  : i32 {
      %mul3A_44 = arith.constant 1 : i32
      %mul3A_45 = arith.muli %scan3A_43, %mul3A_44 : i32
      %add3A_46 = arith.constant 0 : i32
      %add3A_47 = arith.addi %add3A_46, %mul3A_45 : i32
      %broadcast_in_dim3A = arith.constant 0.000000e+00 : f32
      %broadcast_in_dim3A_48 = vector.broadcast %broadcast_in_dim3A : f32 to vector<16xf32>
      %swap3A = arith.index_cast %add3A_47 : i32 to index
      %swap3A_49 = arith.constant 0 : index
      %swap3A_50 = tpu.vector_load %arg10[%swap3A, %swap3A_49] {strides = array<i32>} : memref<128x128xf32, #tpu.memory_space<vmem>>, vector<16xf32>,
      tpu.vector_store %arg10[%swap3A, %swap3A_49], %broadcast_in_dim3A_48 {strides = array<i32>} : memref<128x128xf32, #tpu.memory_space<vmem>>, vector<16xf32>,
      %broadcast_in_dim3A_51 = arith.constant 0.000000e+00 : f32
      %broadcast_in_dim3A_52 = vector.broadcast %broadcast_in_dim3A_51 : f32 to vector<16xf32>
      %swap3A_53 = arith.index_cast %add3A_47 : i32 to index
      %swap3A_54 = arith.constant 16 : index
      %swap3A_55 = tpu.vector_load %arg10[%swap3A_53, %swap3A_54] {strides = array<i32>} : memref<128x128xf32, #tpu.memory_space<vmem>>, vector<16xf32>,
      tpu.vector_store %arg10[%swap3A_53, %swap3A_54], %broadcast_in_dim3A_52 {strides = array<i32>} : memref<128x128xf32, #tpu.memory_space<vmem>>, vector<16xf32>,
      %broadcast_in_dim3A_56 = arith.constant 0.000000e+00 : f32
      %broadcast_in_dim3A_57 = vector.broadcast %broadcast_in_dim3A_56 : f32 to vector<16xf32>
      %swap3A_58 = arith.index_cast %add3A_47 : i32 to index
      %swap3A_59 = arith.constant 32 : index
      %swap3A_60 = tpu.vector_load %arg10[%swap3A_58, %swap3A_59] {strides = array<i32>} : memref<128x128xf32, #tpu.memory_space<vmem>>, vector<16xf32>,
      tpu.vector_store %arg10[%swap3A_58, %swap3A_59], %broadcast_in_dim3A_57 {strides = array<i32>} : memref<128x128xf32, #tpu.memory_space<vmem>>, vector<16xf32>,
      %broadcast_in_dim3A_61 = arith.constant 0.000000e+00 : f32
      %broadcast_in_dim3A_62 = vector.broadcast %broadcast_in_dim3A_61 : f32 to vector<16xf32>
      %swap3A_63 = arith.index_cast %add3A_47 : i32 to index
      %swap3A_64 = arith.constant 48 : index
      %swap3A_65 = tpu.vector_load %arg10[%swap3A_63, %swap3A_64] {strides = array<i32>} : memref<128x128xf32, #tpu.memory_space<vmem>>, vector<16xf32>,
      tpu.vector_store %arg10[%swap3A_63, %swap3A_64], %broadcast_in_dim3A_62 {strides = array<i32>} : memref<128x128xf32, #tpu.memory_space<vmem>>, vector<16xf32>,
      %broadcast_in_dim3A_66 = arith.constant 0.000000e+00 : f32
      %broadcast_in_dim3A_67 = vector.broadcast %broadcast_in_dim3A_66 : f32 to vector<16xf32>
      %swap3A_68 = arith.index_cast %add3A_47 : i32 to index
      %swap3A_69 = arith.constant 64 : index
      %swap3A_70 = tpu.vector_load %arg10[%swap3A_68, %swap3A_69] {strides = array<i32>} : memref<128x128xf32, #tpu.memory_space<vmem>>, vector<16xf32>,
      tpu.vector_store %arg10[%swap3A_68, %swap3A_69], %broadcast_in_dim3A_67 {strides = array<i32>} : memref<128x128xf32, #tpu.memory_space<vmem>>, vector<16xf32>,
      %broadcast_in_dim3A_71 = arith.constant 0.000000e+00 : f32
      %broadcast_in_dim3A_72 = vector.broadcast %broadcast_in_dim3A_71 : f32 to vector<16xf32>
      %swap3A_73 = arith.index_cast %add3A_47 : i32 to index
      %swap3A_74 = arith.constant 80 : index
      %swap3A_75 = tpu.vector_load %arg10[%swap3A_73, %swap3A_74] {strides = array<i32>} : memref<128x128xf32, #tpu.memory_space<vmem>>, vector<16xf32>,
      tpu.vector_store %arg10[%swap3A_73, %swap3A_74], %broadcast_in_dim3A_72 {strides = array<i32>} : memref<128x128xf32, #tpu.memory_space<vmem>>, vector<16xf32>,
      %broadcast_in_dim3A_76 = arith.constant 0.000000e+00 : f32
      %broadcast_in_dim3A_77 = vector.broadcast %broadcast_in_dim3A_76 : f32 to vector<16xf32>
      %swap3A_78 = arith.index_cast %add3A_47 : i32 to index
      %swap3A_79 = arith.constant 96 : index
      %swap3A_80 = tpu.vector_load %arg10[%swap3A_78, %swap3A_79] {strides = array<i32>} : memref<128x128xf32, #tpu.memory_space<vmem>>, vector<16xf32>,
      tpu.vector_store %arg10[%swap3A_78, %swap3A_79], %broadcast_in_dim3A_77 {strides = array<i32>} : memref<128x128xf32, #tpu.memory_space<vmem>>, vector<16xf32>,
      %broadcast_in_dim3A_81 = arith.constant 0.000000e+00 : f32
      %broadcast_in_dim3A_82 = vector.broadcast %broadcast_in_dim3A_81 : f32 to vector<16xf32>
      %swap3A_83 = arith.index_cast %add3A_47 : i32 to index
      %swap3A_84 = arith.constant 112 : index
      %swap3A_85 = tpu.vector_load %arg10[%swap3A_83, %swap3A_84] {strides = array<i32>} : memref<128x128xf32, #tpu.memory_space<vmem>>, vector<16xf32>,
      tpu.vector_store %arg10[%swap3A_83, %swap3A_84], %broadcast_in_dim3A_82 {strides = array<i32>} : memref<128x128xf32, #tpu.memory_space<vmem>>, vector<16xf32>,
    }
    %scan3A_4 = arith.constant 128 : i32
    %mul3A_5 = arith.constant 640 : i32
    %mul3A_6 = arith.muli %arg1, %mul3A_5 : i32
    %add3A_7 = arith.constant 0 : i32
    %add3A_8 = arith.addi %mul3A_6, %add3A_7 : i32
    "tpu.region"() ({
      %run_scoped3A = tpu.sem_alloc : memref<!tpu.dma_semaphore, #tpu.memory_space<semaphore_mem>>
      %dma_start3A = arith.constant 0 : i32
      %dma_start3A_43 = arith.constant 0 : i32
      %dma_start3A_44 = tpu.memref_slice %arg10[%dma_start3A, %dma_start3A_43] : memref<128x128xf32, #tpu.memory_space<vmem>> -> memref<128x128xf32, #tpu.memory_space<vmem>>
      %dma_start3A_45 = arith.constant 0 : i32
      %dma_start3A_46 = tpu.memref_slice %arg11[%add3A_8, %dma_start3A_45] : memref<10240x128xf32, #tpu.memory_space<vmem_shared>> -> memref<128x128xf32, #tpu.memory_space<vmem_shared>>
      %dma_start3A_47 = arith.constant 0 : i32
      %dma_start3A_48 = tpu.memref_slice %arg11[%add3A_8, %dma_start3A_47] : memref<10240x128xf32, #tpu.memory_space<vmem_shared>> -> memref<128x128xf32, #tpu.memory_space<vmem_shared>>
      %dma_start3A_49 = arith.constant 0 : i32
      %dma_start3A_50 = arith.constant 0 : i32
      %dma_start3A_51 = tpu.memref_slice %arg10[%dma_start3A_49, %dma_start3A_50] : memref<128x128xf32, #tpu.memory_space<vmem>> -> memref<128x128xf32, #tpu.memory_space<vmem>>
      tpu.enqueue_dma source(%dma_start3A_51 : memref<128x128xf32, #tpu.memory_space<vmem>>) target(%dma_start3A_48 : memref<128x128xf32, #tpu.memory_space<vmem_shared>>) target_semaphore(%run_scoped3A : memref<!tpu.dma_semaphore, #tpu.memory_space<semaphore_mem>>)
      %dma_wait3A = arith.constant 0 : i32
      %dma_wait3A_52 = arith.constant 0 : i32
      %dma_wait3A_53 = tpu.memref_slice %arg10[%dma_wait3A, %dma_wait3A_52] : memref<128x128xf32, #tpu.memory_space<vmem>> -> memref<128x128xf32, #tpu.memory_space<vmem>>
      %dma_wait3A_54 = arith.constant 0 : i32
      %dma_wait3A_55 = tpu.memref_slice %arg11[%add3A_8, %dma_wait3A_54] : memref<10240x128xf32, #tpu.memory_space<vmem_shared>> -> memref<128x128xf32, #tpu.memory_space<vmem_shared>>
      %dma_wait3A_56 = arith.constant 0 : i32
      %dma_wait3A_57 = tpu.memref_slice %arg11[%add3A_8, %dma_wait3A_56] : memref<10240x128xf32, #tpu.memory_space<vmem_shared>> -> memref<128x128xf32, #tpu.memory_space<vmem_shared>>
      %dma_wait3A_58 = arith.constant 0 : i32
      %dma_wait3A_59 = arith.constant 0 : i32
      %dma_wait3A_60 = tpu.memref_slice %arg10[%dma_wait3A_58, %dma_wait3A_59] : memref<128x128xf32, #tpu.memory_space<vmem>> -> memref<128x128xf32, #tpu.memory_space<vmem>>
      tpu.wait_dma2 semaphore(%run_scoped3A : memref<!tpu.dma_semaphore, #tpu.memory_space<semaphore_mem>>) src(%dma_wait3A_60 : memref<128x128xf32, #tpu.memory_space<vmem>>) dst(%dma_wait3A_57 : memref<128x128xf32, #tpu.memory_space<vmem_shared>>)
      tpu.yield
    }) : () -> ()
    %add3A_9 = arith.constant 128 : i32
    %add3A_10 = arith.addi %mul3A_6, %add3A_9 : i32
    "tpu.region"() ({
      %run_scoped3A = tpu.sem_alloc : memref<!tpu.dma_semaphore, #tpu.memory_space<semaphore_mem>>
      %dma_start3A = arith.constant 0 : i32
      %dma_start3A_43 = arith.constant 0 : i32
      %dma_start3A_44 = tpu.memref_slice %arg10[%dma_start3A, %dma_start3A_43] : memref<128x128xf32, #tpu.memory_space<vmem>> -> memref<128x128xf32, #tpu.memory_space<vmem>>
      %dma_start3A_45 = arith.constant 0 : i32
      %dma_start3A_46 = tpu.memref_slice %arg11[%add3A_10, %dma_start3A_45] : memref<10240x128xf32, #tpu.memory_space<vmem_shared>> -> memref<128x128xf32, #tpu.memory_space<vmem_shared>>
      %dma_start3A_47 = arith.constant 0 : i32
      %dma_start3A_48 = tpu.memref_slice %arg11[%add3A_10, %dma_start3A_47] : memref<10240x128xf32, #tpu.memory_space<vmem_shared>> -> memref<128x128xf32, #tpu.memory_space<vmem_shared>>
      %dma_start3A_49 = arith.constant 0 : i32
      %dma_start3A_50 = arith.constant 0 : i32
      %dma_start3A_51 = tpu.memref_slice %arg10[%dma_start3A_49, %dma_start3A_50] : memref<128x128xf32, #tpu.memory_space<vmem>> -> memref<128x128xf32, #tpu.memory_space<vmem>>
      tpu.enqueue_dma source(%dma_start3A_51 : memref<128x128xf32, #tpu.memory_space<vmem>>) target(%dma_start3A_48 : memref<128x128xf32, #tpu.memory_space<vmem_shared>>) target_semaphore(%run_scoped3A : memref<!tpu.dma_semaphore, #tpu.memory_space<semaphore_mem>>)
      %dma_wait3A = arith.constant 0 : i32
      %dma_wait3A_52 = arith.constant 0 : i32
      %dma_wait3A_53 = tpu.memref_slice %arg10[%dma_wait3A, %dma_wait3A_52] : memref<128x128xf32, #tpu.memory_space<vmem>> -> memref<128x128xf32, #tpu.memory_space<vmem>>
      %dma_wait3A_54 = arith.constant 0 : i32
      %dma_wait3A_55 = tpu.memref_slice %arg11[%add3A_10, %dma_wait3A_54] : memref<10240x128xf32, #tpu.memory_space<vmem_shared>> -> memref<128x128xf32, #tpu.memory_space<vmem_shared>>
      %dma_wait3A_56 = arith.constant 0 : i32
      %dma_wait3A_57 = tpu.memref_slice %arg11[%add3A_10, %dma_wait3A_56] : memref<10240x128xf32, #tpu.memory_space<vmem_shared>> -> memref<128x128xf32, #tpu.memory_space<vmem_shared>>
      %dma_wait3A_58 = arith.constant 0 : i32
      %dma_wait3A_59 = arith.constant 0 : i32
      %dma_wait3A_60 = tpu.memref_slice %arg10[%dma_wait3A_58, %dma_wait3A_59] : memref<128x128xf32, #tpu.memory_space<vmem>> -> memref<128x128xf32, #tpu.memory_space<vmem>>
      tpu.wait_dma2 semaphore(%run_scoped3A : memref<!tpu.dma_semaphore, #tpu.memory_space<semaphore_mem>>) src(%dma_wait3A_60 : memref<128x128xf32, #tpu.memory_space<vmem>>) dst(%dma_wait3A_57 : memref<128x128xf32, #tpu.memory_space<vmem_shared>>)
      tpu.yield
    }) : () -> ()
    %add3A_11 = arith.constant 256 : i32
    %add3A_12 = arith.addi %mul3A_6, %add3A_11 : i32
    "tpu.region"() ({
      %run_scoped3A = tpu.sem_alloc : memref<!tpu.dma_semaphore, #tpu.memory_space<semaphore_mem>>
      %dma_start3A = arith.constant 0 : i32
      %dma_start3A_43 = arith.constant 0 : i32
      %dma_start3A_44 = tpu.memref_slice %arg10[%dma_start3A, %dma_start3A_43] : memref<128x128xf32, #tpu.memory_space<vmem>> -> memref<128x128xf32, #tpu.memory_space<vmem>>
      %dma_start3A_45 = arith.constant 0 : i32
      %dma_start3A_46 = tpu.memref_slice %arg11[%add3A_12, %dma_start3A_45] : memref<10240x128xf32, #tpu.memory_space<vmem_shared>> -> memref<128x128xf32, #tpu.memory_space<vmem_shared>>
      %dma_start3A_47 = arith.constant 0 : i32
      %dma_start3A_48 = tpu.memref_slice %arg11[%add3A_12, %dma_start3A_47] : memref<10240x128xf32, #tpu.memory_space<vmem_shared>> -> memref<128x128xf32, #tpu.memory_space<vmem_shared>>
      %dma_start3A_49 = arith.constant 0 : i32
      %dma_start3A_50 = arith.constant 0 : i32
      %dma_start3A_51 = tpu.memref_slice %arg10[%dma_start3A_49, %dma_start3A_50] : memref<128x128xf32, #tpu.memory_space<vmem>> -> memref<128x128xf32, #tpu.memory_space<vmem>>
      tpu.enqueue_dma source(%dma_start3A_51 : memref<128x128xf32, #tpu.memory_space<vmem>>) target(%dma_start3A_48 : memref<128x128xf32, #tpu.memory_space<vmem_shared>>) target_semaphore(%run_scoped3A : memref<!tpu.dma_semaphore, #tpu.memory_space<semaphore_mem>>)
      %dma_wait3A = arith.constant 0 : i32
      %dma_wait3A_52 = arith.constant 0 : i32
      %dma_wait3A_53 = tpu.memref_slice %arg10[%dma_wait3A, %dma_wait3A_52] : memref<128x128xf32, #tpu.memory_space<vmem>> -> memref<128x128xf32, #tpu.memory_space<vmem>>
      %dma_wait3A_54 = arith.constant 0 : i32
      %dma_wait3A_55 = tpu.memref_slice %arg11[%add3A_12, %dma_wait3A_54] : memref<10240x128xf32, #tpu.memory_space<vmem_shared>> -> memref<128x128xf32, #tpu.memory_space<vmem_shared>>
      %dma_wait3A_56 = arith.constant 0 : i32
      %dma_wait3A_57 = tpu.memref_slice %arg11[%add3A_12, %dma_wait3A_56] : memref<10240x128xf32, #tpu.memory_space<vmem_shared>> -> memref<128x128xf32, #tpu.memory_space<vmem_shared>>
      %dma_wait3A_58 = arith.constant 0 : i32
      %dma_wait3A_59 = arith.constant 0 : i32
      %dma_wait3A_60 = tpu.memref_slice %arg10[%dma_wait3A_58, %dma_wait3A_59] : memref<128x128xf32, #tpu.memory_space<vmem>> -> memref<128x128xf32, #tpu.memory_space<vmem>>
      tpu.wait_dma2 semaphore(%run_scoped3A : memref<!tpu.dma_semaphore, #tpu.memory_space<semaphore_mem>>) src(%dma_wait3A_60 : memref<128x128xf32, #tpu.memory_space<vmem>>) dst(%dma_wait3A_57 : memref<128x128xf32, #tpu.memory_space<vmem_shared>>)
      tpu.yield
    }) : () -> ()
    %add3A_13 = arith.constant 384 : i32
    %add3A_14 = arith.addi %mul3A_6, %add3A_13 : i32
    "tpu.region"() ({
      %run_scoped3A = tpu.sem_alloc : memref<!tpu.dma_semaphore, #tpu.memory_space<semaphore_mem>>
      %dma_start3A = arith.constant 0 : i32
      %dma_start3A_43 = arith.constant 0 : i32
      %dma_start3A_44 = tpu.memref_slice %arg10[%dma_start3A, %dma_start3A_43] : memref<128x128xf32, #tpu.memory_space<vmem>> -> memref<128x128xf32, #tpu.memory_space<vmem>>
      %dma_start3A_45 = arith.constant 0 : i32
      %dma_start3A_46 = tpu.memref_slice %arg11[%add3A_14, %dma_start3A_45] : memref<10240x128xf32, #tpu.memory_space<vmem_shared>> -> memref<128x128xf32, #tpu.memory_space<vmem_shared>>
      %dma_start3A_47 = arith.constant 0 : i32
      %dma_start3A_48 = tpu.memref_slice %arg11[%add3A_14, %dma_start3A_47] : memref<10240x128xf32, #tpu.memory_space<vmem_shared>> -> memref<128x128xf32, #tpu.memory_space<vmem_shared>>
      %dma_start3A_49 = arith.constant 0 : i32
      %dma_start3A_50 = arith.constant 0 : i32
      %dma_start3A_51 = tpu.memref_slice %arg10[%dma_start3A_49, %dma_start3A_50] : memref<128x128xf32, #tpu.memory_space<vmem>> -> memref<128x128xf32, #tpu.memory_space<vmem>>
      tpu.enqueue_dma source(%dma_start3A_51 : memref<128x128xf32, #tpu.memory_space<vmem>>) target(%dma_start3A_48 : memref<128x128xf32, #tpu.memory_space<vmem_shared>>) target_semaphore(%run_scoped3A : memref<!tpu.dma_semaphore, #tpu.memory_space<semaphore_mem>>)
      %dma_wait3A = arith.constant 0 : i32
      %dma_wait3A_52 = arith.constant 0 : i32
      %dma_wait3A_53 = tpu.memref_slice %arg10[%dma_wait3A, %dma_wait3A_52] : memref<128x128xf32, #tpu.memory_space<vmem>> -> memref<128x128xf32, #tpu.memory_space<vmem>>
      %dma_wait3A_54 = arith.constant 0 : i32
      %dma_wait3A_55 = tpu.memref_slice %arg11[%add3A_14, %dma_wait3A_54] : memref<10240x128xf32, #tpu.memory_space<vmem_shared>> -> memref<128x128xf32, #tpu.memory_space<vmem_shared>>
      %dma_wait3A_56 = arith.constant 0 : i32
      %dma_wait3A_57 = tpu.memref_slice %arg11[%add3A_14, %dma_wait3A_56] : memref<10240x128xf32, #tpu.memory_space<vmem_shared>> -> memref<128x128xf32, #tpu.memory_space<vmem_shared>>
      %dma_wait3A_58 = arith.constant 0 : i32
      %dma_wait3A_59 = arith.constant 0 : i32
      %dma_wait3A_60 = tpu.memref_slice %arg10[%dma_wait3A_58, %dma_wait3A_59] : memref<128x128xf32, #tpu.memory_space<vmem>> -> memref<128x128xf32, #tpu.memory_space<vmem>>
      tpu.wait_dma2 semaphore(%run_scoped3A : memref<!tpu.dma_semaphore, #tpu.memory_space<semaphore_mem>>) src(%dma_wait3A_60 : memref<128x128xf32, #tpu.memory_space<vmem>>) dst(%dma_wait3A_57 : memref<128x128xf32, #tpu.memory_space<vmem_shared>>)
      tpu.yield
    }) : () -> ()
    %add3A_15 = arith.constant 512 : i32
    %add3A_16 = arith.addi %mul3A_6, %add3A_15 : i32
    "tpu.region"() ({
      %run_scoped3A = tpu.sem_alloc : memref<!tpu.dma_semaphore, #tpu.memory_space<semaphore_mem>>
      %dma_start3A = arith.constant 0 : i32
      %dma_start3A_43 = arith.constant 0 : i32
      %dma_start3A_44 = tpu.memref_slice %arg10[%dma_start3A, %dma_start3A_43] : memref<128x128xf32, #tpu.memory_space<vmem>> -> memref<128x128xf32, #tpu.memory_space<vmem>>
      %dma_start3A_45 = arith.constant 0 : i32
      %dma_start3A_46 = tpu.memref_slice %arg11[%add3A_16, %dma_start3A_45] : memref<10240x128xf32, #tpu.memory_space<vmem_shared>> -> memref<128x128xf32, #tpu.memory_space<vmem_shared>>
      %dma_start3A_47 = arith.constant 0 : i32
      %dma_start3A_48 = tpu.memref_slice %arg11[%add3A_16, %dma_start3A_47] : memref<10240x128xf32, #tpu.memory_space<vmem_shared>> -> memref<128x128xf32, #tpu.memory_space<vmem_shared>>
      %dma_start3A_49 = arith.constant 0 : i32
      %dma_start3A_50 = arith.constant 0 : i32
      %dma_start3A_51 = tpu.memref_slice %arg10[%dma_start3A_49, %dma_start3A_50] : memref<128x128xf32, #tpu.memory_space<vmem>> -> memref<128x128xf32, #tpu.memory_space<vmem>>
      tpu.enqueue_dma source(%dma_start3A_51 : memref<128x128xf32, #tpu.memory_space<vmem>>) target(%dma_start3A_48 : memref<128x128xf32, #tpu.memory_space<vmem_shared>>) target_semaphore(%run_scoped3A : memref<!tpu.dma_semaphore, #tpu.memory_space<semaphore_mem>>)
      %dma_wait3A = arith.constant 0 : i32
      %dma_wait3A_52 = arith.constant 0 : i32
      %dma_wait3A_53 = tpu.memref_slice %arg10[%dma_wait3A, %dma_wait3A_52] : memref<128x128xf32, #tpu.memory_space<vmem>> -> memref<128x128xf32, #tpu.memory_space<vmem>>
      %dma_wait3A_54 = arith.constant 0 : i32
      %dma_wait3A_55 = tpu.memref_slice %arg11[%add3A_16, %dma_wait3A_54] : memref<10240x128xf32, #tpu.memory_space<vmem_shared>> -> memref<128x128xf32, #tpu.memory_space<vmem_shared>>
      %dma_wait3A_56 = arith.constant 0 : i32
      %dma_wait3A_57 = tpu.memref_slice %arg11[%add3A_16, %dma_wait3A_56] : memref<10240x128xf32, #tpu.memory_space<vmem_shared>> -> memref<128x128xf32, #tpu.memory_space<vmem_shared>>
      %dma_wait3A_58 = arith.constant 0 : i32
      %dma_wait3A_59 = arith.constant 0 : i32
      %dma_wait3A_60 = tpu.memref_slice %arg10[%dma_wait3A_58, %dma_wait3A_59] : memref<128x128xf32, #tpu.memory_space<vmem>> -> memref<128x128xf32, #tpu.memory_space<vmem>>
      tpu.wait_dma2 semaphore(%run_scoped3A : memref<!tpu.dma_semaphore, #tpu.memory_space<semaphore_mem>>) src(%dma_wait3A_60 : memref<128x128xf32, #tpu.memory_space<vmem>>) dst(%dma_wait3A_57 : memref<128x128xf32, #tpu.memory_space<vmem_shared>>)
      tpu.yield
    }) : () -> ()
    %barrier3A = arith.constant 0 : index
    tpu.barrier barrier_id(%barrier3A)
    %scan3A_17 = arith.constant 0 : i32
    %scan3A_18 = arith.constant 79 : i32
    %scan3A_19 = arith.addi %scan3A_17, %scan3A_18 : i32
    %scan3A_20 = arith.constant 1 : i32
    scf.for %scan3A_43 = %scan3A_17 to %scan3A_19 step %scan3A_20  : i32 {
      %mul3A_44 = arith.constant 1 : i32
      %mul3A_45 = arith.muli %scan3A_43, %mul3A_44 : i32
      %add3A_46 = arith.constant 0 : i32
      %add3A_47 = arith.addi %add3A_46, %mul3A_45 : i32
      "tpu.region"() ({
        %run_scoped3A = tpu.sem_alloc : memref<!tpu.dma_semaphore, #tpu.memory_space<semaphore_mem>>
        %dma_start3A = arith.constant 0 : i32
        %dma_start3A_53 = tpu.memref_slice %arg7[%add3A_47, %dma_start3A] : memref<79x128xi32, #tpu.memory_space<vmem>> -> memref<1x128xi32, #tpu.memory_space<vmem>>
        %dma_start3A_54 = tpu.memref_squeeze %dma_start3A_53 : memref<1x128xi32, #tpu.memory_space<vmem>> -> memref<128xi32, #tpu.memory_space<vmem>>
        %dma_start3A_55 = arith.constant 0 : i32
        %dma_start3A_56 = arith.constant 0 : i32
        %dma_start3A_57 = tpu.memref_slice %arg2[%dma_start3A_55, %dma_start3A_56] : memref<10240x128xf32, #tpu.memory_space<hbm>> -> memref<10240x128xf32, #tpu.memory_space<hbm>>
        tpu.enqueue_indirect_dma source(%dma_start3A_57 : memref<10240x128xf32, #tpu.memory_space<hbm>>) target(%arg10 : memref<128x128xf32, #tpu.memory_space<vmem>>) offsets(%dma_start3A_54 : memref<128xi32, #tpu.memory_space<vmem>>) semaphore(%run_scoped3A : memref<!tpu.dma_semaphore, #tpu.memory_space<semaphore_mem>>)
        %dma_wait3A = arith.constant 0 : i32
        %dma_wait3A_58 = tpu.memref_slice %arg7[%add3A_47, %dma_wait3A] : memref<79x128xi32, #tpu.memory_space<vmem>> -> memref<1x128xi32, #tpu.memory_space<vmem>>
        %dma_wait3A_59 = tpu.memref_squeeze %dma_wait3A_58 : memref<1x128xi32, #tpu.memory_space<vmem>> -> memref<128xi32, #tpu.memory_space<vmem>>
        %dma_wait3A_60 = arith.constant 0 : i32
        %dma_wait3A_61 = arith.constant 0 : i32
        %dma_wait3A_62 = tpu.memref_slice %arg2[%dma_wait3A_60, %dma_wait3A_61] : memref<10240x128xf32, #tpu.memory_space<hbm>> -> memref<10240x128xf32, #tpu.memory_space<hbm>>
        tpu.wait_indirect_dma semaphore(%run_scoped3A : memref<!tpu.dma_semaphore, #tpu.memory_space<semaphore_mem>>) src(%dma_wait3A_62 : memref<10240x128xf32, #tpu.memory_space<hbm>>) dst(%arg10 : memref<128x128xf32, #tpu.memory_space<vmem>>)
        tpu.yield
      }) : () -> ()
      %scan3A_48 = arith.constant 0 : i32
      %scan3A_49 = arith.constant 128 : i32
      %scan3A_50 = arith.addi %scan3A_48, %scan3A_49 : i32
      %scan3A_51 = arith.constant 1 : i32
      scf.for %scan3A_53 = %scan3A_48 to %scan3A_50 step %scan3A_51  : i32 {
        %mul3A_54 = arith.constant 1 : i32
        %mul3A_55 = arith.muli %scan3A_53, %mul3A_54 : i32
        %add3A_56 = arith.constant 0 : i32
        %add3A_57 = arith.addi %add3A_56, %mul3A_55 : i32
        %broadcast_in_dim3A = vector.broadcast %add3A_47 : i32 to vector<16xi32>
        %broadcast_in_dim3A_58 = vector.broadcast %add3A_57 : i32 to vector<16xi32>
        %gather3A = tpu.vector_load_idx %arg9[%broadcast_in_dim3A, %broadcast_in_dim3A_58] : memref<79x128xf32, #tpu.memory_space<vmem>>[vector<16xi32>, vector<16xi32>], vector<16xf32>,
        %get3A = arith.index_cast %add3A_57 : i32 to index
        %get3A_59 = arith.constant 0 : index
        %get3A_60 = tpu.vector_load %arg10[%get3A, %get3A_59] {strides = array<i32>} : memref<128x128xf32, #tpu.memory_space<vmem>>, vector<16xf32>,
        %mul3A_61 = arith.mulf %get3A_60, %gather3A : vector<16xf32>
        %swap3A = arith.index_cast %add3A_57 : i32 to index
        %swap3A_62 = arith.constant 0 : index
        %swap3A_63 = tpu.vector_load %arg10[%swap3A, %swap3A_62] {strides = array<i32>} : memref<128x128xf32, #tpu.memory_space<vmem>>, vector<16xf32>,
        tpu.vector_store %arg10[%swap3A, %swap3A_62], %mul3A_61 {strides = array<i32>} : memref<128x128xf32, #tpu.memory_space<vmem>>, vector<16xf32>,
        %get3A_64 = arith.index_cast %add3A_57 : i32 to index
        %get3A_65 = arith.constant 16 : index
        %get3A_66 = tpu.vector_load %arg10[%get3A_64, %get3A_65] {strides = array<i32>} : memref<128x128xf32, #tpu.memory_space<vmem>>, vector<16xf32>,
        %mul3A_67 = arith.mulf %get3A_66, %gather3A : vector<16xf32>
        %swap3A_68 = arith.index_cast %add3A_57 : i32 to index
        %swap3A_69 = arith.constant 16 : index
        %swap3A_70 = tpu.vector_load %arg10[%swap3A_68, %swap3A_69] {strides = array<i32>} : memref<128x128xf32, #tpu.memory_space<vmem>>, vector<16xf32>,
        tpu.vector_store %arg10[%swap3A_68, %swap3A_69], %mul3A_67 {strides = array<i32>} : memref<128x128xf32, #tpu.memory_space<vmem>>, vector<16xf32>,
        %get3A_71 = arith.index_cast %add3A_57 : i32 to index
        %get3A_72 = arith.constant 32 : index
        %get3A_73 = tpu.vector_load %arg10[%get3A_71, %get3A_72] {strides = array<i32>} : memref<128x128xf32, #tpu.memory_space<vmem>>, vector<16xf32>,
        %mul3A_74 = arith.mulf %get3A_73, %gather3A : vector<16xf32>
        %swap3A_75 = arith.index_cast %add3A_57 : i32 to index
        %swap3A_76 = arith.constant 32 : index
        %swap3A_77 = tpu.vector_load %arg10[%swap3A_75, %swap3A_76] {strides = array<i32>} : memref<128x128xf32, #tpu.memory_space<vmem>>, vector<16xf32>,
        tpu.vector_store %arg10[%swap3A_75, %swap3A_76], %mul3A_74 {strides = array<i32>} : memref<128x128xf32, #tpu.memory_space<vmem>>, vector<16xf32>,
        %get3A_78 = arith.index_cast %add3A_57 : i32 to index
        %get3A_79 = arith.constant 48 : index
        %get3A_80 = tpu.vector_load %arg10[%get3A_78, %get3A_79] {strides = array<i32>} : memref<128x128xf32, #tpu.memory_space<vmem>>, vector<16xf32>,
        %mul3A_81 = arith.mulf %get3A_80, %gather3A : vector<16xf32>
        %swap3A_82 = arith.index_cast %add3A_57 : i32 to index
        %swap3A_83 = arith.constant 48 : index
        %swap3A_84 = tpu.vector_load %arg10[%swap3A_82, %swap3A_83] {strides = array<i32>} : memref<128x128xf32, #tpu.memory_space<vmem>>, vector<16xf32>,
        tpu.vector_store %arg10[%swap3A_82, %swap3A_83], %mul3A_81 {strides = array<i32>} : memref<128x128xf32, #tpu.memory_space<vmem>>, vector<16xf32>,
        %get3A_85 = arith.index_cast %add3A_57 : i32 to index
        %get3A_86 = arith.constant 64 : index
        %get3A_87 = tpu.vector_load %arg10[%get3A_85, %get3A_86] {strides = array<i32>} : memref<128x128xf32, #tpu.memory_space<vmem>>, vector<16xf32>,
        %mul3A_88 = arith.mulf %get3A_87, %gather3A : vector<16xf32>
        %swap3A_89 = arith.index_cast %add3A_57 : i32 to index
        %swap3A_90 = arith.constant 64 : index
        %swap3A_91 = tpu.vector_load %arg10[%swap3A_89, %swap3A_90] {strides = array<i32>} : memref<128x128xf32, #tpu.memory_space<vmem>>, vector<16xf32>,
        tpu.vector_store %arg10[%swap3A_89, %swap3A_90], %mul3A_88 {strides = array<i32>} : memref<128x128xf32, #tpu.memory_space<vmem>>, vector<16xf32>,
        %get3A_92 = arith.index_cast %add3A_57 : i32 to index
        %get3A_93 = arith.constant 80 : index
        %get3A_94 = tpu.vector_load %arg10[%get3A_92, %get3A_93] {strides = array<i32>} : memref<128x128xf32, #tpu.memory_space<vmem>>, vector<16xf32>,
        %mul3A_95 = arith.mulf %get3A_94, %gather3A : vector<16xf32>
        %swap3A_96 = arith.index_cast %add3A_57 : i32 to index
        %swap3A_97 = arith.constant 80 : index
        %swap3A_98 = tpu.vector_load %arg10[%swap3A_96, %swap3A_97] {strides = array<i32>} : memref<128x128xf32, #tpu.memory_space<vmem>>, vector<16xf32>,
        tpu.vector_store %arg10[%swap3A_96, %swap3A_97], %mul3A_95 {strides = array<i32>} : memref<128x128xf32, #tpu.memory_space<vmem>>, vector<16xf32>,
        %get3A_99 = arith.index_cast %add3A_57 : i32 to index
        %get3A_100 = arith.constant 96 : index
        %get3A_101 = tpu.vector_load %arg10[%get3A_99, %get3A_100] {strides = array<i32>} : memref<128x128xf32, #tpu.memory_space<vmem>>, vector<16xf32>,
        %mul3A_102 = arith.mulf %get3A_101, %gather3A : vector<16xf32>
        %swap3A_103 = arith.index_cast %add3A_57 : i32 to index
        %swap3A_104 = arith.constant 96 : index
        %swap3A_105 = tpu.vector_load %arg10[%swap3A_103, %swap3A_104] {strides = array<i32>} : memref<128x128xf32, #tpu.memory_space<vmem>>, vector<16xf32>,
        tpu.vector_store %arg10[%swap3A_103, %swap3A_104], %mul3A_102 {strides = array<i32>} : memref<128x128xf32, #tpu.memory_space<vmem>>, vector<16xf32>,
        %get3A_106 = arith.index_cast %add3A_57 : i32 to index
        %get3A_107 = arith.constant 112 : index
        %get3A_108 = tpu.vector_load %arg10[%get3A_106, %get3A_107] {strides = array<i32>} : memref<128x128xf32, #tpu.memory_space<vmem>>, vector<16xf32>,
        %mul3A_109 = arith.mulf %get3A_108, %gather3A : vector<16xf32>
        %swap3A_110 = arith.index_cast %add3A_57 : i32 to index
        %swap3A_111 = arith.constant 112 : index
        %swap3A_112 = tpu.vector_load %arg10[%swap3A_110, %swap3A_111] {strides = array<i32>} : memref<128x128xf32, #tpu.memory_space<vmem>>, vector<16xf32>,
        tpu.vector_store %arg10[%swap3A_110, %swap3A_111], %mul3A_109 {strides = array<i32>} : memref<128x128xf32, #tpu.memory_space<vmem>>, vector<16xf32>,
      }
      %scan3A_52 = arith.constant 128 : i32
      "tpu.region"() ({
        %run_scoped3A = tpu.sem_alloc : memref<!tpu.dma_semaphore, #tpu.memory_space<semaphore_mem>>
        %dma_start3A = arith.constant 0 : i32
        %dma_start3A_53 = tpu.memref_slice %arg8[%add3A_47, %dma_start3A] : memref<79x128xi32, #tpu.memory_space<vmem>> -> memref<1x128xi32, #tpu.memory_space<vmem>>
        %dma_start3A_54 = tpu.memref_squeeze %dma_start3A_53 : memref<1x128xi32, #tpu.memory_space<vmem>> -> memref<128xi32, #tpu.memory_space<vmem>>
        %dma_start3A_55 = arith.constant 0 : i32
        %dma_start3A_56 = arith.constant 0 : i32
        %dma_start3A_57 = tpu.memref_slice %arg11[%dma_start3A_55, %dma_start3A_56] : memref<10240x128xf32, #tpu.memory_space<vmem_shared>> -> memref<10240x128xf32, #tpu.memory_space<vmem_shared>>
        tpu.enqueue_indirect_dma source(%arg10 : memref<128x128xf32, #tpu.memory_space<vmem>>) target(%dma_start3A_57 : memref<10240x128xf32, #tpu.memory_space<vmem_shared>>) offsets(%dma_start3A_54 : memref<128xi32, #tpu.memory_space<vmem>>) semaphore(%run_scoped3A : memref<!tpu.dma_semaphore, #tpu.memory_space<semaphore_mem>>) {add = true}
        %dma_wait3A = arith.constant 0 : i32
        %dma_wait3A_58 = tpu.memref_slice %arg8[%add3A_47, %dma_wait3A] : memref<79x128xi32, #tpu.memory_space<vmem>> -> memref<1x128xi32, #tpu.memory_space<vmem>>
        %dma_wait3A_59 = tpu.memref_squeeze %dma_wait3A_58 : memref<1x128xi32, #tpu.memory_space<vmem>> -> memref<128xi32, #tpu.memory_space<vmem>>
        %dma_wait3A_60 = arith.constant 0 : i32
        %dma_wait3A_61 = arith.constant 0 : i32
        %dma_wait3A_62 = tpu.memref_slice %arg11[%dma_wait3A_60, %dma_wait3A_61] : memref<10240x128xf32, #tpu.memory_space<vmem_shared>> -> memref<10240x128xf32, #tpu.memory_space<vmem_shared>>
        tpu.wait_indirect_dma semaphore(%run_scoped3A : memref<!tpu.dma_semaphore, #tpu.memory_space<semaphore_mem>>) src(%arg10 : memref<128x128xf32, #tpu.memory_space<vmem>>) dst(%dma_wait3A_62 : memref<10240x128xf32, #tpu.memory_space<vmem_shared>>)
        tpu.yield
      }) : () -> ()
    }
    %scan3A_21 = arith.constant 79 : i32
    %barrier3A_22 = arith.constant 0 : index
    tpu.barrier barrier_id(%barrier3A_22)
    %add3A_23 = arith.constant 0 : i32
    %add3A_24 = arith.addi %mul3A_6, %add3A_23 : i32
    %add3A_25 = arith.constant 0 : i32
    %add3A_26 = arith.addi %mul3A_6, %add3A_25 : i32
    "tpu.region"() ({
      %run_scoped3A = tpu.sem_alloc : memref<!tpu.dma_semaphore, #tpu.memory_space<semaphore_mem>>
      %dma_start3A = arith.constant 0 : i32
      %dma_start3A_43 = tpu.memref_slice %arg6[%arg0, %add3A_26, %dma_start3A] : memref<2x10240x128xf32, #tpu.memory_space<hbm>> -> memref<1x128x128xf32, #tpu.memory_space<hbm>>
      %dma_start3A_44 = tpu.memref_squeeze %dma_start3A_43 : memref<1x128x128xf32, #tpu.memory_space<hbm>> -> memref<128x128xf32, #tpu.memory_space<hbm>>
      %dma_start3A_45 = arith.constant 0 : i32
      %dma_start3A_46 = tpu.memref_slice %arg11[%add3A_24, %dma_start3A_45] : memref<10240x128xf32, #tpu.memory_space<vmem_shared>> -> memref<128x128xf32, #tpu.memory_space<vmem_shared>>
      tpu.enqueue_dma source(%dma_start3A_46 : memref<128x128xf32, #tpu.memory_space<vmem_shared>>) target(%dma_start3A_44 : memref<128x128xf32, #tpu.memory_space<hbm>>) target_semaphore(%run_scoped3A : memref<!tpu.dma_semaphore, #tpu.memory_space<semaphore_mem>>)
      %dma_wait3A = arith.constant 0 : i32
      %dma_wait3A_47 = tpu.memref_slice %arg6[%arg0, %add3A_26, %dma_wait3A] : memref<2x10240x128xf32, #tpu.memory_space<hbm>> -> memref<1x128x128xf32, #tpu.memory_space<hbm>>
      %dma_wait3A_48 = tpu.memref_squeeze %dma_wait3A_47 : memref<1x128x128xf32, #tpu.memory_space<hbm>> -> memref<128x128xf32, #tpu.memory_space<hbm>>
      %dma_wait3A_49 = arith.constant 0 : i32
      %dma_wait3A_50 = tpu.memref_slice %arg11[%add3A_24, %dma_wait3A_49] : memref<10240x128xf32, #tpu.memory_space<vmem_shared>> -> memref<128x128xf32, #tpu.memory_space<vmem_shared>>
      tpu.wait_dma2 semaphore(%run_scoped3A : memref<!tpu.dma_semaphore, #tpu.memory_space<semaphore_mem>>) src(%dma_wait3A_50 : memref<128x128xf32, #tpu.memory_space<vmem_shared>>) dst(%dma_wait3A_48 : memref<128x128xf32, #tpu.memory_space<hbm>>)
      tpu.yield
    }) : () -> ()
    %add3A_27 = arith.constant 128 : i32
    %add3A_28 = arith.addi %mul3A_6, %add3A_27 : i32
    %add3A_29 = arith.constant 128 : i32
    %add3A_30 = arith.addi %mul3A_6, %add3A_29 : i32
    "tpu.region"() ({
      %run_scoped3A = tpu.sem_alloc : memref<!tpu.dma_semaphore, #tpu.memory_space<semaphore_mem>>
      %dma_start3A = arith.constant 0 : i32
      %dma_start3A_43 = tpu.memref_slice %arg6[%arg0, %add3A_30, %dma_start3A] : memref<2x10240x128xf32, #tpu.memory_space<hbm>> -> memref<1x128x128xf32, #tpu.memory_space<hbm>>
      %dma_start3A_44 = tpu.memref_squeeze %dma_start3A_43 : memref<1x128x128xf32, #tpu.memory_space<hbm>> -> memref<128x128xf32, #tpu.memory_space<hbm>>
      %dma_start3A_45 = arith.constant 0 : i32
      %dma_start3A_46 = tpu.memref_slice %arg11[%add3A_28, %dma_start3A_45] : memref<10240x128xf32, #tpu.memory_space<vmem_shared>> -> memref<128x128xf32, #tpu.memory_space<vmem_shared>>
      tpu.enqueue_dma source(%dma_start3A_46 : memref<128x128xf32, #tpu.memory_space<vmem_shared>>) target(%dma_start3A_44 : memref<128x128xf32, #tpu.memory_space<hbm>>) target_semaphore(%run_scoped3A : memref<!tpu.dma_semaphore, #tpu.memory_space<semaphore_mem>>)
      %dma_wait3A = arith.constant 0 : i32
      %dma_wait3A_47 = tpu.memref_slice %arg6[%arg0, %add3A_30, %dma_wait3A] : memref<2x10240x128xf32, #tpu.memory_space<hbm>> -> memref<1x128x128xf32, #tpu.memory_space<hbm>>
      %dma_wait3A_48 = tpu.memref_squeeze %dma_wait3A_47 : memref<1x128x128xf32, #tpu.memory_space<hbm>> -> memref<128x128xf32, #tpu.memory_space<hbm>>
      %dma_wait3A_49 = arith.constant 0 : i32
      %dma_wait3A_50 = tpu.memref_slice %arg11[%add3A_28, %dma_wait3A_49] : memref<10240x128xf32, #tpu.memory_space<vmem_shared>> -> memref<128x128xf32, #tpu.memory_space<vmem_shared>>
      tpu.wait_dma2 semaphore(%run_scoped3A : memref<!tpu.dma_semaphore, #tpu.memory_space<semaphore_mem>>) src(%dma_wait3A_50 : memref<128x128xf32, #tpu.memory_space<vmem_shared>>) dst(%dma_wait3A_48 : memref<128x128xf32, #tpu.memory_space<hbm>>)
      tpu.yield
    }) : () -> ()
    %add3A_31 = arith.constant 256 : i32
    %add3A_32 = arith.addi %mul3A_6, %add3A_31 : i32
    %add3A_33 = arith.constant 256 : i32
    %add3A_34 = arith.addi %mul3A_6, %add3A_33 : i32
    "tpu.region"() ({
      %run_scoped3A = tpu.sem_alloc : memref<!tpu.dma_semaphore, #tpu.memory_space<semaphore_mem>>
      %dma_start3A = arith.constant 0 : i32
      %dma_start3A_43 = tpu.memref_slice %arg6[%arg0, %add3A_34, %dma_start3A] : memref<2x10240x128xf32, #tpu.memory_space<hbm>> -> memref<1x128x128xf32, #tpu.memory_space<hbm>>
      %dma_start3A_44 = tpu.memref_squeeze %dma_start3A_43 : memref<1x128x128xf32, #tpu.memory_space<hbm>> -> memref<128x128xf32, #tpu.memory_space<hbm>>
      %dma_start3A_45 = arith.constant 0 : i32
      %dma_start3A_46 = tpu.memref_slice %arg11[%add3A_32, %dma_start3A_45] : memref<10240x128xf32, #tpu.memory_space<vmem_shared>> -> memref<128x128xf32, #tpu.memory_space<vmem_shared>>
      tpu.enqueue_dma source(%dma_start3A_46 : memref<128x128xf32, #tpu.memory_space<vmem_shared>>) target(%dma_start3A_44 : memref<128x128xf32, #tpu.memory_space<hbm>>) target_semaphore(%run_scoped3A : memref<!tpu.dma_semaphore, #tpu.memory_space<semaphore_mem>>)
      %dma_wait3A = arith.constant 0 : i32
      %dma_wait3A_47 = tpu.memref_slice %arg6[%arg0, %add3A_34, %dma_wait3A] : memref<2x10240x128xf32, #tpu.memory_space<hbm>> -> memref<1x128x128xf32, #tpu.memory_space<hbm>>
      %dma_wait3A_48 = tpu.memref_squeeze %dma_wait3A_47 : memref<1x128x128xf32, #tpu.memory_space<hbm>> -> memref<128x128xf32, #tpu.memory_space<hbm>>
      %dma_wait3A_49 = arith.constant 0 : i32
      %dma_wait3A_50 = tpu.memref_slice %arg11[%add3A_32, %dma_wait3A_49] : memref<10240x128xf32, #tpu.memory_space<vmem_shared>> -> memref<128x128xf32, #tpu.memory_space<vmem_shared>>
      tpu.wait_dma2 semaphore(%run_scoped3A : memref<!tpu.dma_semaphore, #tpu.memory_space<semaphore_mem>>) src(%dma_wait3A_50 : memref<128x128xf32, #tpu.memory_space<vmem_shared>>) dst(%dma_wait3A_48 : memref<128x128xf32, #tpu.memory_space<hbm>>)
      tpu.yield
    }) : () -> ()
    %add3A_35 = arith.constant 384 : i32
    %add3A_36 = arith.addi %mul3A_6, %add3A_35 : i32
    %add3A_37 = arith.constant 384 : i32
    %add3A_38 = arith.addi %mul3A_6, %add3A_37 : i32
    "tpu.region"() ({
      %run_scoped3A = tpu.sem_alloc : memref<!tpu.dma_semaphore, #tpu.memory_space<semaphore_mem>>
      %dma_start3A = arith.constant 0 : i32
      %dma_start3A_43 = tpu.memref_slice %arg6[%arg0, %add3A_38, %dma_start3A] : memref<2x10240x128xf32, #tpu.memory_space<hbm>> -> memref<1x128x128xf32, #tpu.memory_space<hbm>>
      %dma_start3A_44 = tpu.memref_squeeze %dma_start3A_43 : memref<1x128x128xf32, #tpu.memory_space<hbm>> -> memref<128x128xf32, #tpu.memory_space<hbm>>
      %dma_start3A_45 = arith.constant 0 : i32
      %dma_start3A_46 = tpu.memref_slice %arg11[%add3A_36, %dma_start3A_45] : memref<10240x128xf32, #tpu.memory_space<vmem_shared>> -> memref<128x128xf32, #tpu.memory_space<vmem_shared>>
      tpu.enqueue_dma source(%dma_start3A_46 : memref<128x128xf32, #tpu.memory_space<vmem_shared>>) target(%dma_start3A_44 : memref<128x128xf32, #tpu.memory_space<hbm>>) target_semaphore(%run_scoped3A : memref<!tpu.dma_semaphore, #tpu.memory_space<semaphore_mem>>)
      %dma_wait3A = arith.constant 0 : i32
      %dma_wait3A_47 = tpu.memref_slice %arg6[%arg0, %add3A_38, %dma_wait3A] : memref<2x10240x128xf32, #tpu.memory_space<hbm>> -> memref<1x128x128xf32, #tpu.memory_space<hbm>>
      %dma_wait3A_48 = tpu.memref_squeeze %dma_wait3A_47 : memref<1x128x128xf32, #tpu.memory_space<hbm>> -> memref<128x128xf32, #tpu.memory_space<hbm>>
      %dma_wait3A_49 = arith.constant 0 : i32
      %dma_wait3A_50 = tpu.memref_slice %arg11[%add3A_36, %dma_wait3A_49] : memref<10240x128xf32, #tpu.memory_space<vmem_shared>> -> memref<128x128xf32, #tpu.memory_space<vmem_shared>>
      tpu.wait_dma2 semaphore(%run_scoped3A : memref<!tpu.dma_semaphore, #tpu.memory_space<semaphore_mem>>) src(%dma_wait3A_50 : memref<128x128xf32, #tpu.memory_space<vmem_shared>>) dst(%dma_wait3A_48 : memref<128x128xf32, #tpu.memory_space<hbm>>)
      tpu.yield
    }) : () -> ()
    %add3A_39 = arith.constant 512 : i32
    %add3A_40 = arith.addi %mul3A_6, %add3A_39 : i32
    %add3A_41 = arith.constant 512 : i32
    %add3A_42 = arith.addi %mul3A_6, %add3A_41 : i32
    "tpu.region"() ({
      %run_scoped3A = tpu.sem_alloc : memref<!tpu.dma_semaphore, #tpu.memory_space<semaphore_mem>>
      %dma_start3A = arith.constant 0 : i32
      %dma_start3A_43 = tpu.memref_slice %arg6[%arg0, %add3A_42, %dma_start3A] : memref<2x10240x128xf32, #tpu.memory_space<hbm>> -> memref<1x128x128xf32, #tpu.memory_space<hbm>>
      %dma_start3A_44 = tpu.memref_squeeze %dma_start3A_43 : memref<1x128x128xf32, #tpu.memory_space<hbm>> -> memref<128x128xf32, #tpu.memory_space<hbm>>
      %dma_start3A_45 = arith.constant 0 : i32
      %dma_start3A_46 = tpu.memref_slice %arg11[%add3A_40, %dma_start3A_45] : memref<10240x128xf32, #tpu.memory_space<vmem_shared>> -> memref<128x128xf32, #tpu.memory_space<vmem_shared>>
      tpu.enqueue_dma source(%dma_start3A_46 : memref<128x128xf32, #tpu.memory_space<vmem_shared>>) target(%dma_start3A_44 : memref<128x128xf32, #tpu.memory_space<hbm>>) target_semaphore(%run_scoped3A : memref<!tpu.dma_semaphore, #tpu.memory_space<semaphore_mem>>)
      %dma_wait3A = arith.constant 0 : i32
      %dma_wait3A_47 = tpu.memref_slice %arg6[%arg0, %add3A_42, %dma_wait3A] : memref<2x10240x128xf32, #tpu.memory_space<hbm>> -> memref<1x128x128xf32, #tpu.memory_space<hbm>>
      %dma_wait3A_48 = tpu.memref_squeeze %dma_wait3A_47 : memref<1x128x128xf32, #tpu.memory_space<hbm>> -> memref<128x128xf32, #tpu.memory_space<hbm>>
      %dma_wait3A_49 = arith.constant 0 : i32
      %dma_wait3A_50 = tpu.memref_slice %arg11[%add3A_40, %dma_wait3A_49] : memref<10240x128xf32, #tpu.memory_space<vmem_shared>> -> memref<128x128xf32, #tpu.memory_space<vmem_shared>>
      tpu.wait_dma2 semaphore(%run_scoped3A : memref<!tpu.dma_semaphore, #tpu.memory_space<semaphore_mem>>) src(%dma_wait3A_50 : memref<128x128xf32, #tpu.memory_space<vmem_shared>>) dst(%dma_wait3A_48 : memref<128x128xf32, #tpu.memory_space<hbm>>)
      tpu.yield
    }) : () -> ()
    return
  }
}

#map = affine_map<(d0, d1) -> (0, 0)>
#map1 = affine_map<(d0, d1) -> (0, 0, 0)>
module attributes {stable_mosaic.version = 14 : i64} {
  func.func @layer(%arg0: i32, %arg1: i32, %arg2: memref<10240x128xf32, #tpu.memory_space<hbm>>, %arg3: memref<32x79x128xi32, #tpu.memory_space<hbm>>, %arg4: memref<32x79x128xi32, #tpu.memory_space<hbm>>, %arg5: memref<32x79x128xf32, #tpu.memory_space<hbm>>, %arg6: memref<2x10240x128xf32, #tpu.memory_space<hbm>>, %arg7: memref<79x128xi32, #tpu.memory_space<vmem>>, %arg8: memref<79x128xi32, #tpu.memory_space<vmem>>, %arg9: memref<79x128xf32, #tpu.memory_space<vmem>>, %arg10: memref<128x128xf32, #tpu.memory_space<vmem>>, %arg11: memref<10240x128xf32, #tpu.memory_space<vmem_shared>>) attributes {dimension_semantics = [#tpu.dimension_semantics<core_parallel>, #tpu.dimension_semantics<subcore_parallel>], iteration_bounds = array<i64: 2, 16>, scalar_prefetch = 0 : i64, scratch_operands = 5 : i64, tpu.core_type = #tpu.core_type<sc_vector_subcore>, window_params = [{transform_indices = #map}, {transform_indices = #map1}, {transform_indices = #map1}, {transform_indices = #map1}, {transform_indices = #map1}]} {
    %mul3A = arith.constant 16 : i32
    %mul3A_0 = arith.muli %arg0, %mul3A : i32
    %add3A = arith.addi %mul3A_0, %arg1 : i32
    "tpu.region"() ({
      %run_scoped3A = tpu.sem_alloc : memref<!tpu.dma_semaphore, #tpu.memory_space<semaphore_mem>>
      %dma_start3A = arith.constant 0 : i32
      %dma_start3A_43 = arith.constant 0 : i32
      %dma_start3A_44 = tpu.memref_slice %arg3[%add3A, %dma_start3A, %dma_start3A_43] : memref<32x79x128xi32, #tpu.memory_space<hbm>> -> memref<1x79x128xi32, #tpu.memory_space<hbm>>
      %dma_start3A_45 = tpu.memref_squeeze %dma_start3A_44 : memref<1x79x128xi32, #tpu.memory_space<hbm>> -> memref<79x128xi32, #tpu.memory_space<hbm>>
      %dma_start3A_46 = arith.constant 0 : i32
      %dma_start3A_47 = arith.constant 0 : i32
      %dma_start3A_48 = tpu.memref_slice %arg3[%add3A, %dma_start3A_46, %dma_start3A_47] : memref<32x79x128xi32, #tpu.memory_space<hbm>> -> memref<1x79x128xi32, #tpu.memory_space<hbm>>
      %dma_start3A_49 = tpu.memref_squeeze %dma_start3A_48 : memref<1x79x128xi32, #tpu.memory_space<hbm>> -> memref<79x128xi32, #tpu.memory_space<hbm>>
      tpu.enqueue_dma source(%dma_start3A_49 : memref<79x128xi32, #tpu.memory_space<hbm>>) target(%arg7 : memref<79x128xi32, #tpu.memory_space<vmem>>) target_semaphore(%run_scoped3A : memref<!tpu.dma_semaphore, #tpu.memory_space<semaphore_mem>>)
      %dma_wait3A = arith.constant 0 : i32
      %dma_wait3A_50 = arith.constant 0 : i32
      %dma_wait3A_51 = tpu.memref_slice %arg3[%add3A, %dma_wait3A, %dma_wait3A_50] : memref<32x79x128xi32, #tpu.memory_space<hbm>> -> memref<1x79x128xi32, #tpu.memory_space<hbm>>
      %dma_wait3A_52 = tpu.memref_squeeze %dma_wait3A_51 : memref<1x79x128xi32, #tpu.memory_space<hbm>> -> memref<79x128xi32, #tpu.memory_space<hbm>>
      %dma_wait3A_53 = arith.constant 0 : i32
      %dma_wait3A_54 = arith.constant 0 : i32
      %dma_wait3A_55 = tpu.memref_slice %arg3[%add3A, %dma_wait3A_53, %dma_wait3A_54] : memref<32x79x128xi32, #tpu.memory_space<hbm>> -> memref<1x79x128xi32, #tpu.memory_space<hbm>>
      %dma_wait3A_56 = tpu.memref_squeeze %dma_wait3A_55 : memref<1x79x128xi32, #tpu.memory_space<hbm>> -> memref<79x128xi32, #tpu.memory_space<hbm>>
      tpu.wait_dma2 semaphore(%run_scoped3A : memref<!tpu.dma_semaphore, #tpu.memory_space<semaphore_mem>>) src(%dma_wait3A_56 : memref<79x128xi32, #tpu.memory_space<hbm>>) dst(%arg7 : memref<79x128xi32, #tpu.memory_space<vmem>>)
      tpu.yield
    }) : () -> ()
    "tpu.region"() ({
      %run_scoped3A = tpu.sem_alloc : memref<!tpu.dma_semaphore, #tpu.memory_space<semaphore_mem>>
      %dma_start3A = arith.constant 0 : i32
      %dma_start3A_43 = arith.constant 0 : i32
      %dma_start3A_44 = tpu.memref_slice %arg4[%add3A, %dma_start3A, %dma_start3A_43] : memref<32x79x128xi32, #tpu.memory_space<hbm>> -> memref<1x79x128xi32, #tpu.memory_space<hbm>>
      %dma_start3A_45 = tpu.memref_squeeze %dma_start3A_44 : memref<1x79x128xi32, #tpu.memory_space<hbm>> -> memref<79x128xi32, #tpu.memory_space<hbm>>
      %dma_start3A_46 = arith.constant 0 : i32
      %dma_start3A_47 = arith.constant 0 : i32
      %dma_start3A_48 = tpu.memref_slice %arg4[%add3A, %dma_start3A_46, %dma_start3A_47] : memref<32x79x128xi32, #tpu.memory_space<hbm>> -> memref<1x79x128xi32, #tpu.memory_space<hbm>>
      %dma_start3A_49 = tpu.memref_squeeze %dma_start3A_48 : memref<1x79x128xi32, #tpu.memory_space<hbm>> -> memref<79x128xi32, #tpu.memory_space<hbm>>
      tpu.enqueue_dma source(%dma_start3A_49 : memref<79x128xi32, #tpu.memory_space<hbm>>) target(%arg8 : memref<79x128xi32, #tpu.memory_space<vmem>>) target_semaphore(%run_scoped3A : memref<!tpu.dma_semaphore, #tpu.memory_space<semaphore_mem>>)
      %dma_wait3A = arith.constant 0 : i32
      %dma_wait3A_50 = arith.constant 0 : i32
      %dma_wait3A_51 = tpu.memref_slice %arg4[%add3A, %dma_wait3A, %dma_wait3A_50] : memref<32x79x128xi32, #tpu.memory_space<hbm>> -> memref<1x79x128xi32, #tpu.memory_space<hbm>>
      %dma_wait3A_52 = tpu.memref_squeeze %dma_wait3A_51 : memref<1x79x128xi32, #tpu.memory_space<hbm>> -> memref<79x128xi32, #tpu.memory_space<hbm>>
      %dma_wait3A_53 = arith.constant 0 : i32
      %dma_wait3A_54 = arith.constant 0 : i32
      %dma_wait3A_55 = tpu.memref_slice %arg4[%add3A, %dma_wait3A_53, %dma_wait3A_54] : memref<32x79x128xi32, #tpu.memory_space<hbm>> -> memref<1x79x128xi32, #tpu.memory_space<hbm>>
      %dma_wait3A_56 = tpu.memref_squeeze %dma_wait3A_55 : memref<1x79x128xi32, #tpu.memory_space<hbm>> -> memref<79x128xi32, #tpu.memory_space<hbm>>
      tpu.wait_dma2 semaphore(%run_scoped3A : memref<!tpu.dma_semaphore, #tpu.memory_space<semaphore_mem>>) src(%dma_wait3A_56 : memref<79x128xi32, #tpu.memory_space<hbm>>) dst(%arg8 : memref<79x128xi32, #tpu.memory_space<vmem>>)
      tpu.yield
    }) : () -> ()
    "tpu.region"() ({
      %run_scoped3A = tpu.sem_alloc : memref<!tpu.dma_semaphore, #tpu.memory_space<semaphore_mem>>
      %dma_start3A = arith.constant 0 : i32
      %dma_start3A_43 = arith.constant 0 : i32
      %dma_start3A_44 = tpu.memref_slice %arg5[%add3A, %dma_start3A, %dma_start3A_43] : memref<32x79x128xf32, #tpu.memory_space<hbm>> -> memref<1x79x128xf32, #tpu.memory_space<hbm>>
      %dma_start3A_45 = tpu.memref_squeeze %dma_start3A_44 : memref<1x79x128xf32, #tpu.memory_space<hbm>> -> memref<79x128xf32, #tpu.memory_space<hbm>>
      %dma_start3A_46 = arith.constant 0 : i32
      %dma_start3A_47 = arith.constant 0 : i32
      %dma_start3A_48 = tpu.memref_slice %arg5[%add3A, %dma_start3A_46, %dma_start3A_47] : memref<32x79x128xf32, #tpu.memory_space<hbm>> -> memref<1x79x128xf32, #tpu.memory_space<hbm>>
      %dma_start3A_49 = tpu.memref_squeeze %dma_start3A_48 : memref<1x79x128xf32, #tpu.memory_space<hbm>> -> memref<79x128xf32, #tpu.memory_space<hbm>>
      tpu.enqueue_dma source(%dma_start3A_49 : memref<79x128xf32, #tpu.memory_space<hbm>>) target(%arg9 : memref<79x128xf32, #tpu.memory_space<vmem>>) target_semaphore(%run_scoped3A : memref<!tpu.dma_semaphore, #tpu.memory_space<semaphore_mem>>)
      %dma_wait3A = arith.constant 0 : i32
      %dma_wait3A_50 = arith.constant 0 : i32
      %dma_wait3A_51 = tpu.memref_slice %arg5[%add3A, %dma_wait3A, %dma_wait3A_50] : memref<32x79x128xf32, #tpu.memory_space<hbm>> -> memref<1x79x128xf32, #tpu.memory_space<hbm>>
      %dma_wait3A_52 = tpu.memref_squeeze %dma_wait3A_51 : memref<1x79x128xf32, #tpu.memory_space<hbm>> -> memref<79x128xf32, #tpu.memory_space<hbm>>
      %dma_wait3A_53 = arith.constant 0 : i32
      %dma_wait3A_54 = arith.constant 0 : i32
      %dma_wait3A_55 = tpu.memref_slice %arg5[%add3A, %dma_wait3A_53, %dma_wait3A_54] : memref<32x79x128xf32, #tpu.memory_space<hbm>> -> memref<1x79x128xf32, #tpu.memory_space<hbm>>
      %dma_wait3A_56 = tpu.memref_squeeze %dma_wait3A_55 : memref<1x79x128xf32, #tpu.memory_space<hbm>> -> memref<79x128xf32, #tpu.memory_space<hbm>>
      tpu.wait_dma2 semaphore(%run_scoped3A : memref<!tpu.dma_semaphore, #tpu.memory_space<semaphore_mem>>) src(%dma_wait3A_56 : memref<79x128xf32, #tpu.memory_space<hbm>>) dst(%arg9 : memref<79x128xf32, #tpu.memory_space<vmem>>)
      tpu.yield
    }) : () -> ()
    %scan3A = arith.constant 0 : i32
    %scan3A_1 = arith.constant 128 : i32
    %scan3A_2 = arith.addi %scan3A, %scan3A_1 : i32
    %scan3A_3 = arith.constant 1 : i32
    scf.for %scan3A_43 = %scan3A to %scan3A_2 step %scan3A_3  : i32 {
      %mul3A_44 = arith.constant 1 : i32
      %mul3A_45 = arith.muli %scan3A_43, %mul3A_44 : i32
      %add3A_46 = arith.constant 0 : i32
      %add3A_47 = arith.addi %add3A_46, %mul3A_45 : i32
      %broadcast_in_dim3A = arith.constant 0.000000e+00 : f32
      %broadcast_in_dim3A_48 = vector.broadcast %broadcast_in_dim3A : f32 to vector<16xf32>
      %swap3A = arith.index_cast %add3A_47 : i32 to index
      %swap3A_49 = arith.constant 0 : index
      %swap3A_50 = tpu.vector_load %arg10[%swap3A, %swap3A_49] {strides = array<i32>} : memref<128x128xf32, #tpu.memory_space<vmem>>, vector<16xf32>,
      tpu.vector_store %arg10[%swap3A, %swap3A_49], %broadcast_in_dim3A_48 {strides = array<i32>} : memref<128x128xf32, #tpu.memory_space<vmem>>, vector<16xf32>,
      %broadcast_in_dim3A_51 = arith.constant 0.000000e+00 : f32
      %broadcast_in_dim3A_52 = vector.broadcast %broadcast_in_dim3A_51 : f32 to vector<16xf32>
      %swap3A_53 = arith.index_cast %add3A_47 : i32 to index
      %swap3A_54 = arith.constant 16 : index
      %swap3A_55 = tpu.vector_load %arg10[%swap3A_53, %swap3A_54] {strides = array<i32>} : memref<128x128xf32, #tpu.memory_space<vmem>>, vector<16xf32>,
      tpu.vector_store %arg10[%swap3A_53, %swap3A_54], %broadcast_in_dim3A_52 {strides = array<i32>} : memref<128x128xf32, #tpu.memory_space<vmem>>, vector<16xf32>,
      %broadcast_in_dim3A_56 = arith.constant 0.000000e+00 : f32
      %broadcast_in_dim3A_57 = vector.broadcast %broadcast_in_dim3A_56 : f32 to vector<16xf32>
      %swap3A_58 = arith.index_cast %add3A_47 : i32 to index
      %swap3A_59 = arith.constant 32 : index
      %swap3A_60 = tpu.vector_load %arg10[%swap3A_58, %swap3A_59] {strides = array<i32>} : memref<128x128xf32, #tpu.memory_space<vmem>>, vector<16xf32>,
      tpu.vector_store %arg10[%swap3A_58, %swap3A_59], %broadcast_in_dim3A_57 {strides = array<i32>} : memref<128x128xf32, #tpu.memory_space<vmem>>, vector<16xf32>,
      %broadcast_in_dim3A_61 = arith.constant 0.000000e+00 : f32
      %broadcast_in_dim3A_62 = vector.broadcast %broadcast_in_dim3A_61 : f32 to vector<16xf32>
      %swap3A_63 = arith.index_cast %add3A_47 : i32 to index
      %swap3A_64 = arith.constant 48 : index
      %swap3A_65 = tpu.vector_load %arg10[%swap3A_63, %swap3A_64] {strides = array<i32>} : memref<128x128xf32, #tpu.memory_space<vmem>>, vector<16xf32>,
      tpu.vector_store %arg10[%swap3A_63, %swap3A_64], %broadcast_in_dim3A_62 {strides = array<i32>} : memref<128x128xf32, #tpu.memory_space<vmem>>, vector<16xf32>,
      %broadcast_in_dim3A_66 = arith.constant 0.000000e+00 : f32
      %broadcast_in_dim3A_67 = vector.broadcast %broadcast_in_dim3A_66 : f32 to vector<16xf32>
      %swap3A_68 = arith.index_cast %add3A_47 : i32 to index
      %swap3A_69 = arith.constant 64 : index
      %swap3A_70 = tpu.vector_load %arg10[%swap3A_68, %swap3A_69] {strides = array<i32>} : memref<128x128xf32, #tpu.memory_space<vmem>>, vector<16xf32>,
      tpu.vector_store %arg10[%swap3A_68, %swap3A_69], %broadcast_in_dim3A_67 {strides = array<i32>} : memref<128x128xf32, #tpu.memory_space<vmem>>, vector<16xf32>,
      %broadcast_in_dim3A_71 = arith.constant 0.000000e+00 : f32
      %broadcast_in_dim3A_72 = vector.broadcast %broadcast_in_dim3A_71 : f32 to vector<16xf32>
      %swap3A_73 = arith.index_cast %add3A_47 : i32 to index
      %swap3A_74 = arith.constant 80 : index
      %swap3A_75 = tpu.vector_load %arg10[%swap3A_73, %swap3A_74] {strides = array<i32>} : memref<128x128xf32, #tpu.memory_space<vmem>>, vector<16xf32>,
      tpu.vector_store %arg10[%swap3A_73, %swap3A_74], %broadcast_in_dim3A_72 {strides = array<i32>} : memref<128x128xf32, #tpu.memory_space<vmem>>, vector<16xf32>,
      %broadcast_in_dim3A_76 = arith.constant 0.000000e+00 : f32
      %broadcast_in_dim3A_77 = vector.broadcast %broadcast_in_dim3A_76 : f32 to vector<16xf32>
      %swap3A_78 = arith.index_cast %add3A_47 : i32 to index
      %swap3A_79 = arith.constant 96 : index
      %swap3A_80 = tpu.vector_load %arg10[%swap3A_78, %swap3A_79] {strides = array<i32>} : memref<128x128xf32, #tpu.memory_space<vmem>>, vector<16xf32>,
      tpu.vector_store %arg10[%swap3A_78, %swap3A_79], %broadcast_in_dim3A_77 {strides = array<i32>} : memref<128x128xf32, #tpu.memory_space<vmem>>, vector<16xf32>,
      %broadcast_in_dim3A_81 = arith.constant 0.000000e+00 : f32
      %broadcast_in_dim3A_82 = vector.broadcast %broadcast_in_dim3A_81 : f32 to vector<16xf32>
      %swap3A_83 = arith.index_cast %add3A_47 : i32 to index
      %swap3A_84 = arith.constant 112 : index
      %swap3A_85 = tpu.vector_load %arg10[%swap3A_83, %swap3A_84] {strides = array<i32>} : memref<128x128xf32, #tpu.memory_space<vmem>>, vector<16xf32>,
      tpu.vector_store %arg10[%swap3A_83, %swap3A_84], %broadcast_in_dim3A_82 {strides = array<i32>} : memref<128x128xf32, #tpu.memory_space<vmem>>, vector<16xf32>,
    }
    %scan3A_4 = arith.constant 128 : i32
    %mul3A_5 = arith.constant 640 : i32
    %mul3A_6 = arith.muli %arg1, %mul3A_5 : i32
    %add3A_7 = arith.constant 0 : i32
    %add3A_8 = arith.addi %mul3A_6, %add3A_7 : i32
    "tpu.region"() ({
      %run_scoped3A = tpu.sem_alloc : memref<!tpu.dma_semaphore, #tpu.memory_space<semaphore_mem>>
      %dma_start3A = arith.constant 0 : i32
      %dma_start3A_43 = arith.constant 0 : i32
      %dma_start3A_44 = tpu.memref_slice %arg10[%dma_start3A, %dma_start3A_43] : memref<128x128xf32, #tpu.memory_space<vmem>> -> memref<128x128xf32, #tpu.memory_space<vmem>>
      %dma_start3A_45 = arith.constant 0 : i32
      %dma_start3A_46 = tpu.memref_slice %arg11[%add3A_8, %dma_start3A_45] : memref<10240x128xf32, #tpu.memory_space<vmem_shared>> -> memref<128x128xf32, #tpu.memory_space<vmem_shared>>
      %dma_start3A_47 = arith.constant 0 : i32
      %dma_start3A_48 = tpu.memref_slice %arg11[%add3A_8, %dma_start3A_47] : memref<10240x128xf32, #tpu.memory_space<vmem_shared>> -> memref<128x128xf32, #tpu.memory_space<vmem_shared>>
      %dma_start3A_49 = arith.constant 0 : i32
      %dma_start3A_50 = arith.constant 0 : i32
      %dma_start3A_51 = tpu.memref_slice %arg10[%dma_start3A_49, %dma_start3A_50] : memref<128x128xf32, #tpu.memory_space<vmem>> -> memref<128x128xf32, #tpu.memory_space<vmem>>
      tpu.enqueue_dma source(%dma_start3A_51 : memref<128x128xf32, #tpu.memory_space<vmem>>) target(%dma_start3A_48 : memref<128x128xf32, #tpu.memory_space<vmem_shared>>) target_semaphore(%run_scoped3A : memref<!tpu.dma_semaphore, #tpu.memory_space<semaphore_mem>>)
      %dma_wait3A = arith.constant 0 : i32
      %dma_wait3A_52 = arith.constant 0 : i32
      %dma_wait3A_53 = tpu.memref_slice %arg10[%dma_wait3A, %dma_wait3A_52] : memref<128x128xf32, #tpu.memory_space<vmem>> -> memref<128x128xf32, #tpu.memory_space<vmem>>
      %dma_wait3A_54 = arith.constant 0 : i32
      %dma_wait3A_55 = tpu.memref_slice %arg11[%add3A_8, %dma_wait3A_54] : memref<10240x128xf32, #tpu.memory_space<vmem_shared>> -> memref<128x128xf32, #tpu.memory_space<vmem_shared>>
      %dma_wait3A_56 = arith.constant 0 : i32
      %dma_wait3A_57 = tpu.memref_slice %arg11[%add3A_8, %dma_wait3A_56] : memref<10240x128xf32, #tpu.memory_space<vmem_shared>> -> memref<128x128xf32, #tpu.memory_space<vmem_shared>>
      %dma_wait3A_58 = arith.constant 0 : i32
      %dma_wait3A_59 = arith.constant 0 : i32
      %dma_wait3A_60 = tpu.memref_slice %arg10[%dma_wait3A_58, %dma_wait3A_59] : memref<128x128xf32, #tpu.memory_space<vmem>> -> memref<128x128xf32, #tpu.memory_space<vmem>>
      tpu.wait_dma2 semaphore(%run_scoped3A : memref<!tpu.dma_semaphore, #tpu.memory_space<semaphore_mem>>) src(%dma_wait3A_60 : memref<128x128xf32, #tpu.memory_space<vmem>>) dst(%dma_wait3A_57 : memref<128x128xf32, #tpu.memory_space<vmem_shared>>)
      tpu.yield
    }) : () -> ()
    %add3A_9 = arith.constant 128 : i32
    %add3A_10 = arith.addi %mul3A_6, %add3A_9 : i32
    "tpu.region"() ({
      %run_scoped3A = tpu.sem_alloc : memref<!tpu.dma_semaphore, #tpu.memory_space<semaphore_mem>>
      %dma_start3A = arith.constant 0 : i32
      %dma_start3A_43 = arith.constant 0 : i32
      %dma_start3A_44 = tpu.memref_slice %arg10[%dma_start3A, %dma_start3A_43] : memref<128x128xf32, #tpu.memory_space<vmem>> -> memref<128x128xf32, #tpu.memory_space<vmem>>
      %dma_start3A_45 = arith.constant 0 : i32
      %dma_start3A_46 = tpu.memref_slice %arg11[%add3A_10, %dma_start3A_45] : memref<10240x128xf32, #tpu.memory_space<vmem_shared>> -> memref<128x128xf32, #tpu.memory_space<vmem_shared>>
      %dma_start3A_47 = arith.constant 0 : i32
      %dma_start3A_48 = tpu.memref_slice %arg11[%add3A_10, %dma_start3A_47] : memref<10240x128xf32, #tpu.memory_space<vmem_shared>> -> memref<128x128xf32, #tpu.memory_space<vmem_shared>>
      %dma_start3A_49 = arith.constant 0 : i32
      %dma_start3A_50 = arith.constant 0 : i32
      %dma_start3A_51 = tpu.memref_slice %arg10[%dma_start3A_49, %dma_start3A_50] : memref<128x128xf32, #tpu.memory_space<vmem>> -> memref<128x128xf32, #tpu.memory_space<vmem>>
      tpu.enqueue_dma source(%dma_start3A_51 : memref<128x128xf32, #tpu.memory_space<vmem>>) target(%dma_start3A_48 : memref<128x128xf32, #tpu.memory_space<vmem_shared>>) target_semaphore(%run_scoped3A : memref<!tpu.dma_semaphore, #tpu.memory_space<semaphore_mem>>)
      %dma_wait3A = arith.constant 0 : i32
      %dma_wait3A_52 = arith.constant 0 : i32
      %dma_wait3A_53 = tpu.memref_slice %arg10[%dma_wait3A, %dma_wait3A_52] : memref<128x128xf32, #tpu.memory_space<vmem>> -> memref<128x128xf32, #tpu.memory_space<vmem>>
      %dma_wait3A_54 = arith.constant 0 : i32
      %dma_wait3A_55 = tpu.memref_slice %arg11[%add3A_10, %dma_wait3A_54] : memref<10240x128xf32, #tpu.memory_space<vmem_shared>> -> memref<128x128xf32, #tpu.memory_space<vmem_shared>>
      %dma_wait3A_56 = arith.constant 0 : i32
      %dma_wait3A_57 = tpu.memref_slice %arg11[%add3A_10, %dma_wait3A_56] : memref<10240x128xf32, #tpu.memory_space<vmem_shared>> -> memref<128x128xf32, #tpu.memory_space<vmem_shared>>
      %dma_wait3A_58 = arith.constant 0 : i32
      %dma_wait3A_59 = arith.constant 0 : i32
      %dma_wait3A_60 = tpu.memref_slice %arg10[%dma_wait3A_58, %dma_wait3A_59] : memref<128x128xf32, #tpu.memory_space<vmem>> -> memref<128x128xf32, #tpu.memory_space<vmem>>
      tpu.wait_dma2 semaphore(%run_scoped3A : memref<!tpu.dma_semaphore, #tpu.memory_space<semaphore_mem>>) src(%dma_wait3A_60 : memref<128x128xf32, #tpu.memory_space<vmem>>) dst(%dma_wait3A_57 : memref<128x128xf32, #tpu.memory_space<vmem_shared>>)
      tpu.yield
    }) : () -> ()
    %add3A_11 = arith.constant 256 : i32
    %add3A_12 = arith.addi %mul3A_6, %add3A_11 : i32
    "tpu.region"() ({
      %run_scoped3A = tpu.sem_alloc : memref<!tpu.dma_semaphore, #tpu.memory_space<semaphore_mem>>
      %dma_start3A = arith.constant 0 : i32
      %dma_start3A_43 = arith.constant 0 : i32
      %dma_start3A_44 = tpu.memref_slice %arg10[%dma_start3A, %dma_start3A_43] : memref<128x128xf32, #tpu.memory_space<vmem>> -> memref<128x128xf32, #tpu.memory_space<vmem>>
      %dma_start3A_45 = arith.constant 0 : i32
      %dma_start3A_46 = tpu.memref_slice %arg11[%add3A_12, %dma_start3A_45] : memref<10240x128xf32, #tpu.memory_space<vmem_shared>> -> memref<128x128xf32, #tpu.memory_space<vmem_shared>>
      %dma_start3A_47 = arith.constant 0 : i32
      %dma_start3A_48 = tpu.memref_slice %arg11[%add3A_12, %dma_start3A_47] : memref<10240x128xf32, #tpu.memory_space<vmem_shared>> -> memref<128x128xf32, #tpu.memory_space<vmem_shared>>
      %dma_start3A_49 = arith.constant 0 : i32
      %dma_start3A_50 = arith.constant 0 : i32
      %dma_start3A_51 = tpu.memref_slice %arg10[%dma_start3A_49, %dma_start3A_50] : memref<128x128xf32, #tpu.memory_space<vmem>> -> memref<128x128xf32, #tpu.memory_space<vmem>>
      tpu.enqueue_dma source(%dma_start3A_51 : memref<128x128xf32, #tpu.memory_space<vmem>>) target(%dma_start3A_48 : memref<128x128xf32, #tpu.memory_space<vmem_shared>>) target_semaphore(%run_scoped3A : memref<!tpu.dma_semaphore, #tpu.memory_space<semaphore_mem>>)
      %dma_wait3A = arith.constant 0 : i32
      %dma_wait3A_52 = arith.constant 0 : i32
      %dma_wait3A_53 = tpu.memref_slice %arg10[%dma_wait3A, %dma_wait3A_52] : memref<128x128xf32, #tpu.memory_space<vmem>> -> memref<128x128xf32, #tpu.memory_space<vmem>>
      %dma_wait3A_54 = arith.constant 0 : i32
      %dma_wait3A_55 = tpu.memref_slice %arg11[%add3A_12, %dma_wait3A_54] : memref<10240x128xf32, #tpu.memory_space<vmem_shared>> -> memref<128x128xf32, #tpu.memory_space<vmem_shared>>
      %dma_wait3A_56 = arith.constant 0 : i32
      %dma_wait3A_57 = tpu.memref_slice %arg11[%add3A_12, %dma_wait3A_56] : memref<10240x128xf32, #tpu.memory_space<vmem_shared>> -> memref<128x128xf32, #tpu.memory_space<vmem_shared>>
      %dma_wait3A_58 = arith.constant 0 : i32
      %dma_wait3A_59 = arith.constant 0 : i32
      %dma_wait3A_60 = tpu.memref_slice %arg10[%dma_wait3A_58, %dma_wait3A_59] : memref<128x128xf32, #tpu.memory_space<vmem>> -> memref<128x128xf32, #tpu.memory_space<vmem>>
      tpu.wait_dma2 semaphore(%run_scoped3A : memref<!tpu.dma_semaphore, #tpu.memory_space<semaphore_mem>>) src(%dma_wait3A_60 : memref<128x128xf32, #tpu.memory_space<vmem>>) dst(%dma_wait3A_57 : memref<128x128xf32, #tpu.memory_space<vmem_shared>>)
      tpu.yield
    }) : () -> ()
    %add3A_13 = arith.constant 384 : i32
    %add3A_14 = arith.addi %mul3A_6, %add3A_13 : i32
    "tpu.region"() ({
      %run_scoped3A = tpu.sem_alloc : memref<!tpu.dma_semaphore, #tpu.memory_space<semaphore_mem>>
      %dma_start3A = arith.constant 0 : i32
      %dma_start3A_43 = arith.constant 0 : i32
      %dma_start3A_44 = tpu.memref_slice %arg10[%dma_start3A, %dma_start3A_43] : memref<128x128xf32, #tpu.memory_space<vmem>> -> memref<128x128xf32, #tpu.memory_space<vmem>>
      %dma_start3A_45 = arith.constant 0 : i32
      %dma_start3A_46 = tpu.memref_slice %arg11[%add3A_14, %dma_start3A_45] : memref<10240x128xf32, #tpu.memory_space<vmem_shared>> -> memref<128x128xf32, #tpu.memory_space<vmem_shared>>
      %dma_start3A_47 = arith.constant 0 : i32
      %dma_start3A_48 = tpu.memref_slice %arg11[%add3A_14, %dma_start3A_47] : memref<10240x128xf32, #tpu.memory_space<vmem_shared>> -> memref<128x128xf32, #tpu.memory_space<vmem_shared>>
      %dma_start3A_49 = arith.constant 0 : i32
      %dma_start3A_50 = arith.constant 0 : i32
      %dma_start3A_51 = tpu.memref_slice %arg10[%dma_start3A_49, %dma_start3A_50] : memref<128x128xf32, #tpu.memory_space<vmem>> -> memref<128x128xf32, #tpu.memory_space<vmem>>
      tpu.enqueue_dma source(%dma_start3A_51 : memref<128x128xf32, #tpu.memory_space<vmem>>) target(%dma_start3A_48 : memref<128x128xf32, #tpu.memory_space<vmem_shared>>) target_semaphore(%run_scoped3A : memref<!tpu.dma_semaphore, #tpu.memory_space<semaphore_mem>>)
      %dma_wait3A = arith.constant 0 : i32
      %dma_wait3A_52 = arith.constant 0 : i32
      %dma_wait3A_53 = tpu.memref_slice %arg10[%dma_wait3A, %dma_wait3A_52] : memref<128x128xf32, #tpu.memory_space<vmem>> -> memref<128x128xf32, #tpu.memory_space<vmem>>
      %dma_wait3A_54 = arith.constant 0 : i32
      %dma_wait3A_55 = tpu.memref_slice %arg11[%add3A_14, %dma_wait3A_54] : memref<10240x128xf32, #tpu.memory_space<vmem_shared>> -> memref<128x128xf32, #tpu.memory_space<vmem_shared>>
      %dma_wait3A_56 = arith.constant 0 : i32
      %dma_wait3A_57 = tpu.memref_slice %arg11[%add3A_14, %dma_wait3A_56] : memref<10240x128xf32, #tpu.memory_space<vmem_shared>> -> memref<128x128xf32, #tpu.memory_space<vmem_shared>>
      %dma_wait3A_58 = arith.constant 0 : i32
      %dma_wait3A_59 = arith.constant 0 : i32
      %dma_wait3A_60 = tpu.memref_slice %arg10[%dma_wait3A_58, %dma_wait3A_59] : memref<128x128xf32, #tpu.memory_space<vmem>> -> memref<128x128xf32, #tpu.memory_space<vmem>>
      tpu.wait_dma2 semaphore(%run_scoped3A : memref<!tpu.dma_semaphore, #tpu.memory_space<semaphore_mem>>) src(%dma_wait3A_60 : memref<128x128xf32, #tpu.memory_space<vmem>>) dst(%dma_wait3A_57 : memref<128x128xf32, #tpu.memory_space<vmem_shared>>)
      tpu.yield
    }) : () -> ()
    %add3A_15 = arith.constant 512 : i32
    %add3A_16 = arith.addi %mul3A_6, %add3A_15 : i32
    "tpu.region"() ({
      %run_scoped3A = tpu.sem_alloc : memref<!tpu.dma_semaphore, #tpu.memory_space<semaphore_mem>>
      %dma_start3A = arith.constant 0 : i32
      %dma_start3A_43 = arith.constant 0 : i32
      %dma_start3A_44 = tpu.memref_slice %arg10[%dma_start3A, %dma_start3A_43] : memref<128x128xf32, #tpu.memory_space<vmem>> -> memref<128x128xf32, #tpu.memory_space<vmem>>
      %dma_start3A_45 = arith.constant 0 : i32
      %dma_start3A_46 = tpu.memref_slice %arg11[%add3A_16, %dma_start3A_45] : memref<10240x128xf32, #tpu.memory_space<vmem_shared>> -> memref<128x128xf32, #tpu.memory_space<vmem_shared>>
      %dma_start3A_47 = arith.constant 0 : i32
      %dma_start3A_48 = tpu.memref_slice %arg11[%add3A_16, %dma_start3A_47] : memref<10240x128xf32, #tpu.memory_space<vmem_shared>> -> memref<128x128xf32, #tpu.memory_space<vmem_shared>>
      %dma_start3A_49 = arith.constant 0 : i32
      %dma_start3A_50 = arith.constant 0 : i32
      %dma_start3A_51 = tpu.memref_slice %arg10[%dma_start3A_49, %dma_start3A_50] : memref<128x128xf32, #tpu.memory_space<vmem>> -> memref<128x128xf32, #tpu.memory_space<vmem>>
      tpu.enqueue_dma source(%dma_start3A_51 : memref<128x128xf32, #tpu.memory_space<vmem>>) target(%dma_start3A_48 : memref<128x128xf32, #tpu.memory_space<vmem_shared>>) target_semaphore(%run_scoped3A : memref<!tpu.dma_semaphore, #tpu.memory_space<semaphore_mem>>)
      %dma_wait3A = arith.constant 0 : i32
      %dma_wait3A_52 = arith.constant 0 : i32
      %dma_wait3A_53 = tpu.memref_slice %arg10[%dma_wait3A, %dma_wait3A_52] : memref<128x128xf32, #tpu.memory_space<vmem>> -> memref<128x128xf32, #tpu.memory_space<vmem>>
      %dma_wait3A_54 = arith.constant 0 : i32
      %dma_wait3A_55 = tpu.memref_slice %arg11[%add3A_16, %dma_wait3A_54] : memref<10240x128xf32, #tpu.memory_space<vmem_shared>> -> memref<128x128xf32, #tpu.memory_space<vmem_shared>>
      %dma_wait3A_56 = arith.constant 0 : i32
      %dma_wait3A_57 = tpu.memref_slice %arg11[%add3A_16, %dma_wait3A_56] : memref<10240x128xf32, #tpu.memory_space<vmem_shared>> -> memref<128x128xf32, #tpu.memory_space<vmem_shared>>
      %dma_wait3A_58 = arith.constant 0 : i32
      %dma_wait3A_59 = arith.constant 0 : i32
      %dma_wait3A_60 = tpu.memref_slice %arg10[%dma_wait3A_58, %dma_wait3A_59] : memref<128x128xf32, #tpu.memory_space<vmem>> -> memref<128x128xf32, #tpu.memory_space<vmem>>
      tpu.wait_dma2 semaphore(%run_scoped3A : memref<!tpu.dma_semaphore, #tpu.memory_space<semaphore_mem>>) src(%dma_wait3A_60 : memref<128x128xf32, #tpu.memory_space<vmem>>) dst(%dma_wait3A_57 : memref<128x128xf32, #tpu.memory_space<vmem_shared>>)
      tpu.yield
    }) : () -> ()
    %barrier3A = arith.constant 0 : index
    tpu.barrier barrier_id(%barrier3A)
    %scan3A_17 = arith.constant 0 : i32
    %scan3A_18 = arith.constant 79 : i32
    %scan3A_19 = arith.addi %scan3A_17, %scan3A_18 : i32
    %scan3A_20 = arith.constant 1 : i32
    scf.for %scan3A_43 = %scan3A_17 to %scan3A_19 step %scan3A_20  : i32 {
      %mul3A_44 = arith.constant 1 : i32
      %mul3A_45 = arith.muli %scan3A_43, %mul3A_44 : i32
      %add3A_46 = arith.constant 0 : i32
      %add3A_47 = arith.addi %add3A_46, %mul3A_45 : i32
      "tpu.region"() ({
        %run_scoped3A = tpu.sem_alloc : memref<!tpu.dma_semaphore, #tpu.memory_space<semaphore_mem>>
        %dma_start3A = arith.constant 0 : i32
        %dma_start3A_53 = tpu.memref_slice %arg7[%add3A_47, %dma_start3A] : memref<79x128xi32, #tpu.memory_space<vmem>> -> memref<1x128xi32, #tpu.memory_space<vmem>>
        %dma_start3A_54 = tpu.memref_squeeze %dma_start3A_53 : memref<1x128xi32, #tpu.memory_space<vmem>> -> memref<128xi32, #tpu.memory_space<vmem>>
        %dma_start3A_55 = arith.constant 0 : i32
        %dma_start3A_56 = arith.constant 0 : i32
        %dma_start3A_57 = tpu.memref_slice %arg2[%dma_start3A_55, %dma_start3A_56] : memref<10240x128xf32, #tpu.memory_space<hbm>> -> memref<10240x128xf32, #tpu.memory_space<hbm>>
        tpu.enqueue_indirect_dma source(%dma_start3A_57 : memref<10240x128xf32, #tpu.memory_space<hbm>>) target(%arg10 : memref<128x128xf32, #tpu.memory_space<vmem>>) offsets(%dma_start3A_54 : memref<128xi32, #tpu.memory_space<vmem>>) semaphore(%run_scoped3A : memref<!tpu.dma_semaphore, #tpu.memory_space<semaphore_mem>>)
        %dma_wait3A = arith.constant 0 : i32
        %dma_wait3A_58 = tpu.memref_slice %arg7[%add3A_47, %dma_wait3A] : memref<79x128xi32, #tpu.memory_space<vmem>> -> memref<1x128xi32, #tpu.memory_space<vmem>>
        %dma_wait3A_59 = tpu.memref_squeeze %dma_wait3A_58 : memref<1x128xi32, #tpu.memory_space<vmem>> -> memref<128xi32, #tpu.memory_space<vmem>>
        %dma_wait3A_60 = arith.constant 0 : i32
        %dma_wait3A_61 = arith.constant 0 : i32
        %dma_wait3A_62 = tpu.memref_slice %arg2[%dma_wait3A_60, %dma_wait3A_61] : memref<10240x128xf32, #tpu.memory_space<hbm>> -> memref<10240x128xf32, #tpu.memory_space<hbm>>
        tpu.wait_indirect_dma semaphore(%run_scoped3A : memref<!tpu.dma_semaphore, #tpu.memory_space<semaphore_mem>>) src(%dma_wait3A_62 : memref<10240x128xf32, #tpu.memory_space<hbm>>) dst(%arg10 : memref<128x128xf32, #tpu.memory_space<vmem>>)
        tpu.yield
      }) : () -> ()
      %scan3A_48 = arith.constant 0 : i32
      %scan3A_49 = arith.constant 128 : i32
      %scan3A_50 = arith.addi %scan3A_48, %scan3A_49 : i32
      %scan3A_51 = arith.constant 1 : i32
      scf.for %scan3A_53 = %scan3A_48 to %scan3A_50 step %scan3A_51  : i32 {
        %mul3A_54 = arith.constant 1 : i32
        %mul3A_55 = arith.muli %scan3A_53, %mul3A_54 : i32
        %add3A_56 = arith.constant 0 : i32
        %add3A_57 = arith.addi %add3A_56, %mul3A_55 : i32
        %broadcast_in_dim3A = vector.broadcast %add3A_47 : i32 to vector<16xi32>
        %broadcast_in_dim3A_58 = vector.broadcast %add3A_57 : i32 to vector<16xi32>
        %gather3A = tpu.vector_load_idx %arg9[%broadcast_in_dim3A, %broadcast_in_dim3A_58] : memref<79x128xf32, #tpu.memory_space<vmem>>[vector<16xi32>, vector<16xi32>], vector<16xf32>,
        %get3A = arith.index_cast %add3A_57 : i32 to index
        %get3A_59 = arith.constant 0 : index
        %get3A_60 = tpu.vector_load %arg10[%get3A, %get3A_59] {strides = array<i32>} : memref<128x128xf32, #tpu.memory_space<vmem>>, vector<16xf32>,
        %mul3A_61 = arith.mulf %get3A_60, %gather3A : vector<16xf32>
        %swap3A = arith.index_cast %add3A_57 : i32 to index
        %swap3A_62 = arith.constant 0 : index
        %swap3A_63 = tpu.vector_load %arg10[%swap3A, %swap3A_62] {strides = array<i32>} : memref<128x128xf32, #tpu.memory_space<vmem>>, vector<16xf32>,
        tpu.vector_store %arg10[%swap3A, %swap3A_62], %mul3A_61 {strides = array<i32>} : memref<128x128xf32, #tpu.memory_space<vmem>>, vector<16xf32>,
        %get3A_64 = arith.index_cast %add3A_57 : i32 to index
        %get3A_65 = arith.constant 16 : index
        %get3A_66 = tpu.vector_load %arg10[%get3A_64, %get3A_65] {strides = array<i32>} : memref<128x128xf32, #tpu.memory_space<vmem>>, vector<16xf32>,
        %mul3A_67 = arith.mulf %get3A_66, %gather3A : vector<16xf32>
        %swap3A_68 = arith.index_cast %add3A_57 : i32 to index
        %swap3A_69 = arith.constant 16 : index
        %swap3A_70 = tpu.vector_load %arg10[%swap3A_68, %swap3A_69] {strides = array<i32>} : memref<128x128xf32, #tpu.memory_space<vmem>>, vector<16xf32>,
        tpu.vector_store %arg10[%swap3A_68, %swap3A_69], %mul3A_67 {strides = array<i32>} : memref<128x128xf32, #tpu.memory_space<vmem>>, vector<16xf32>,
        %get3A_71 = arith.index_cast %add3A_57 : i32 to index
        %get3A_72 = arith.constant 32 : index
        %get3A_73 = tpu.vector_load %arg10[%get3A_71, %get3A_72] {strides = array<i32>} : memref<128x128xf32, #tpu.memory_space<vmem>>, vector<16xf32>,
        %mul3A_74 = arith.mulf %get3A_73, %gather3A : vector<16xf32>
        %swap3A_75 = arith.index_cast %add3A_57 : i32 to index
        %swap3A_76 = arith.constant 32 : index
        %swap3A_77 = tpu.vector_load %arg10[%swap3A_75, %swap3A_76] {strides = array<i32>} : memref<128x128xf32, #tpu.memory_space<vmem>>, vector<16xf32>,
        tpu.vector_store %arg10[%swap3A_75, %swap3A_76], %mul3A_74 {strides = array<i32>} : memref<128x128xf32, #tpu.memory_space<vmem>>, vector<16xf32>,
        %get3A_78 = arith.index_cast %add3A_57 : i32 to index
        %get3A_79 = arith.constant 48 : index
        %get3A_80 = tpu.vector_load %arg10[%get3A_78, %get3A_79] {strides = array<i32>} : memref<128x128xf32, #tpu.memory_space<vmem>>, vector<16xf32>,
        %mul3A_81 = arith.mulf %get3A_80, %gather3A : vector<16xf32>
        %swap3A_82 = arith.index_cast %add3A_57 : i32 to index
        %swap3A_83 = arith.constant 48 : index
        %swap3A_84 = tpu.vector_load %arg10[%swap3A_82, %swap3A_83] {strides = array<i32>} : memref<128x128xf32, #tpu.memory_space<vmem>>, vector<16xf32>,
        tpu.vector_store %arg10[%swap3A_82, %swap3A_83], %mul3A_81 {strides = array<i32>} : memref<128x128xf32, #tpu.memory_space<vmem>>, vector<16xf32>,
        %get3A_85 = arith.index_cast %add3A_57 : i32 to index
        %get3A_86 = arith.constant 64 : index
        %get3A_87 = tpu.vector_load %arg10[%get3A_85, %get3A_86] {strides = array<i32>} : memref<128x128xf32, #tpu.memory_space<vmem>>, vector<16xf32>,
        %mul3A_88 = arith.mulf %get3A_87, %gather3A : vector<16xf32>
        %swap3A_89 = arith.index_cast %add3A_57 : i32 to index
        %swap3A_90 = arith.constant 64 : index
        %swap3A_91 = tpu.vector_load %arg10[%swap3A_89, %swap3A_90] {strides = array<i32>} : memref<128x128xf32, #tpu.memory_space<vmem>>, vector<16xf32>,
        tpu.vector_store %arg10[%swap3A_89, %swap3A_90], %mul3A_88 {strides = array<i32>} : memref<128x128xf32, #tpu.memory_space<vmem>>, vector<16xf32>,
        %get3A_92 = arith.index_cast %add3A_57 : i32 to index
        %get3A_93 = arith.constant 80 : index
        %get3A_94 = tpu.vector_load %arg10[%get3A_92, %get3A_93] {strides = array<i32>} : memref<128x128xf32, #tpu.memory_space<vmem>>, vector<16xf32>,
        %mul3A_95 = arith.mulf %get3A_94, %gather3A : vector<16xf32>
        %swap3A_96 = arith.index_cast %add3A_57 : i32 to index
        %swap3A_97 = arith.constant 80 : index
        %swap3A_98 = tpu.vector_load %arg10[%swap3A_96, %swap3A_97] {strides = array<i32>} : memref<128x128xf32, #tpu.memory_space<vmem>>, vector<16xf32>,
        tpu.vector_store %arg10[%swap3A_96, %swap3A_97], %mul3A_95 {strides = array<i32>} : memref<128x128xf32, #tpu.memory_space<vmem>>, vector<16xf32>,
        %get3A_99 = arith.index_cast %add3A_57 : i32 to index
        %get3A_100 = arith.constant 96 : index
        %get3A_101 = tpu.vector_load %arg10[%get3A_99, %get3A_100] {strides = array<i32>} : memref<128x128xf32, #tpu.memory_space<vmem>>, vector<16xf32>,
        %mul3A_102 = arith.mulf %get3A_101, %gather3A : vector<16xf32>
        %swap3A_103 = arith.index_cast %add3A_57 : i32 to index
        %swap3A_104 = arith.constant 96 : index
        %swap3A_105 = tpu.vector_load %arg10[%swap3A_103, %swap3A_104] {strides = array<i32>} : memref<128x128xf32, #tpu.memory_space<vmem>>, vector<16xf32>,
        tpu.vector_store %arg10[%swap3A_103, %swap3A_104], %mul3A_102 {strides = array<i32>} : memref<128x128xf32, #tpu.memory_space<vmem>>, vector<16xf32>,
        %get3A_106 = arith.index_cast %add3A_57 : i32 to index
        %get3A_107 = arith.constant 112 : index
        %get3A_108 = tpu.vector_load %arg10[%get3A_106, %get3A_107] {strides = array<i32>} : memref<128x128xf32, #tpu.memory_space<vmem>>, vector<16xf32>,
        %mul3A_109 = arith.mulf %get3A_108, %gather3A : vector<16xf32>
        %swap3A_110 = arith.index_cast %add3A_57 : i32 to index
        %swap3A_111 = arith.constant 112 : index
        %swap3A_112 = tpu.vector_load %arg10[%swap3A_110, %swap3A_111] {strides = array<i32>} : memref<128x128xf32, #tpu.memory_space<vmem>>, vector<16xf32>,
        tpu.vector_store %arg10[%swap3A_110, %swap3A_111], %mul3A_109 {strides = array<i32>} : memref<128x128xf32, #tpu.memory_space<vmem>>, vector<16xf32>,
      }
      %scan3A_52 = arith.constant 128 : i32
      "tpu.region"() ({
        %run_scoped3A = tpu.sem_alloc : memref<!tpu.dma_semaphore, #tpu.memory_space<semaphore_mem>>
        %dma_start3A = arith.constant 0 : i32
        %dma_start3A_53 = tpu.memref_slice %arg8[%add3A_47, %dma_start3A] : memref<79x128xi32, #tpu.memory_space<vmem>> -> memref<1x128xi32, #tpu.memory_space<vmem>>
        %dma_start3A_54 = tpu.memref_squeeze %dma_start3A_53 : memref<1x128xi32, #tpu.memory_space<vmem>> -> memref<128xi32, #tpu.memory_space<vmem>>
        %dma_start3A_55 = arith.constant 0 : i32
        %dma_start3A_56 = arith.constant 0 : i32
        %dma_start3A_57 = tpu.memref_slice %arg11[%dma_start3A_55, %dma_start3A_56] : memref<10240x128xf32, #tpu.memory_space<vmem_shared>> -> memref<10240x128xf32, #tpu.memory_space<vmem_shared>>
        tpu.enqueue_indirect_dma source(%arg10 : memref<128x128xf32, #tpu.memory_space<vmem>>) target(%dma_start3A_57 : memref<10240x128xf32, #tpu.memory_space<vmem_shared>>) offsets(%dma_start3A_54 : memref<128xi32, #tpu.memory_space<vmem>>) semaphore(%run_scoped3A : memref<!tpu.dma_semaphore, #tpu.memory_space<semaphore_mem>>) {add = true}
        %dma_wait3A = arith.constant 0 : i32
        %dma_wait3A_58 = tpu.memref_slice %arg8[%add3A_47, %dma_wait3A] : memref<79x128xi32, #tpu.memory_space<vmem>> -> memref<1x128xi32, #tpu.memory_space<vmem>>
        %dma_wait3A_59 = tpu.memref_squeeze %dma_wait3A_58 : memref<1x128xi32, #tpu.memory_space<vmem>> -> memref<128xi32, #tpu.memory_space<vmem>>
        %dma_wait3A_60 = arith.constant 0 : i32
        %dma_wait3A_61 = arith.constant 0 : i32
        %dma_wait3A_62 = tpu.memref_slice %arg11[%dma_wait3A_60, %dma_wait3A_61] : memref<10240x128xf32, #tpu.memory_space<vmem_shared>> -> memref<10240x128xf32, #tpu.memory_space<vmem_shared>>
        tpu.wait_indirect_dma semaphore(%run_scoped3A : memref<!tpu.dma_semaphore, #tpu.memory_space<semaphore_mem>>) src(%arg10 : memref<128x128xf32, #tpu.memory_space<vmem>>) dst(%dma_wait3A_62 : memref<10240x128xf32, #tpu.memory_space<vmem_shared>>)
        tpu.yield
      }) : () -> ()
    }
    %scan3A_21 = arith.constant 79 : i32
    %barrier3A_22 = arith.constant 0 : index
    tpu.barrier barrier_id(%barrier3A_22)
    %add3A_23 = arith.constant 0 : i32
    %add3A_24 = arith.addi %mul3A_6, %add3A_23 : i32
    %add3A_25 = arith.constant 0 : i32
    %add3A_26 = arith.addi %mul3A_6, %add3A_25 : i32
    "tpu.region"() ({
      %run_scoped3A = tpu.sem_alloc : memref<!tpu.dma_semaphore, #tpu.memory_space<semaphore_mem>>
      %dma_start3A = arith.constant 0 : i32
      %dma_start3A_43 = tpu.memref_slice %arg6[%arg0, %add3A_26, %dma_start3A] : memref<2x10240x128xf32, #tpu.memory_space<hbm>> -> memref<1x128x128xf32, #tpu.memory_space<hbm>>
      %dma_start3A_44 = tpu.memref_squeeze %dma_start3A_43 : memref<1x128x128xf32, #tpu.memory_space<hbm>> -> memref<128x128xf32, #tpu.memory_space<hbm>>
      %dma_start3A_45 = arith.constant 0 : i32
      %dma_start3A_46 = tpu.memref_slice %arg11[%add3A_24, %dma_start3A_45] : memref<10240x128xf32, #tpu.memory_space<vmem_shared>> -> memref<128x128xf32, #tpu.memory_space<vmem_shared>>
      tpu.enqueue_dma source(%dma_start3A_46 : memref<128x128xf32, #tpu.memory_space<vmem_shared>>) target(%dma_start3A_44 : memref<128x128xf32, #tpu.memory_space<hbm>>) target_semaphore(%run_scoped3A : memref<!tpu.dma_semaphore, #tpu.memory_space<semaphore_mem>>)
      %dma_wait3A = arith.constant 0 : i32
      %dma_wait3A_47 = tpu.memref_slice %arg6[%arg0, %add3A_26, %dma_wait3A] : memref<2x10240x128xf32, #tpu.memory_space<hbm>> -> memref<1x128x128xf32, #tpu.memory_space<hbm>>
      %dma_wait3A_48 = tpu.memref_squeeze %dma_wait3A_47 : memref<1x128x128xf32, #tpu.memory_space<hbm>> -> memref<128x128xf32, #tpu.memory_space<hbm>>
      %dma_wait3A_49 = arith.constant 0 : i32
      %dma_wait3A_50 = tpu.memref_slice %arg11[%add3A_24, %dma_wait3A_49] : memref<10240x128xf32, #tpu.memory_space<vmem_shared>> -> memref<128x128xf32, #tpu.memory_space<vmem_shared>>
      tpu.wait_dma2 semaphore(%run_scoped3A : memref<!tpu.dma_semaphore, #tpu.memory_space<semaphore_mem>>) src(%dma_wait3A_50 : memref<128x128xf32, #tpu.memory_space<vmem_shared>>) dst(%dma_wait3A_48 : memref<128x128xf32, #tpu.memory_space<hbm>>)
      tpu.yield
    }) : () -> ()
    %add3A_27 = arith.constant 128 : i32
    %add3A_28 = arith.addi %mul3A_6, %add3A_27 : i32
    %add3A_29 = arith.constant 128 : i32
    %add3A_30 = arith.addi %mul3A_6, %add3A_29 : i32
    "tpu.region"() ({
      %run_scoped3A = tpu.sem_alloc : memref<!tpu.dma_semaphore, #tpu.memory_space<semaphore_mem>>
      %dma_start3A = arith.constant 0 : i32
      %dma_start3A_43 = tpu.memref_slice %arg6[%arg0, %add3A_30, %dma_start3A] : memref<2x10240x128xf32, #tpu.memory_space<hbm>> -> memref<1x128x128xf32, #tpu.memory_space<hbm>>
      %dma_start3A_44 = tpu.memref_squeeze %dma_start3A_43 : memref<1x128x128xf32, #tpu.memory_space<hbm>> -> memref<128x128xf32, #tpu.memory_space<hbm>>
      %dma_start3A_45 = arith.constant 0 : i32
      %dma_start3A_46 = tpu.memref_slice %arg11[%add3A_28, %dma_start3A_45] : memref<10240x128xf32, #tpu.memory_space<vmem_shared>> -> memref<128x128xf32, #tpu.memory_space<vmem_shared>>
      tpu.enqueue_dma source(%dma_start3A_46 : memref<128x128xf32, #tpu.memory_space<vmem_shared>>) target(%dma_start3A_44 : memref<128x128xf32, #tpu.memory_space<hbm>>) target_semaphore(%run_scoped3A : memref<!tpu.dma_semaphore, #tpu.memory_space<semaphore_mem>>)
      %dma_wait3A = arith.constant 0 : i32
      %dma_wait3A_47 = tpu.memref_slice %arg6[%arg0, %add3A_30, %dma_wait3A] : memref<2x10240x128xf32, #tpu.memory_space<hbm>> -> memref<1x128x128xf32, #tpu.memory_space<hbm>>
      %dma_wait3A_48 = tpu.memref_squeeze %dma_wait3A_47 : memref<1x128x128xf32, #tpu.memory_space<hbm>> -> memref<128x128xf32, #tpu.memory_space<hbm>>
      %dma_wait3A_49 = arith.constant 0 : i32
      %dma_wait3A_50 = tpu.memref_slice %arg11[%add3A_28, %dma_wait3A_49] : memref<10240x128xf32, #tpu.memory_space<vmem_shared>> -> memref<128x128xf32, #tpu.memory_space<vmem_shared>>
      tpu.wait_dma2 semaphore(%run_scoped3A : memref<!tpu.dma_semaphore, #tpu.memory_space<semaphore_mem>>) src(%dma_wait3A_50 : memref<128x128xf32, #tpu.memory_space<vmem_shared>>) dst(%dma_wait3A_48 : memref<128x128xf32, #tpu.memory_space<hbm>>)
      tpu.yield
    }) : () -> ()
    %add3A_31 = arith.constant 256 : i32
    %add3A_32 = arith.addi %mul3A_6, %add3A_31 : i32
    %add3A_33 = arith.constant 256 : i32
    %add3A_34 = arith.addi %mul3A_6, %add3A_33 : i32
    "tpu.region"() ({
      %run_scoped3A = tpu.sem_alloc : memref<!tpu.dma_semaphore, #tpu.memory_space<semaphore_mem>>
      %dma_start3A = arith.constant 0 : i32
      %dma_start3A_43 = tpu.memref_slice %arg6[%arg0, %add3A_34, %dma_start3A] : memref<2x10240x128xf32, #tpu.memory_space<hbm>> -> memref<1x128x128xf32, #tpu.memory_space<hbm>>
      %dma_start3A_44 = tpu.memref_squeeze %dma_start3A_43 : memref<1x128x128xf32, #tpu.memory_space<hbm>> -> memref<128x128xf32, #tpu.memory_space<hbm>>
      %dma_start3A_45 = arith.constant 0 : i32
      %dma_start3A_46 = tpu.memref_slice %arg11[%add3A_32, %dma_start3A_45] : memref<10240x128xf32, #tpu.memory_space<vmem_shared>> -> memref<128x128xf32, #tpu.memory_space<vmem_shared>>
      tpu.enqueue_dma source(%dma_start3A_46 : memref<128x128xf32, #tpu.memory_space<vmem_shared>>) target(%dma_start3A_44 : memref<128x128xf32, #tpu.memory_space<hbm>>) target_semaphore(%run_scoped3A : memref<!tpu.dma_semaphore, #tpu.memory_space<semaphore_mem>>)
      %dma_wait3A = arith.constant 0 : i32
      %dma_wait3A_47 = tpu.memref_slice %arg6[%arg0, %add3A_34, %dma_wait3A] : memref<2x10240x128xf32, #tpu.memory_space<hbm>> -> memref<1x128x128xf32, #tpu.memory_space<hbm>>
      %dma_wait3A_48 = tpu.memref_squeeze %dma_wait3A_47 : memref<1x128x128xf32, #tpu.memory_space<hbm>> -> memref<128x128xf32, #tpu.memory_space<hbm>>
      %dma_wait3A_49 = arith.constant 0 : i32
      %dma_wait3A_50 = tpu.memref_slice %arg11[%add3A_32, %dma_wait3A_49] : memref<10240x128xf32, #tpu.memory_space<vmem_shared>> -> memref<128x128xf32, #tpu.memory_space<vmem_shared>>
      tpu.wait_dma2 semaphore(%run_scoped3A : memref<!tpu.dma_semaphore, #tpu.memory_space<semaphore_mem>>) src(%dma_wait3A_50 : memref<128x128xf32, #tpu.memory_space<vmem_shared>>) dst(%dma_wait3A_48 : memref<128x128xf32, #tpu.memory_space<hbm>>)
      tpu.yield
    }) : () -> ()
    %add3A_35 = arith.constant 384 : i32
    %add3A_36 = arith.addi %mul3A_6, %add3A_35 : i32
    %add3A_37 = arith.constant 384 : i32
    %add3A_38 = arith.addi %mul3A_6, %add3A_37 : i32
    "tpu.region"() ({
      %run_scoped3A = tpu.sem_alloc : memref<!tpu.dma_semaphore, #tpu.memory_space<semaphore_mem>>
      %dma_start3A = arith.constant 0 : i32
      %dma_start3A_43 = tpu.memref_slice %arg6[%arg0, %add3A_38, %dma_start3A] : memref<2x10240x128xf32, #tpu.memory_space<hbm>> -> memref<1x128x128xf32, #tpu.memory_space<hbm>>
      %dma_start3A_44 = tpu.memref_squeeze %dma_start3A_43 : memref<1x128x128xf32, #tpu.memory_space<hbm>> -> memref<128x128xf32, #tpu.memory_space<hbm>>
      %dma_start3A_45 = arith.constant 0 : i32
      %dma_start3A_46 = tpu.memref_slice %arg11[%add3A_36, %dma_start3A_45] : memref<10240x128xf32, #tpu.memory_space<vmem_shared>> -> memref<128x128xf32, #tpu.memory_space<vmem_shared>>
      tpu.enqueue_dma source(%dma_start3A_46 : memref<128x128xf32, #tpu.memory_space<vmem_shared>>) target(%dma_start3A_44 : memref<128x128xf32, #tpu.memory_space<hbm>>) target_semaphore(%run_scoped3A : memref<!tpu.dma_semaphore, #tpu.memory_space<semaphore_mem>>)
      %dma_wait3A = arith.constant 0 : i32
      %dma_wait3A_47 = tpu.memref_slice %arg6[%arg0, %add3A_38, %dma_wait3A] : memref<2x10240x128xf32, #tpu.memory_space<hbm>> -> memref<1x128x128xf32, #tpu.memory_space<hbm>>
      %dma_wait3A_48 = tpu.memref_squeeze %dma_wait3A_47 : memref<1x128x128xf32, #tpu.memory_space<hbm>> -> memref<128x128xf32, #tpu.memory_space<hbm>>
      %dma_wait3A_49 = arith.constant 0 : i32
      %dma_wait3A_50 = tpu.memref_slice %arg11[%add3A_36, %dma_wait3A_49] : memref<10240x128xf32, #tpu.memory_space<vmem_shared>> -> memref<128x128xf32, #tpu.memory_space<vmem_shared>>
      tpu.wait_dma2 semaphore(%run_scoped3A : memref<!tpu.dma_semaphore, #tpu.memory_space<semaphore_mem>>) src(%dma_wait3A_50 : memref<128x128xf32, #tpu.memory_space<vmem_shared>>) dst(%dma_wait3A_48 : memref<128x128xf32, #tpu.memory_space<hbm>>)
      tpu.yield
    }) : () -> ()
    %add3A_39 = arith.constant 512 : i32
    %add3A_40 = arith.addi %mul3A_6, %add3A_39 : i32
    %add3A_41 = arith.constant 512 : i32
    %add3A_42 = arith.addi %mul3A_6, %add3A_41 : i32
    "tpu.region"() ({
      %run_scoped3A = tpu.sem_alloc : memref<!tpu.dma_semaphore, #tpu.memory_space<semaphore_mem>>
      %dma_start3A = arith.constant 0 : i32
      %dma_start3A_43 = tpu.memref_slice %arg6[%arg0, %add3A_42, %dma_start3A] : memref<2x10240x128xf32, #tpu.memory_space<hbm>> -> memref<1x128x128xf32, #tpu.memory_space<hbm>>
      %dma_start3A_44 = tpu.memref_squeeze %dma_start3A_43 : memref<1x128x128xf32, #tpu.memory_space<hbm>> -> memref<128x128xf32, #tpu.memory_space<hbm>>
      %dma_start3A_45 = arith.constant 0 : i32
      %dma_start3A_46 = tpu.memref_slice %arg11[%add3A_40, %dma_start3A_45] : memref<10240x128xf32, #tpu.memory_space<vmem_shared>> -> memref<128x128xf32, #tpu.memory_space<vmem_shared>>
      tpu.enqueue_dma source(%dma_start3A_46 : memref<128x128xf32, #tpu.memory_space<vmem_shared>>) target(%dma_start3A_44 : memref<128x128xf32, #tpu.memory_space<hbm>>) target_semaphore(%run_scoped3A : memref<!tpu.dma_semaphore, #tpu.memory_space<semaphore_mem>>)
      %dma_wait3A = arith.constant 0 : i32
      %dma_wait3A_47 = tpu.memref_slice %arg6[%arg0, %add3A_42, %dma_wait3A] : memref<2x10240x128xf32, #tpu.memory_space<hbm>> -> memref<1x128x128xf32, #tpu.memory_space<hbm>>
      %dma_wait3A_48 = tpu.memref_squeeze %dma_wait3A_47 : memref<1x128x128xf32, #tpu.memory_space<hbm>> -> memref<128x128xf32, #tpu.memory_space<hbm>>
      %dma_wait3A_49 = arith.constant 0 : i32
      %dma_wait3A_50 = tpu.memref_slice %arg11[%add3A_40, %dma_wait3A_49] : memref<10240x128xf32, #tpu.memory_space<vmem_shared>> -> memref<128x128xf32, #tpu.memory_space<vmem_shared>>
      tpu.wait_dma2 semaphore(%run_scoped3A : memref<!tpu.dma_semaphore, #tpu.memory_space<semaphore_mem>>) src(%dma_wait3A_50 : memref<128x128xf32, #tpu.memory_space<vmem_shared>>) dst(%dma_wait3A_48 : memref<128x128xf32, #tpu.memory_space<hbm>>)
      tpu.yield
    }) : () -> ()
    return
  }
}

module attributes {stable_mosaic.version = 14 : i64} {
  func.func @body(%arg0: memref<2x10240x128xf32, #tpu.memory_space<vmem>>, %arg1: memref<10240x128xf32, #tpu.memory_space<vmem>>, %arg2: memref<10240x128xf32, #tpu.memory_space<vmem>>, %arg3: memref<10240x128xf32, #tpu.memory_space<vmem>>) attributes {dimension_semantics = [], scalar_prefetch = 0 : i64, scratch_operands = 0 : i64, tpu.core_type = #tpu.core_type<tc>} {
    %get3A = arith.constant 0 : index
    %get3A_0 = arith.constant 0 : index
    %get3A_1 = arith.constant 0 : index
    %get3A_2 = vector.load %arg0[%get3A, %get3A_0, %get3A_1] : memref<2x10240x128xf32, #tpu.memory_space<vmem>>, vector<1x10240x128xf32>
    %get3A_3 = vector.shape_cast %get3A_2 : vector<1x10240x128xf32> to vector<10240x128xf32>
    %get3A_4 = arith.constant 1 : index
    %get3A_5 = arith.constant 0 : index
    %get3A_6 = arith.constant 0 : index
    %get3A_7 = vector.load %arg0[%get3A_4, %get3A_5, %get3A_6] : memref<2x10240x128xf32, #tpu.memory_space<vmem>>, vector<1x10240x128xf32>
    %get3A_8 = vector.shape_cast %get3A_7 : vector<1x10240x128xf32> to vector<10240x128xf32>
    %add3A = arith.addf %get3A_3, %get3A_8 : vector<10240x128xf32>
    %swap3A = arith.constant 0 : index
    %swap3A_9 = arith.constant 0 : index
    %swap3A_10 = vector.load %arg2[%swap3A, %swap3A_9] : memref<10240x128xf32, #tpu.memory_space<vmem>>, vector<10240x128xf32>
    tpu.vector_store %arg2[%swap3A, %swap3A_9], %add3A {strides = array<i32>} : memref<10240x128xf32, #tpu.memory_space<vmem>>, vector<10240x128xf32>,
    %get3A_11 = arith.constant 0 : index
    %get3A_12 = arith.constant 0 : index
    %get3A_13 = vector.load %arg1[%get3A_11, %get3A_12] : memref<10240x128xf32, #tpu.memory_space<vmem>>, vector<10240x128xf32>
    %add3A_14 = arith.addf %get3A_13, %add3A : vector<10240x128xf32>
    %swap3A_15 = arith.constant 0 : index
    %swap3A_16 = arith.constant 0 : index
    %swap3A_17 = vector.load %arg3[%swap3A_15, %swap3A_16] : memref<10240x128xf32, #tpu.memory_space<vmem>>, vector<10240x128xf32>
    tpu.vector_store %arg3[%swap3A_15, %swap3A_16], %add3A_14 {strides = array<i32>} : memref<10240x128xf32, #tpu.memory_space<vmem>>, vector<10240x128xf32>,
    return
  }
}

module attributes {stable_mosaic.version = 14 : i64} {
  func.func @body(%arg0: memref<2x10240x128xf32, #tpu.memory_space<vmem>>, %arg1: memref<10240x128xf32, #tpu.memory_space<vmem>>, %arg2: memref<10240x128xf32, #tpu.memory_space<vmem>>) attributes {dimension_semantics = [], scalar_prefetch = 0 : i64, scratch_operands = 0 : i64, tpu.core_type = #tpu.core_type<tc>} {
    %get3A = arith.constant 0 : index
    %get3A_0 = arith.constant 0 : index
    %get3A_1 = vector.load %arg1[%get3A, %get3A_0] : memref<10240x128xf32, #tpu.memory_space<vmem>>, vector<10240x128xf32>
    %get3A_2 = arith.constant 0 : index
    %get3A_3 = arith.constant 0 : index
    %get3A_4 = arith.constant 0 : index
    %get3A_5 = vector.load %arg0[%get3A_2, %get3A_3, %get3A_4] : memref<2x10240x128xf32, #tpu.memory_space<vmem>>, vector<1x10240x128xf32>
    %get3A_6 = vector.shape_cast %get3A_5 : vector<1x10240x128xf32> to vector<10240x128xf32>
    %add3A = arith.addf %get3A_1, %get3A_6 : vector<10240x128xf32>
    %get3A_7 = arith.constant 1 : index
    %get3A_8 = arith.constant 0 : index
    %get3A_9 = arith.constant 0 : index
    %get3A_10 = vector.load %arg0[%get3A_7, %get3A_8, %get3A_9] : memref<2x10240x128xf32, #tpu.memory_space<vmem>>, vector<1x10240x128xf32>
    %get3A_11 = vector.shape_cast %get3A_10 : vector<1x10240x128xf32> to vector<10240x128xf32>
    %add3A_12 = arith.addf %add3A, %get3A_11 : vector<10240x128xf32>
    %mul3A = arith.constant 2.500000e-01 : f32
    %mul3A_13 = vector.broadcast %mul3A : f32 to vector<10240x128xf32>
    %mul3A_14 = arith.mulf %add3A_12, %mul3A_13 : vector<10240x128xf32>
    %swap3A = arith.constant 0 : index
    %swap3A_15 = arith.constant 0 : index
    %swap3A_16 = vector.load %arg2[%swap3A, %swap3A_15] : memref<10240x128xf32, #tpu.memory_space<vmem>>, vector<10240x128xf32>
    tpu.vector_store %arg2[%swap3A, %swap3A_15], %mul3A_14 {strides = array<i32>} : memref<10240x128xf32, #tpu.memory_space<vmem>>, vector<10240x128xf32>,
    return
  }
}

</mosaic_0001>

<sc_bundles>
// kernel: kernel.11.cloned.1.call-start
scs
__scs_entry_jumppad:
0x0: {  	(pc) =	sbr.rel $0x88, $3  }
0x1: {  	(tag) =	ssettag $0x0;
	lr =	simm.s32 $0x1  }
0x2: {  	[smem:$0x3F9D] =	sst lr;
	_ =	strace $0xD0000000  }
0x3: {  	_ = 	snop  }
0x4: {  	_ = 	snop  }
0x5: {  	_ = 	snop  }
0x6: {  	_ = 	snop  }
0x7: {  	_ = 	snop  }
__scs_overlays_trampoline_lowered:
0x8: {  	[smem:$0x3FAC] =	sst s0  }
0x9: {  	[smem:$0x3FAD] =	sst s1  }
0xa: {  	[smem:$0x3FAE] =	sst s2  }
0xb: {  	[smem:$0x3FAF] =	sst s3  }
0xc: {  	[smem:$0x3FB0] =	sst s4  }
0xd: {  	[smem:$0x3FB1] =	sst s5  }
0xe: {  	[smem:$0x3FB2] =	sst s6  }
0xf: {  	[smem:$0x3FB3] =	sst s7  }
0x10: {  	[smem:$0x3FB4] =	sst s8  }
0x11: {  	[smem:$0x3FB5] =	sst s9;
	s0 =	simm.s32 @!p0 $0x0  }
0x12: {  	s1 =	sld [smem:$0x3F9B];
	s0 =	simm.s32 @p0 $0x1  }
0x13: {  	[smem:$0x3FB6] =	sst s0;
	s0 =	simm.s32 @!p1 $0x0  }
0x14: {  	s2 =	sld [smem:$0x3F9A];
	s0 =	simm.s32 @p1 $0x1  }
0x15: {  	[smem:$0x3FB7] =	sst s0;
	s0 =	simm.s32 @!p2 $0x0  }
0x16: {  	s3 =	sld [smem:$0x3FDB];
	s0 =	simm.s32 @p2 $0x1  }
0x17: {  	s4 =	simm.s32 $0x1BF5;
	[smem:$0x3FB9] =	sst s0  }
0x18: {  	s0 =	sld [smem:$0x3F9C];
	_ =	swait.ge [sflag:s4], $0x0  }
0x19: {  	s7 =	sld [smem:$0x3F9D]  }
0x1a: {  	s8 =	sadd.s32 $0xFFFFE003, lr  }
0x1b: {  	s9 =	sadd.s32 $0xFFFFFEF7, lr;
	s5 =	simm.s32 $0xFFFFFFFF;
	p2 =	slt.u32 s8, $0xFFFFF086  }
0x1c: {  	p1 =	slt.u32 s9, $0xF7A;
	s5 =	simm.s32 @!p2 $0x0  }
0x1d: {  	s5 =	simm.s32 @p1 $0x1;
	p0 =	seq.s32 s7, s2  }
0x1e: {  	s7 =	smul.u32 @!p0 $0xF7A, s2;
	p2 =	seq.s32 @!p0 s5, $0x0  }
0x1f: {  	s9 =	smul.u32 $0xF7A, s1;
	s8 =	simm.s32 @!p0 $0x1BF5;
	p2 =	por !p2, p0  }
0x20: {  	[sflag:s8] =	ssyncset.s32 @!p0 $0xFFFFF086;
	s6 =	sadd.s32 @!p0 s3, s7;
	s7 =	simm.s32 @!p0 $0x108  }
0x21: {  	s3 =	sadd.s32 s3, s9;
	s6 =	sadd.s32 @!p0 $0x88, s6;
	s7 =	simm.s32 @p2 $0x1082  }
0x22: {  	[simem:s7], [sflag:s8] =	dma.local @!p0 [hbm:s6], $0xF7A  }
0x23: {  	s9 =	sor.u32 $0xD0000000, s2;
	s6 =	simm.s32 $0x108;
	_ =	swait.ge @!p0 [sflag:s8], $0x0  }
0x24: {  	s3 =	sadd.s32 $0x88, s3;
	s6 =	simm.s32 @!p1 $0x1082;
	[sflag:s4] =	ssyncset.s32 $0xFFFFF086  }
0x25: {  	[simem:s6], [sflag:s4] =	dma.local [hbm:s3], $0xF7A  }
0x26: {  	[smem:$0x3F9D] =	sst s1;
	(tag) =	ssettag s2;
	_ =	strace s9  }
0x27: {  	s1 =	sld [smem:$0x3FAD]  }
0x28: {  	s2 =	sld [smem:$0x3FAE]  }
0x29: {  	s4 =	sld [smem:$0x3FB0]  }
0x2a: {  	p0 =	seq.s32 s5, $0x0;
	s5 =	sld [smem:$0x3FB1]  }
0x2b: {  	s6 =	sld [smem:$0x3FB2]  }
0x2c: {  	s7 =	sld [smem:$0x3FB3]  }
0x2d: {  	s3 =	simm.s32 $0x108;
	s8 =	sld [smem:$0x3FB4]  }
0x2e: {  	s3 =	simm.s32 @!p0 $0x1082;
	s9 =	sld [smem:$0x3FB5]  }
0x2f: {  	lr =	sadd.s32 s0, s3;
	s0 =	sld [smem:$0x3FAC]  }
0x30: {  	s3 =	sld [smem:$0x3FAF]  }
0x31: {  	[smem:$0x3FB8] =	sst s10  }
0x32: {  	s10 =	sld [smem:$0x3FB6];
	_ =	sdelay $0x3  }
0x33: {  	p0 =	seq.s32 s10, $0x1;
	s10 =	sld [smem:$0x3FB8];
	_ =	sdelay $0x3  }
0x34: {  	[smem:$0x3FB8] =	sst s10  }
0x35: {  	s10 =	sld [smem:$0x3FB7];
	_ =	sdelay $0x3  }
0x36: {  	p1 =	seq.s32 s10, $0x1;
	s10 =	sld [smem:$0x3FB8];
	_ =	sdelay $0x3  }
0x37: {  	[smem:$0x3FB8] =	sst s10  }
0x38: {  	s10 =	sld [smem:$0x3FB9]  }
0x39: {  	_ = 	snop;
	(pc) =	sbr.ind lr, $3  }
0x3a: {  	_ = 	snop  }
0x3b: {  	_ = 	snop  }
0x3c: {  	p2 =	seq.s32 s10, $0x1;
	s10 =	sld [smem:$0x3FB8]  }
0x3d: {  	_ =	shalt  }
0x3e: {  	_ =	shalt  }
0x3f: {  	_ =	shalt  }
0x40: {  	_ =	shalt  }
0x41: {  	_ =	shalt  }
0x42: {  	_ =	shalt  }
0x43: {  	_ =	shalt  }
0x44: {  	_ =	shalt  }
0x45: {  	_ =	shalt  }
0x46: {  	_ =	shalt  }
0x47: {  	_ =	shalt  }
0x48: {  	_ =	shalt  }
0x49: {  	_ =	shalt  }
0x4a: {  	_ =	shalt  }
0x4b: {  	_ =	shalt  }
0x4c: {  	_ =	shalt  }
0x4d: {  	_ =	shalt  }
0x4e: {  	_ =	shalt  }
0x4f: {  	_ =	shalt  }
0x50: {  	_ =	shalt  }
0x51: {  	_ =	shalt  }
0x52: {  	_ =	shalt  }
0x53: {  	_ =	shalt  }
0x54: {  	_ =	shalt  }
0x55: {  	_ =	shalt  }
0x56: {  	_ =	shalt  }
0x57: {  	_ =	shalt  }
0x58: {  	_ =	shalt  }
0x59: {  	_ =	shalt  }
0x5a: {  	_ =	shalt  }
0x5b: {  	_ =	shalt  }
0x5c: {  	_ =	shalt  }
0x5d: {  	_ =	shalt  }
0x5e: {  	_ =	shalt  }
0x5f: {  	_ =	shalt  }
0x60: {  	_ =	shalt  }
0x61: {  	_ =	shalt  }
0x62: {  	_ =	shalt  }
0x63: {  	_ =	shalt  }
0x64: {  	_ =	shalt  }
0x65: {  	_ =	shalt  }
0x66: {  	_ =	shalt  }
0x67: {  	_ =	shalt  }
0x68: {  	_ =	shalt  }
0x69: {  	_ =	shalt  }
0x6a: {  	_ =	shalt  }
0x6b: {  	_ =	shalt  }
0x6c: {  	_ =	shalt  }
0x6d: {  	_ =	shalt  }
0x6e: {  	_ =	shalt  }
0x6f: {  	_ =	shalt  }
0x70: {  	_ =	shalt  }
0x71: {  	_ =	shalt  }
0x72: {  	_ =	shalt  }
0x73: {  	_ =	shalt  }
0x74: {  	_ =	shalt  }
0x75: {  	_ =	shalt  }
0x76: {  	_ =	shalt  }
0x77: {  	_ =	shalt  }
0x78: {  	_ =	shalt  }
0x79: {  	_ =	shalt  }
0x7a: {  	_ =	shalt  }
0x7b: {  	_ =	shalt  }
0x7c: {  	_ =	shalt  }
0x7d: {  	_ =	shalt  }
0x7e: {  	_ =	shalt  }
0x7f: {  	_ =	shalt  }
0x80: {  	_ =	shalt  }
0x81: {  	_ =	shalt  }
0x82: {  	_ =	shalt  }
0x83: {  	_ =	shalt  }
0x84: {  	_ =	shalt  }
0x85: {  	_ =	shalt  }
0x86: {  	_ =	shalt  }
0x87: {  	_ =	shalt  }
.Lfunc_end0:
.L_simem_size_0:
called_computation.1_lowered:
.L_overlay_start_0:
0x88: {  	s2 =	sld [smem:$0x3FD9]  }
0x89: {  	s3 =	sld [smem:$0x3FFE];
	_ =	sdelay $0x1  }
0x8a: {  	s1 =	srdreg.scid  }
0x8b: {  	s0 =	sand.u32 $0x1, s1  }
0x8c: {  	s14 =	sshll.u32 s0, $0xA;
	s2 =	sadd.s32 s3, s2  }
0x8d: {  	s2 =	sadd.s32 s2, s14  }
0x8e: {  	[smem:$0x3FC4] =	sst s2  }
0x8f: {  	_ = 	snop  }
0x90: {  	s2 =	sld [smem:$0x3FD0];
	_ =	sdelay $0x2  }
0x91: {  	s15 =	simm.s32 $0xA;
	s4 =	simm.s32 $0x10  }
0x92: {  	[smem:s4], [sflag:s15] =	dma.local [hbm:s2], $0x1  }
0x93: {  	_ =	swait.eq [sflag:s15], $0x1  }
0x94: {  	[sflag:s15] =	ssyncset.done $0x0  }
0x95: {  	s16 =	sld [smem:$0x10];
	[sflag:s15] =	ssyncadd.s32 $0xFFFFFFFF  }
0x96: {  	s17 =	sld [smem:$0x11];
	(tm) =	ssettm $0x1  }
0x97: {  	s18 =	sld [smem:$0x3FFB];
	_ =	sdelay $0x3  }
0x98: {  	_ =	strace s18  }
0x99: {  	s4 =	sld [smem:$0x3FFC];
	_ =	sdelay $0x3  }
0x9a: {  	_ =	strace s4  }
0x9b: {  	s4 =	sld [smem:$0x3FFD];
	_ =	sdelay $0x3  }
0x9c: {  	_ =	strace s4  }
0x9d: {  	_ =	strace $0x8FFFFFFF  }
0x9e: {  	s19 =	sld [smem:$0x3FDB];
	_ =	sdelay $0x1  }
0x9f: {  	s5 =	simm.s32 $_scs_section_size  }
0xa0: {  	s6 =	simm.s32 $_size__tile_overlayer_lowered;
	s7 =	simm.s32 $_tile_overlayer_lowered  }
0xa1: {  	s22 =	simm.s32 $0x1BFF;
	s21 =	sshll.u32 s7, $0x1;
	s4 =	sadd.s32 s5, s19  }
0xa2: {  	s8 =	simm.s32 $0x0;
	s20 =	sshll.u32 s6, $0x1;
	s6 =	sadd.s32 s21, s4  }
0xa3: {  	[timem:s8], [sflag:s22] =	dma.local [hbm:s6], s20  }
0xa4: {  	_ =	swait.ge [sflag:s22], s20  }
0xa5: {  	s5 =	ssub.s32 $0x0, s20;
	[sflag:s22] =	ssyncset.done $0x0  }
0xa6: {  	[sflag:s22] =	ssyncadd.s32 s5;
	_ =	sdelay $0x1  }
0xa7: {  	s23 =	simm.s32 $0x1B8B  }
0xa8: {  	_ =	swait.ge [sflag:s23], $0x1  }
0xa9: {  	[sflag:s23] =	ssyncset.done $0x0  }
0xaa: {  	s25 =	simm.s32 $0x1B8E;
	s24 =	sld [smem:$0x3FFE];
	[sflag:s23] =	ssyncadd.s32 $0xFFFFFFFF  }
0xab: {  	s26 =	simm.s32 $execute0_lowered;
	[smem:$0x3FD2] =	sst s25  }
0xac: {  	s6 =	sshll.u32 s26, $0x1;
	_ =	strace $0x80000049;
	[dreg:$0x1] =	wrdreg $0xFFFFFFFF  }
0xad: {  	s28 =	simm.s32 $_size_execute0_lowered;
	s4 =	sadd.s32 s4, s6;
	[dreg:$0x0] =	wrdreg $0x0  }
0xae: {  	s6 =	sshll.u32 s28, $0x1;
	[dreg:$0x2] =	wrdreg s4  }
0xaf: {  	[dreg:$0x3] =	wrdreg s6  }
0xb0: {  	[dreg:$0x4] =	wrdreg $0xC0  }
0xb1: {  	_ =	task [dreg:s8], $0x5FFFF  }
0xb2: {  	[dreg:$0x1] =	wrdreg $0xFFFFFFFF  }
0xb3: {  	[dreg:$0x0] =	wrdreg $0x60  }
0xb4: {  	[dreg:$0x2] =	wrdreg s24  }
0xb5: {  	[dreg:$0x3] =	wrdreg s17  }
0xb6: {  	[dreg:$0x4] =	wrdreg s16  }
0xb7: {  	[dreg:$0x5] =	wrdreg $0xB8000  }
0xb8: {  	[dreg:$0x6] =	wrdreg $0x9  }
0xb9: {  	_ =	task.clear_ibuf [dreg:s8], $0x7FFFF;
	_ =	strace $0x90000049  }
0xba: {  	s29 =	simm.s32 $0x9;
	_ =	strace $0x8000004B  }
0xbb: {  	_ =	swait.ge [sflag:s29], $0x1  }
0xbc: {  	[sflag:s29] =	ssyncadd.s32 $0xFFFFFFFF  }
0xbd: {  	_ =	strace $0x9000004B  }
0xbe: {  	_ =	sfence  }
0xbf: {  	s30 =	sld [smem:$0x0];
	_ =	sdelay $0x2  }
0xc0: {  	s31 =	sshll.u32 s1, $0xD;
	s1 =	sshrl.u32 s1, $0x2  }
0xc1: {  	s3 =	sand.u32 $0x4000, s31;
	s1 =	sadd.s32 s1, s30  }
0xc2: {  	s0 =	sor.u32 s3, s0;
	s1 =	sshll.u32 s1, $0x11  }
0xc3: {  	s0 =	sor.u32 s1, s0  }
0xc4: {  	s0 =	sadd.s32 $0x8F2B, s0  }
0xc5: {  	[sflag:s0] =	ssyncadd.remote.s32 $0x1  }
0xc6: {  	_ =	sfence.sel $0xFFFF  }
0xc7: {  	[dreg:$0x0] =	wrdreg $0xFFFFFFFF;
	(pc) =	sbr.abs _section_cstart, $3  }
0xc8: {  	[dreg:$0x1] =	wrdreg $0xFFFFFFFF  }
0xc9: {  	_ =	task.clear_ibuf [dreg:s8], $0x2FFFF;
	_ =	strace $0x9FFFFFFF  }
0xca: {  	(tm) =	ssettm $0x7FFFFFFF  }
0xcb: {  	_ =	shalt  }
tec
execute0_lowered:
.L_overlay_start_1:
0x0: {  	(tag) =	ssettag $0x1  }
0x1: {  	s5 =	rddreg [dreg:$0x0]  }
0x2: {  	s6 =	rddreg [dreg:$0x1]  }
0x3: {  	s0 =	srdreg.scid;
	s7 =	rddreg [dreg:$0x2]  }
0x4: {  	s2 =	rddreg [dreg:$0x3];
	s1 =	stileid.u32  }
0x5: {  	s3 =	simm.s32 $0x0;
	s22 =	simm.s32 $0x7800;
	s23 =	simm.s32 $0x80  }
0x6: {  	s24 =	simm.s32 $0x0;
	s9 =	sand.u32 $0x1, s0;
	s13 =	smul.u32 $0x50000, s1  }
0x7: {  	[smem:$0x7FF] =	sst s3;
	s17 =	sadd.s32 $0x33C00, s5;
	s29 =	smul.u32 $0x14000, s1  }
0x8: {  	s4 =	sshll.u32 s9, $0x4;
	_ =	strace $0x8000004A;
	s10 =	ssub.s32 $0x2, s9  }
0x9: {  	s19 =	smul.u32 $0x140000, s9;
	s4 =	sor.u32 s1, s4;
	s12 =	sshrl.u32 s10, $0x1  }
0xa: {  	s30 =	sshrl.u32 s13, $0x2;
	s31 =	sadd.s32 $0x4000, s29;
	s15 =	sadd.s32 $0x8000, s29  }
0xb: {  	s16 =	sadd.s32 $0xC000, s29;
	s20 =	sadd.s32 $0x10000, s29;
	s8 =	smul.u32 $0x500, s4  }
0xc: {  	s4 =	sadd.s32 $0xBC00, s5;
	s18 =	ssub.s32 s10, s12;
	s9 =	sadd.s32 s31, s2  }
0xd: {  	s10 =	sadd.s32 s15, s2;
	s14 =	sadd.s32 s29, s19;
	s13 =	sadd.s32 s19, s31  }
0xe: {  	s12 =	sadd.s32 s20, s2;
	s15 =	sadd.s32 s19, s15;
	s14 =	sshrl.u32 s14, $0x3  }
0xf: {  	s21 =	sshrl.u32 s13, $0x3;
	s15 =	sshrl.u32 s15, $0x3;
	s18 =	smax.u32 s18, $0x1  }
0x10: {  	s11 =	sadd.s32 s8, s5;
	s5 =	sadd.s32 s6, s8;
	s6 =	sadd.s32 s7, s8  }
0x11: {  	s8 =	sadd.s32 s30, s2;
	s13 =	sadd.s32 s17, s14;
	s14 =	sadd.s32 s17, s21  }
0x12: {  	s15 =	sadd.s32 s17, s15;
	s21 =	simm.s32 $0x5000;
	s7 =	sadd.s32 $0x1C00, s11  }
0x13: {  	s11 =	sadd.s32 s16, s2;
	s16 =	sadd.s32 s19, s16;
	s19 =	sadd.s32 s19, s20  }
0x14: {  	s20 =	simm.s32 $0x2800;
	s16 =	sshrl.u32 s16, $0x3;
	s19 =	sshrl.u32 s19, $0x3  }
0x15: {  	v0 =	vimm.f32 $0.0e+00;
	s16 =	sadd.s32 s17, s16;
	s17 =	sadd.s32 s17, s19;
	s19 =	simm.s32 $0x1  }
.LBB2_1:
0x16: {  	[tilespmem:s3], [sflag:$0x1] =	stream.linear.gather [hbm4b:s5+s3], $0x2780, $0x38;
	[tilespmem:$0x1F800] =	vst v63  }
0x17: {  	_ =	swait.ge [sflag:s19], $0x2780  }
0x18: {  	[sflag:s19] =	ssyncset.done $0x0  }
0x19: {  	[sflag:s19] =	ssyncadd.s32 $0xFFFFD880  }
0x1a: {  	[tilespmem:s20], [sflag:$0x1] =	stream.linear.gather [hbm4b:s6+s3], $0x2780, $0x38;
	[tilespmem:$0x1F800] =	vst v63  }
0x1b: {  	_ =	swait.ge [sflag:s19], $0x2780  }
0x1c: {  	[sflag:s19] =	ssyncset.done $0x0  }
0x1d: {  	[sflag:s19] =	ssyncadd.s32 $0xFFFFD880  }
0x1e: {  	[tilespmem:s21], [sflag:$0x1] =	stream.linear.gather [hbm4b:s7+s3], $0x2780, $0x38;
	[tilespmem:$0x1F800] =	vst v63  }
0x1f: {  	_ =	swait.ge [sflag:s19], $0x2780  }
0x20: {  	[sflag:s19] =	ssyncset.done $0x0  }
0x21: {  	s25 =	simm.s32 $0x0;
	s26 =	simm.s32 $0x200;
	[sflag:s19] =	ssyncadd.s32 $0xFFFFD880  }
.LBB2_2:
0x22: {  	p0 =	sne.s32 s26, $0xFE00;
	[tilespmem:s25+$0x7870] =	vst v0  }
0x23: {  	[tilespmem:s25+$0x7800] =	vst v0  }
0x24: {  	[tilespmem:s25+$0x7810] =	vst v0  }
.Ltmp0:
0x25: {  	[tilespmem:s25+$0x7820] =	vst v0;
	(pc) =	sbr.rel @p0 .LBB2_2-.Ltmp0, $4  }
0x26: {  	[tilespmem:s25+$0x7830] =	vst v0  }
0x27: {  	[tilespmem:s25+$0x7840] =	vst v0  }
0x28: {  	[tilespmem:s25+$0x7850] =	vst v0  }
0x29: {  	[tilespmem:s25+$0x7860] =	vst v0;
	s25 =	sshra.s32 s26, $0x2;
	s26 =	sadd.s32 $0x200, s26  }
0x2a: {  	[tilespmem:s25+$0x7870] =	vst v0  }
0x2b: {  	[tilespmem:s25+$0x7800] =	vst v0  }
0x2c: {  	[tilespmem:s25+$0x7810] =	vst v0  }
0x2d: {  	[tilespmem:s25+$0x7820] =	vst v0  }
0x2e: {  	[tilespmem:s25+$0x7830] =	vst v0  }
0x2f: {  	[tilespmem:s25+$0x7840] =	vst v0  }
0x30: {  	[tilespmem:s25+$0x7850] =	vst v0  }
0x31: {  	[tilespmem:s25+$0x7860] =	vst v0  }
0x32: {  	[spmem:s8] =	stream.linear.scatter [tilespmem:s22], [sflag:$0x1], $0x4000, $0x38;
	[tilespmem:$0x1F800] =	vst v63  }
0x33: {  	_ =	swait.ge [sflag:s19], $0x4000  }
0x34: {  	[sflag:s19] =	ssyncset.done $0x0  }
0x35: {  	[sflag:s19] =	ssyncadd.s32 $0xFFFFC000  }
0x36: {  	[spmem:s9] =	stream.linear.scatter [tilespmem:s22], [sflag:$0x1], $0x4000, $0x38;
	[tilespmem:$0x1F800] =	vst v63  }
0x37: {  	_ =	swait.ge [sflag:s19], $0x4000  }
0x38: {  	[sflag:s19] =	ssyncset.done $0x0  }
0x39: {  	[sflag:s19] =	ssyncadd.s32 $0xFFFFC000  }
0x3a: {  	[spmem:s10] =	stream.linear.scatter [tilespmem:s22], [sflag:$0x1], $0x4000, $0x38;
	[tilespmem:$0x1F800] =	vst v63  }
0x3b: {  	_ =	swait.ge [sflag:s19], $0x4000  }
0x3c: {  	[sflag:s19] =	ssyncset.done $0x0  }
0x3d: {  	[sflag:s19] =	ssyncadd.s32 $0xFFFFC000  }
0x3e: {  	[spmem:s11] =	stream.linear.scatter [tilespmem:s22], [sflag:$0x1], $0x4000, $0x38;
	[tilespmem:$0x1F800] =	vst v63  }
0x3f: {  	_ =	swait.ge [sflag:s19], $0x4000  }
0x40: {  	[sflag:s19] =	ssyncset.done $0x0  }
0x41: {  	[sflag:s19] =	ssyncadd.s32 $0xFFFFC000  }
0x42: {  	[spmem:s12] =	stream.linear.scatter [tilespmem:s22], [sflag:$0x1], $0x4000, $0x38;
	[tilespmem:$0x1F800] =	vst v63  }
0x43: {  	_ =	swait.ge [sflag:s19], $0x4000  }
0x44: {  	[sflag:s19] =	ssyncset.done $0x0  }
0x45: {  	[sflag:s19] =	ssyncadd.s32 $0xFFFFC000  }
0x46: {  	s25 =	simm.s32 $0x0;
	s26 =	simm.s32 $0x0;
	[bflag:$0x0] =	sbarrier.arrive $0xFFFF  }
.LBB2_4:
0x47: {  	s28 =	sshll.u32 s26, $0x7;
	v2 =	vmov s25  }
0x48: {  	v1 =	vmov s28;
	v2 =	vand.u32 $0x7F, v2  }
0x49: {  	[tilespmem:s22], [sflag:$0x1] =	stream.indirect.gather [hbm4b:s4+s23], $0x80, s28, s23, $0xb8;
	v2 =	vadd.s32 v1, v2;
	[tilespmem:$0x1F800] =	vst v63  }
0x4a: {  	_ =	swait.ge [sflag:s19], $0x4000;
	v2 =	vbroadcast v2, $0x0  }
0x4b: {  	[sflag:s19] =	ssyncset.done $0x0  }
0x4c: {  	s29 =	simm.s32 $0x7840;
	[sflag:s19] =	ssyncadd.s32 $0xFFFFC000  }
0x4d: {  	v6 =	vld [tilespmem:s29+$0x30]  }
0x4e: {  	v9 =	vld [tilespmem:s29+$0x10]  }
0x4f: {  	v7 =	vld [tilespmem:s29+$0xFFFFFFC0]  }
0x50: {  	v3 =	vld.idx.msk [tilespmem:v2+s21+$0x0], $0xffff  }
0x51: {  	v12 =	vld [tilespmem:s29+$0xFFFFFFE0]  }
0x52: {  	v4 =	vld [tilespmem:s29+$0x20]  }
0x53: {  	v5 =	vld [tilespmem:s29+$0xFFFFFFD0]  }
0x54: {  	v2 =	vld [tilespmem:s29+$0xFFFFFFF0]  }
0x55: {  	v10 =	vmul.f32 v6, v3;
	v6 =	vld [tilespmem:s29+$0x0]  }
0x56: {  	s30 =	simm.s32 $0x1;
	v8 =	vmul.f32 v7, v3  }
0x57: {  	s31 =	simm.s32 $0x2;
	v11 =	vmov s30;
	s30 =	simm.s32 $0x7840;
	v7 =	vmul.f32 v12, v3;
	v9 =	vmul.f32 v9, v3  }
.LBB2_5:
0x58: {  	p0 =	sne.s32 s31, $0x7F  }
0x59: {  	v11 =	vand.u32 $0x7F, v11;
	v5 =	vmul.f32 v5, v3;
	v4 =	vmul.f32 v4, v3;
	[tilespmem:s29+$0x30] =	vst v10;
	s30 =	sadd.s32 $0x80, s30;
	s0 =	smov.u32 s31;
	s31 =	sadd.s32 $0x1, s31  }
0x5a: {  	v10 =	vadd.s32 v1, v11;
	[tilespmem:s29+$0xFFFFFFC0] =	vst v8;
	v8 =	vmul.f32 v2, v3;
	v3 =	vmul.f32 v6, v3  }
0x5b: {  	v6 =	vbroadcast v10, $0x0;
	[tilespmem:s29+$0x10] =	vst v9  }
0x5c: {  	[tilespmem:s29+$0xFFFFFFE0] =	vst v7  }
0x5d: {  	v2 =	vld [tilespmem:s30+$0xFFFFFFF0];
	[tilespmem:s29+$0xFFFFFFF0] =	vst v8  }
0x5e: {  	v7 =	vld [tilespmem:s30+$0x30];
	[tilespmem:s29+$0x0] =	vst v3  }
0x5f: {  	v9 =	vld [tilespmem:s30+$0x10];
	[tilespmem:s29+$0x20] =	vst v4  }
0x60: {  	v8 =	vld [tilespmem:s30+$0xFFFFFFC0];
	[tilespmem:s29+$0xFFFFFFD0] =	vst v5;
	s29 =	smov.u32 s30  }
0x61: {  	v3 =	vld.idx.msk [tilespmem:v6+s21+$0x0], $0xffff  }
0x62: {  	v12 =	vld [tilespmem:s30+$0xFFFFFFE0]  }
0x63: {  	v4 =	vld [tilespmem:s30+$0x20]  }
.Ltmp1:
0x64: {  	v5 =	vld [tilespmem:s30+$0xFFFFFFD0];
	(pc) =	sbr.rel @p0 .LBB2_5-.Ltmp1, $3  }
0x65: {  	v6 =	vld [tilespmem:s30+$0x0];
	_ =	sdelay $0x1  }
0x66: {  	v8 =	vmul.f32 v8, v3;
	v10 =	vmul.f32 v7, v3  }
0x67: {  	v11 =	vmov s0;
	v9 =	vmul.f32 v9, v3;
	v7 =	vmul.f32 v12, v3  }
0x68: {  	[tilespmem:s29+$0x30] =	vst v10;
	v58 =	vand.u32 $0x7F, v11  }
0x69: {  	[tilespmem:s29+$0xFFFFFFC0] =	vst v8;
	v1 =	vadd.s32 v1, v58  }
0x6a: {  	v2 =	vmul.f32 v2, v3;
	[tilespmem:s29+$0x10] =	vst v9;
	v1 =	vbroadcast v1, $0x0  }
0x6b: {  	s0 =	sadd.s32 $0x80, s30;
	[tilespmem:s29+$0xFFFFFFE0] =	vst v7;
	v6 =	vmul.f32 v6, v3  }
0x6c: {  	v4 =	vmul.f32 v4, v3;
	v3 =	vmul.f32 v5, v3;
	v7 =	vld [tilespmem:s0+$0xFFFFFFF0];
	[tilespmem:s29+$0xFFFFFFF0] =	vst v2  }
0x6d: {  	v2 =	vld [tilespmem:s0+$0x30];
	[tilespmem:s29+$0x0] =	vst v6  }
0x6e: {  	v60 =	vld [tilespmem:s0+$0xFFFFFFC0];
	[tilespmem:s29+$0xFFFFFFD0] =	vst v3  }
0x6f: {  	v59 =	vld [tilespmem:s0+$0x10];
	[tilespmem:s29+$0x20] =	vst v4  }
0x70: {  	v1 =	vld.idx.msk [tilespmem:v1+s21+$0x0], $0xffff;
	_ =	sdelay $0x2  }
0x71: {  	v6 =	vld [tilespmem:s0+$0x0]  }
0x72: {  	v3 =	vld [tilespmem:s0+$0xFFFFFFE0]  }
0x73: {  	v2 =	vmul.f32 v2, v1  }
0x74: {  	v61 =	vld [tilespmem:s0+$0x20];
	v4 =	vmul.f32 v60, v1  }
0x75: {  	v62 =	vld [tilespmem:s0+$0xFFFFFFD0];
	v5 =	vmul.f32 v59, v1;
	[tilespmem:s0+$0x30] =	vst v2  }
0x76: {  	v63 =	vmul.f32 v6, v1;
	[tilespmem:s0+$0xFFFFFFC0] =	vst v4  }
0x77: {  	v2 =	vmul.f32 v3, v1;
	[tilespmem:s0+$0x10] =	vst v5  }
0x78: {  	v3 =	vmul.f32 v7, v1;
	[tilespmem:s0+$0x0] =	vst v63  }
0x79: {  	[tilespmem:s0+$0xFFFFFFE0] =	vst v2;
	v2 =	vmul.f32 v61, v1  }
0x7a: {  	s26 =	sadd.s32 $0x1, s26;
	[tilespmem:s0+$0xFFFFFFF0] =	vst v3;
	v1 =	vmul.f32 v62, v1  }
0x7b: {  	p0 =	sne.s32 s26, $0x4F;
	[tilespmem:s0+$0x20] =	vst v2  }
.Ltmp2:
0x7c: {  	s31 =	sadd.s32 $0x2800, s28;
	[tilespmem:s0+$0xFFFFFFD0] =	vst v1;
	(pc) =	sbr.rel @p0 .LBB2_4-.Ltmp2, $4  }
0x7d: {  	[spmem:s2] =	stream.indirect.scatter.add.f32 [tilespmem:s22], [sflag:$0x1], $0x80, s31, s23, $0xb8;
	[tilespmem:$0x1F800] =	vst v63  }
0x7e: {  	_ =	swait.ge [sflag:s19], $0x4000  }
0x7f: {  	[sflag:s19] =	ssyncset.done $0x0  }
0x80: {  	[sflag:s19] =	ssyncadd.s32 $0xFFFFC000  }
0x81: {  	s0 =	sshll.u32 s1, $0x6  }
0x82: {  	[bflag:$0x0] =	sbarrier.arrive $0xFFFF;
	s25 =	sshrl.u32 s8, $0x3;
	s0 =	sor.u32 $0x1C01, s0  }
0x83: {  	[hbm:s13], [sflag:s0] =	dma.local [spmem:s25], $0x800  }
0x84: {  	_ =	swait.ge [sflag:s19], $0x800  }
0x85: {  	[sflag:s19] =	ssyncset.done $0x0  }
0x86: {  	s28 =	sshrl.u32 s9, $0x3;
	[sflag:s19] =	ssyncadd.s32 $0xFFFFF800  }
0x87: {  	[hbm:s14], [sflag:s0] =	dma.local [spmem:s28], $0x800  }
0x88: {  	_ =	swait.ge [sflag:s19], $0x800  }
0x89: {  	[sflag:s19] =	ssyncset.done $0x0  }
0x8a: {  	s29 =	sshrl.u32 s10, $0x3;
	[sflag:s19] =	ssyncadd.s32 $0xFFFFF800  }
0x8b: {  	[hbm:s15], [sflag:s0] =	dma.local [spmem:s29], $0x800  }
0x8c: {  	_ =	swait.ge [sflag:s19], $0x800  }
0x8d: {  	[sflag:s19] =	ssyncset.done $0x0  }
0x8e: {  	s30 =	sshrl.u32 s11, $0x3;
	[sflag:s19] =	ssyncadd.s32 $0xFFFFF800  }
0x8f: {  	[hbm:s16], [sflag:s0] =	dma.local [spmem:s30], $0x800  }
0x90: {  	s24 =	sadd.s32 $0x1, s24;
	_ =	swait.ge [sflag:s19], $0x800  }
0x91: {  	p0 =	sne.s32 s24, s18;
	[sflag:s19] =	ssyncset.done $0x0  }
.Ltmp3:
0x92: {  	s31 =	sshrl.u32 s12, $0x3;
	[sflag:s19] =	ssyncadd.s32 $0xFFFFF800;
	(pc) =	sbr.rel @p0 .LBB2_1-.Ltmp3, $4  }
0x93: {  	[hbm:s17], [sflag:s0] =	dma.local [spmem:s31], $0x800  }
0x94: {  	_ =	swait.ge [sflag:s19], $0x800  }
0x95: {  	[sflag:s19] =	ssyncset.done $0x0  }
0x96: {  	[sflag:s19] =	ssyncadd.s32 $0xFFFFF800  }
0x97: {  	_ =	sfence.sel $0x180000  }
0x98: {  	[bflag:$0x0] =	sbarrier.arrive $0xFFFF  }
0x99: {  	_ =	strace $0x9000004A  }
0x9a: {  	[bflag:$0x2] =	sbarrier.arrive $0xFFFF  }
0x9b: {  	p0 =	sne.s32 s1, $0x0;
	s0 =	rddreg [dreg:$0x4]  }
0x9c: {  	s0 =	sadd.s32 @!p0 $0x100000, s0  }
0x9d: {  	[sflag:s0] =	ssyncadd.tile.s32 @!p0 $0x1;
	_ =	shalt  }
.Lfunc_end2:
_tile_overlayer_lowered:
.L_overlay_start_2:
0x9e: {  	(tag) =	ssettag $0x2  }
0x9f: {  	s0 =	rddreg [dreg:$0x0];
	s2 =	stileid.u32  }
0xa0: {  	s1 =	rddreg [dreg:$0x1];
	p0 =	sne.s32 s2, $0x0  }
0xa1: {  	s3 =	rddreg [dreg:$0x2];
	[bflag:$0x3] =	sbarrier.arrive $0xFFFF;
	s2 =	simm.s32 @!p0 $0x1C01  }
0xa2: {  	[timem:s3], [sflag:s2] =	dma.local @!p0 [hbm:s0], s1  }
0xa3: {  	s0 =	simm.s32 @!p0 $0x1  }
0xa4: {  	_ =	swait.ge @!p0 [sflag:s0], s1  }
0xa5: {  	s1 =	ssub.s32 @!p0 $0x0, s1;
	[sflag:s0] =	ssyncset.done @!p0 $0x0  }
0xa6: {  	[sflag:s0] =	ssyncadd.s32 @!p0 s1  }
0xa7: {  	[bflag:$0x3] =	sbarrier.arrive $0xFFFF  }
0xa8: {  	_ =	shalt  }

// kernel: kernel.14.cloned.1.call-start
scs
__scs_entry_jumppad:
0x0: {  	(pc) =	sbr.rel $0x88, $3  }
0x1: {  	(tag) =	ssettag $0x0;
	lr =	simm.s32 $0x1  }
0x2: {  	[smem:$0x3F9D] =	sst lr;
	_ =	strace $0xD0000000  }
0x3: {  	_ = 	snop  }
0x4: {  	_ = 	snop  }
0x5: {  	_ = 	snop  }
0x6: {  	_ = 	snop  }
0x7: {  	_ = 	snop  }
__scs_overlays_trampoline_lowered:
0x8: {  	[smem:$0x3FAC] =	sst s0  }
0x9: {  	[smem:$0x3FAD] =	sst s1  }
0xa: {  	[smem:$0x3FAE] =	sst s2  }
0xb: {  	[smem:$0x3FAF] =	sst s3  }
0xc: {  	[smem:$0x3FB0] =	sst s4  }
0xd: {  	[smem:$0x3FB1] =	sst s5  }
0xe: {  	[smem:$0x3FB2] =	sst s6  }
0xf: {  	[smem:$0x3FB3] =	sst s7  }
0x10: {  	[smem:$0x3FB4] =	sst s8  }
0x11: {  	[smem:$0x3FB5] =	sst s9;
	s0 =	simm.s32 @!p0 $0x0  }
0x12: {  	s1 =	sld [smem:$0x3F9B];
	s0 =	simm.s32 @p0 $0x1  }
0x13: {  	[smem:$0x3FB6] =	sst s0;
	s0 =	simm.s32 @!p1 $0x0  }
0x14: {  	s2 =	sld [smem:$0x3F9A];
	s0 =	simm.s32 @p1 $0x1  }
0x15: {  	[smem:$0x3FB7] =	sst s0;
	s0 =	simm.s32 @!p2 $0x0  }
0x16: {  	s3 =	sld [smem:$0x3FDB];
	s0 =	simm.s32 @p2 $0x1  }
0x17: {  	s4 =	simm.s32 $0x1BF5;
	[smem:$0x3FB9] =	sst s0  }
0x18: {  	s0 =	sld [smem:$0x3F9C];
	_ =	swait.ge [sflag:s4], $0x0  }
0x19: {  	s7 =	sld [smem:$0x3F9D]  }
0x1a: {  	s8 =	sadd.s32 $0xFFFFE003, lr  }
0x1b: {  	s9 =	sadd.s32 $0xFFFFFEF7, lr;
	s5 =	simm.s32 $0xFFFFFFFF;
	p2 =	slt.u32 s8, $0xFFFFF086  }
0x1c: {  	p1 =	slt.u32 s9, $0xF7A;
	s5 =	simm.s32 @!p2 $0x0  }
0x1d: {  	s5 =	simm.s32 @p1 $0x1;
	p0 =	seq.s32 s7, s2  }
0x1e: {  	s7 =	smul.u32 @!p0 $0xF7A, s2;
	p2 =	seq.s32 @!p0 s5, $0x0  }
0x1f: {  	s9 =	smul.u32 $0xF7A, s1;
	s8 =	simm.s32 @!p0 $0x1BF5;
	p2 =	por !p2, p0  }
0x20: {  	[sflag:s8] =	ssyncset.s32 @!p0 $0xFFFFF086;
	s6 =	sadd.s32 @!p0 s3, s7;
	s7 =	simm.s32 @!p0 $0x108  }
0x21: {  	s3 =	sadd.s32 s3, s9;
	s6 =	sadd.s32 @!p0 $0x88, s6;
	s7 =	simm.s32 @p2 $0x1082  }
0x22: {  	[simem:s7], [sflag:s8] =	dma.local @!p0 [hbm:s6], $0xF7A  }
0x23: {  	s9 =	sor.u32 $0xD0000000, s2;
	s6 =	simm.s32 $0x108;
	_ =	swait.ge @!p0 [sflag:s8], $0x0  }
0x24: {  	s3 =	sadd.s32 $0x88, s3;
	s6 =	simm.s32 @!p1 $0x1082;
	[sflag:s4] =	ssyncset.s32 $0xFFFFF086  }
0x25: {  	[simem:s6], [sflag:s4] =	dma.local [hbm:s3], $0xF7A  }
0x26: {  	[smem:$0x3F9D] =	sst s1;
	(tag) =	ssettag s2;
	_ =	strace s9  }
0x27: {  	s1 =	sld [smem:$0x3FAD]  }
0x28: {  	s2 =	sld [smem:$0x3FAE]  }
0x29: {  	s4 =	sld [smem:$0x3FB0]  }
0x2a: {  	p0 =	seq.s32 s5, $0x0;
	s5 =	sld [smem:$0x3FB1]  }
0x2b: {  	s6 =	sld [smem:$0x3FB2]  }
0x2c: {  	s7 =	sld [smem:$0x3FB3]  }
0x2d: {  	s3 =	simm.s32 $0x108;
	s8 =	sld [smem:$0x3FB4]  }
0x2e: {  	s3 =	simm.s32 @!p0 $0x1082;
	s9 =	sld [smem:$0x3FB5]  }
0x2f: {  	lr =	sadd.s32 s0, s3;
	s0 =	sld [smem:$0x3FAC]  }
0x30: {  	s3 =	sld [smem:$0x3FAF]  }
0x31: {  	[smem:$0x3FB8] =	sst s10  }
0x32: {  	s10 =	sld [smem:$0x3FB6];
	_ =	sdelay $0x3  }
0x33: {  	p0 =	seq.s32 s10, $0x1;
	s10 =	sld [smem:$0x3FB8];
	_ =	sdelay $0x3  }
0x34: {  	[smem:$0x3FB8] =	sst s10  }
0x35: {  	s10 =	sld [smem:$0x3FB7];
	_ =	sdelay $0x3  }
0x36: {  	p1 =	seq.s32 s10, $0x1;
	s10 =	sld [smem:$0x3FB8];
	_ =	sdelay $0x3  }
0x37: {  	[smem:$0x3FB8] =	sst s10  }
0x38: {  	s10 =	sld [smem:$0x3FB9]  }
0x39: {  	_ = 	snop;
	(pc) =	sbr.ind lr, $3  }
0x3a: {  	_ = 	snop  }
0x3b: {  	_ = 	snop  }
0x3c: {  	p2 =	seq.s32 s10, $0x1;
	s10 =	sld [smem:$0x3FB8]  }
0x3d: {  	_ =	shalt  }
0x3e: {  	_ =	shalt  }
0x3f: {  	_ =	shalt  }
0x40: {  	_ =	shalt  }
0x41: {  	_ =	shalt  }
0x42: {  	_ =	shalt  }
0x43: {  	_ =	shalt  }
0x44: {  	_ =	shalt  }
0x45: {  	_ =	shalt  }
0x46: {  	_ =	shalt  }
0x47: {  	_ =	shalt  }
0x48: {  	_ =	shalt  }
0x49: {  	_ =	shalt  }
0x4a: {  	_ =	shalt  }
0x4b: {  	_ =	shalt  }
0x4c: {  	_ =	shalt  }
0x4d: {  	_ =	shalt  }
0x4e: {  	_ =	shalt  }
0x4f: {  	_ =	shalt  }
0x50: {  	_ =	shalt  }
0x51: {  	_ =	shalt  }
0x52: {  	_ =	shalt  }
0x53: {  	_ =	shalt  }
0x54: {  	_ =	shalt  }
0x55: {  	_ =	shalt  }
0x56: {  	_ =	shalt  }
0x57: {  	_ =	shalt  }
0x58: {  	_ =	shalt  }
0x59: {  	_ =	shalt  }
0x5a: {  	_ =	shalt  }
0x5b: {  	_ =	shalt  }
0x5c: {  	_ =	shalt  }
0x5d: {  	_ =	shalt  }
0x5e: {  	_ =	shalt  }
0x5f: {  	_ =	shalt  }
0x60: {  	_ =	shalt  }
0x61: {  	_ =	shalt  }
0x62: {  	_ =	shalt  }
0x63: {  	_ =	shalt  }
0x64: {  	_ =	shalt  }
0x65: {  	_ =	shalt  }
0x66: {  	_ =	shalt  }
0x67: {  	_ =	shalt  }
0x68: {  	_ =	shalt  }
0x69: {  	_ =	shalt  }
0x6a: {  	_ =	shalt  }
0x6b: {  	_ =	shalt  }
0x6c: {  	_ =	shalt  }
0x6d: {  	_ =	shalt  }
0x6e: {  	_ =	shalt  }
0x6f: {  	_ =	shalt  }
0x70: {  	_ =	shalt  }
0x71: {  	_ =	shalt  }
0x72: {  	_ =	shalt  }
0x73: {  	_ =	shalt  }
0x74: {  	_ =	shalt  }
0x75: {  	_ =	shalt  }
0x76: {  	_ =	shalt  }
0x77: {  	_ =	shalt  }
0x78: {  	_ =	shalt  }
0x79: {  	_ =	shalt  }
0x7a: {  	_ =	shalt  }
0x7b: {  	_ =	shalt  }
0x7c: {  	_ =	shalt  }
0x7d: {  	_ =	shalt  }
0x7e: {  	_ =	shalt  }
0x7f: {  	_ =	shalt  }
0x80: {  	_ =	shalt  }
0x81: {  	_ =	shalt  }
0x82: {  	_ =	shalt  }
0x83: {  	_ =	shalt  }
0x84: {  	_ =	shalt  }
0x85: {  	_ =	shalt  }
0x86: {  	_ =	shalt  }
0x87: {  	_ =	shalt  }
.Lfunc_end0:
.L_simem_size_0:
called_computation.2_lowered:
.L_overlay_start_0:
0x88: {  	s2 =	sld [smem:$0x3FD9]  }
0x89: {  	s3 =	sld [smem:$0x3FFE];
	_ =	sdelay $0x1  }
0x8a: {  	s1 =	srdreg.scid  }
0x8b: {  	s0 =	sand.u32 $0x1, s1  }
0x8c: {  	s14 =	sshll.u32 s0, $0xA;
	s2 =	sadd.s32 s3, s2  }
0x8d: {  	s2 =	sadd.s32 s2, s14  }
0x8e: {  	[smem:$0x3FC4] =	sst s2  }
0x8f: {  	_ = 	snop  }
0x90: {  	s2 =	sld [smem:$0x3FD0];
	_ =	sdelay $0x2  }
0x91: {  	s15 =	simm.s32 $0xA;
	s4 =	simm.s32 $0x10  }
0x92: {  	[smem:s4], [sflag:s15] =	dma.local [hbm:s2], $0x1  }
0x93: {  	_ =	swait.eq [sflag:s15], $0x1  }
0x94: {  	[sflag:s15] =	ssyncset.done $0x0  }
0x95: {  	s16 =	sld [smem:$0x10];
	[sflag:s15] =	ssyncadd.s32 $0xFFFFFFFF  }
0x96: {  	s17 =	sld [smem:$0x11];
	(tm) =	ssettm $0x1  }
0x97: {  	s18 =	sld [smem:$0x3FFB];
	_ =	sdelay $0x3  }
0x98: {  	_ =	strace s18  }
0x99: {  	s4 =	sld [smem:$0x3FFC];
	_ =	sdelay $0x3  }
0x9a: {  	_ =	strace s4  }
0x9b: {  	s4 =	sld [smem:$0x3FFD];
	_ =	sdelay $0x3  }
0x9c: {  	_ =	strace s4  }
0x9d: {  	_ =	strace $0x8FFFFFFF  }
0x9e: {  	s19 =	sld [smem:$0x3FDB];
	_ =	sdelay $0x1  }
0x9f: {  	s5 =	simm.s32 $_scs_section_size  }
0xa0: {  	s6 =	simm.s32 $_size__tile_overlayer_lowered;
	s7 =	simm.s32 $_tile_overlayer_lowered  }
0xa1: {  	s22 =	simm.s32 $0x1BFF;
	s21 =	sshll.u32 s7, $0x1;
	s4 =	sadd.s32 s5, s19  }
0xa2: {  	s8 =	simm.s32 $0x0;
	s20 =	sshll.u32 s6, $0x1;
	s6 =	sadd.s32 s21, s4  }
0xa3: {  	[timem:s8], [sflag:s22] =	dma.local [hbm:s6], s20  }
0xa4: {  	_ =	swait.ge [sflag:s22], s20  }
0xa5: {  	s5 =	ssub.s32 $0x0, s20;
	[sflag:s22] =	ssyncset.done $0x0  }
0xa6: {  	[sflag:s22] =	ssyncadd.s32 s5;
	_ =	sdelay $0x1  }
0xa7: {  	s23 =	simm.s32 $0x1B8B  }
0xa8: {  	_ =	swait.ge [sflag:s23], $0x1  }
0xa9: {  	[sflag:s23] =	ssyncset.done $0x0  }
0xaa: {  	s25 =	simm.s32 $0x1B8E;
	s24 =	sld [smem:$0x3FFE];
	[sflag:s23] =	ssyncadd.s32 $0xFFFFFFFF  }
0xab: {  	s26 =	simm.s32 $execute0_lowered;
	[smem:$0x3FD2] =	sst s25  }
0xac: {  	s6 =	sshll.u32 s26, $0x1;
	_ =	strace $0x8000004C;
	[dreg:$0x1] =	wrdreg $0xFFFFFFFF  }
0xad: {  	s28 =	simm.s32 $_size_execute0_lowered;
	s4 =	sadd.s32 s4, s6;
	[dreg:$0x0] =	wrdreg $0x0  }
0xae: {  	s6 =	sshll.u32 s28, $0x1;
	[dreg:$0x2] =	wrdreg s4  }
0xaf: {  	[dreg:$0x3] =	wrdreg s6  }
0xb0: {  	[dreg:$0x4] =	wrdreg $0xC0  }
0xb1: {  	_ =	task [dreg:s8], $0x5FFFF  }
0xb2: {  	[dreg:$0x1] =	wrdreg $0xFFFFFFFF  }
0xb3: {  	[dreg:$0x0] =	wrdreg $0x60  }
0xb4: {  	[dreg:$0x2] =	wrdreg s24  }
0xb5: {  	[dreg:$0x3] =	wrdreg s17  }
0xb6: {  	[dreg:$0x4] =	wrdreg s16  }
0xb7: {  	[dreg:$0x5] =	wrdreg $0xB8000  }
0xb8: {  	[dreg:$0x6] =	wrdreg $0x9  }
0xb9: {  	_ =	task.clear_ibuf [dreg:s8], $0x7FFFF;
	_ =	strace $0x9000004C  }
0xba: {  	s29 =	simm.s32 $0x9;
	_ =	strace $0x8000004E  }
0xbb: {  	_ =	swait.ge [sflag:s29], $0x1  }
0xbc: {  	[sflag:s29] =	ssyncadd.s32 $0xFFFFFFFF  }
0xbd: {  	_ =	strace $0x9000004E  }
0xbe: {  	_ =	sfence  }
0xbf: {  	s30 =	sld [smem:$0x0];
	_ =	sdelay $0x2  }
0xc0: {  	s31 =	sshll.u32 s1, $0xD;
	s1 =	sshrl.u32 s1, $0x2  }
0xc1: {  	s3 =	sand.u32 $0x4000, s31;
	s1 =	sadd.s32 s1, s30  }
0xc2: {  	s0 =	sor.u32 s3, s0;
	s1 =	sshll.u32 s1, $0x11  }
0xc3: {  	s0 =	sor.u32 s1, s0  }
0xc4: {  	s0 =	sadd.s32 $0x8F2B, s0  }
0xc5: {  	[sflag:s0] =	ssyncadd.remote.s32 $0x1  }
0xc6: {  	_ =	sfence.sel $0xFFFF  }
0xc7: {  	[dreg:$0x0] =	wrdreg $0xFFFFFFFF;
	(pc) =	sbr.abs _section_cstart, $3  }
0xc8: {  	[dreg:$0x1] =	wrdreg $0xFFFFFFFF  }
0xc9: {  	_ =	task.clear_ibuf [dreg:s8], $0x2FFFF;
	_ =	strace $0x9FFFFFFF  }
0xca: {  	(tm) =	ssettm $0x7FFFFFFF  }
0xcb: {  	_ =	shalt  }
tec
execute0_lowered:
.L_overlay_start_1:
0x0: {  	(tag) =	ssettag $0x1  }
0x1: {  	s5 =	rddreg [dreg:$0x0]  }
0x2: {  	s6 =	rddreg [dreg:$0x1]  }
0x3: {  	s0 =	srdreg.scid;
	s7 =	rddreg [dreg:$0x2]  }
0x4: {  	s2 =	rddreg [dreg:$0x3];
	s1 =	stileid.u32  }
0x5: {  	s3 =	simm.s32 $0x0;
	s22 =	simm.s32 $0x7800;
	s23 =	simm.s32 $0x80  }
0x6: {  	s24 =	simm.s32 $0x0;
	s9 =	sand.u32 $0x1, s0;
	s13 =	smul.u32 $0x50000, s1  }
0x7: {  	[smem:$0x7FF] =	sst s3;
	s17 =	sadd.s32 $0x33C00, s5;
	s29 =	smul.u32 $0x14000, s1  }
0x8: {  	s4 =	sshll.u32 s9, $0x4;
	_ =	strace $0x8000004D;
	s10 =	ssub.s32 $0x2, s9  }
0x9: {  	s19 =	smul.u32 $0x140000, s9;
	s4 =	sor.u32 s1, s4;
	s12 =	sshrl.u32 s10, $0x1  }
0xa: {  	s30 =	sshrl.u32 s13, $0x2;
	s31 =	sadd.s32 $0x4000, s29;
	s15 =	sadd.s32 $0x8000, s29  }
0xb: {  	s16 =	sadd.s32 $0xC000, s29;
	s20 =	sadd.s32 $0x10000, s29;
	s8 =	smul.u32 $0x500, s4  }
0xc: {  	s4 =	sadd.s32 $0xBC00, s5;
	s18 =	ssub.s32 s10, s12;
	s9 =	sadd.s32 s31, s2  }
0xd: {  	s10 =	sadd.s32 s15, s2;
	s14 =	sadd.s32 s29, s19;
	s13 =	sadd.s32 s19, s31  }
0xe: {  	s12 =	sadd.s32 s20, s2;
	s15 =	sadd.s32 s19, s15;
	s14 =	sshrl.u32 s14, $0x3  }
0xf: {  	s21 =	sshrl.u32 s13, $0x3;
	s15 =	sshrl.u32 s15, $0x3;
	s18 =	smax.u32 s18, $0x1  }
0x10: {  	s11 =	sadd.s32 s8, s5;
	s5 =	sadd.s32 s6, s8;
	s6 =	sadd.s32 s7, s8  }
0x11: {  	s8 =	sadd.s32 s30, s2;
	s13 =	sadd.s32 s17, s14;
	s14 =	sadd.s32 s17, s21  }
0x12: {  	s15 =	sadd.s32 s17, s15;
	s21 =	simm.s32 $0x5000;
	s7 =	sadd.s32 $0x1C00, s11  }
0x13: {  	s11 =	sadd.s32 s16, s2;
	s16 =	sadd.s32 s19, s16;
	s19 =	sadd.s32 s19, s20  }
0x14: {  	s20 =	simm.s32 $0x2800;
	s16 =	sshrl.u32 s16, $0x3;
	s19 =	sshrl.u32 s19, $0x3  }
0x15: {  	v0 =	vimm.f32 $0.0e+00;
	s16 =	sadd.s32 s17, s16;
	s17 =	sadd.s32 s17, s19;
	s19 =	simm.s32 $0x1  }
.LBB2_1:
0x16: {  	[tilespmem:s3], [sflag:$0x1] =	stream.linear.gather [hbm4b:s5+s3], $0x2780, $0x38;
	[tilespmem:$0x1F800] =	vst v63  }
0x17: {  	_ =	swait.ge [sflag:s19], $0x2780  }
0x18: {  	[sflag:s19] =	ssyncset.done $0x0  }
0x19: {  	[sflag:s19] =	ssyncadd.s32 $0xFFFFD880  }
0x1a: {  	[tilespmem:s20], [sflag:$0x1] =	stream.linear.gather [hbm4b:s6+s3], $0x2780, $0x38;
	[tilespmem:$0x1F800] =	vst v63  }
0x1b: {  	_ =	swait.ge [sflag:s19], $0x2780  }
0x1c: {  	[sflag:s19] =	ssyncset.done $0x0  }
0x1d: {  	[sflag:s19] =	ssyncadd.s32 $0xFFFFD880  }
0x1e: {  	[tilespmem:s21], [sflag:$0x1] =	stream.linear.gather [hbm4b:s7+s3], $0x2780, $0x38;
	[tilespmem:$0x1F800] =	vst v63  }
0x1f: {  	_ =	swait.ge [sflag:s19], $0x2780  }
0x20: {  	[sflag:s19] =	ssyncset.done $0x0  }
0x21: {  	s25 =	simm.s32 $0x0;
	s26 =	simm.s32 $0x200;
	[sflag:s19] =	ssyncadd.s32 $0xFFFFD880  }
.LBB2_2:
0x22: {  	p0 =	sne.s32 s26, $0xFE00;
	[tilespmem:s25+$0x7870] =	vst v0  }
0x23: {  	[tilespmem:s25+$0x7800] =	vst v0  }
0x24: {  	[tilespmem:s25+$0x7810] =	vst v0  }
.Ltmp0:
0x25: {  	[tilespmem:s25+$0x7820] =	vst v0;
	(pc) =	sbr.rel @p0 .LBB2_2-.Ltmp0, $4  }
0x26: {  	[tilespmem:s25+$0x7830] =	vst v0  }
0x27: {  	[tilespmem:s25+$0x7840] =	vst v0  }
0x28: {  	[tilespmem:s25+$0x7850] =	vst v0  }
0x29: {  	[tilespmem:s25+$0x7860] =	vst v0;
	s25 =	sshra.s32 s26, $0x2;
	s26 =	sadd.s32 $0x200, s26  }
0x2a: {  	[tilespmem:s25+$0x7870] =	vst v0  }
0x2b: {  	[tilespmem:s25+$0x7800] =	vst v0  }
0x2c: {  	[tilespmem:s25+$0x7810] =	vst v0  }
0x2d: {  	[tilespmem:s25+$0x7820] =	vst v0  }
0x2e: {  	[tilespmem:s25+$0x7830] =	vst v0  }
0x2f: {  	[tilespmem:s25+$0x7840] =	vst v0  }
0x30: {  	[tilespmem:s25+$0x7850] =	vst v0  }
0x31: {  	[tilespmem:s25+$0x7860] =	vst v0  }
0x32: {  	[spmem:s8] =	stream.linear.scatter [tilespmem:s22], [sflag:$0x1], $0x4000, $0x38;
	[tilespmem:$0x1F800] =	vst v63  }
0x33: {  	_ =	swait.ge [sflag:s19], $0x4000  }
0x34: {  	[sflag:s19] =	ssyncset.done $0x0  }
0x35: {  	[sflag:s19] =	ssyncadd.s32 $0xFFFFC000  }
0x36: {  	[spmem:s9] =	stream.linear.scatter [tilespmem:s22], [sflag:$0x1], $0x4000, $0x38;
	[tilespmem:$0x1F800] =	vst v63  }
0x37: {  	_ =	swait.ge [sflag:s19], $0x4000  }
0x38: {  	[sflag:s19] =	ssyncset.done $0x0  }
0x39: {  	[sflag:s19] =	ssyncadd.s32 $0xFFFFC000  }
0x3a: {  	[spmem:s10] =	stream.linear.scatter [tilespmem:s22], [sflag:$0x1], $0x4000, $0x38;
	[tilespmem:$0x1F800] =	vst v63  }
0x3b: {  	_ =	swait.ge [sflag:s19], $0x4000  }
0x3c: {  	[sflag:s19] =	ssyncset.done $0x0  }
0x3d: {  	[sflag:s19] =	ssyncadd.s32 $0xFFFFC000  }
0x3e: {  	[spmem:s11] =	stream.linear.scatter [tilespmem:s22], [sflag:$0x1], $0x4000, $0x38;
	[tilespmem:$0x1F800] =	vst v63  }
0x3f: {  	_ =	swait.ge [sflag:s19], $0x4000  }
0x40: {  	[sflag:s19] =	ssyncset.done $0x0  }
0x41: {  	[sflag:s19] =	ssyncadd.s32 $0xFFFFC000  }
0x42: {  	[spmem:s12] =	stream.linear.scatter [tilespmem:s22], [sflag:$0x1], $0x4000, $0x38;
	[tilespmem:$0x1F800] =	vst v63  }
0x43: {  	_ =	swait.ge [sflag:s19], $0x4000  }
0x44: {  	[sflag:s19] =	ssyncset.done $0x0  }
0x45: {  	[sflag:s19] =	ssyncadd.s32 $0xFFFFC000  }
0x46: {  	s25 =	simm.s32 $0x0;
	s26 =	simm.s32 $0x0;
	[bflag:$0x0] =	sbarrier.arrive $0xFFFF  }
.LBB2_4:
0x47: {  	s28 =	sshll.u32 s26, $0x7;
	v2 =	vmov s25  }
0x48: {  	v1 =	vmov s28;
	v2 =	vand.u32 $0x7F, v2  }
0x49: {  	[tilespmem:s22], [sflag:$0x1] =	stream.indirect.gather [hbm4b:s4+s23], $0x80, s28, s23, $0xb8;
	v2 =	vadd.s32 v1, v2;
	[tilespmem:$0x1F800] =	vst v63  }
0x4a: {  	_ =	swait.ge [sflag:s19], $0x4000;
	v2 =	vbroadcast v2, $0x0  }
0x4b: {  	[sflag:s19] =	ssyncset.done $0x0  }
0x4c: {  	s29 =	simm.s32 $0x7840;
	[sflag:s19] =	ssyncadd.s32 $0xFFFFC000  }
0x4d: {  	v6 =	vld [tilespmem:s29+$0x30]  }
0x4e: {  	v9 =	vld [tilespmem:s29+$0x10]  }
0x4f: {  	v7 =	vld [tilespmem:s29+$0xFFFFFFC0]  }
0x50: {  	v3 =	vld.idx.msk [tilespmem:v2+s21+$0x0], $0xffff  }
0x51: {  	v12 =	vld [tilespmem:s29+$0xFFFFFFE0]  }
0x52: {  	v4 =	vld [tilespmem:s29+$0x20]  }
0x53: {  	v5 =	vld [tilespmem:s29+$0xFFFFFFD0]  }
0x54: {  	v2 =	vld [tilespmem:s29+$0xFFFFFFF0]  }
0x55: {  	v10 =	vmul.f32 v6, v3;
	v6 =	vld [tilespmem:s29+$0x0]  }
0x56: {  	s30 =	simm.s32 $0x1;
	v8 =	vmul.f32 v7, v3  }
0x57: {  	s31 =	simm.s32 $0x2;
	v11 =	vmov s30;
	s30 =	simm.s32 $0x7840;
	v7 =	vmul.f32 v12, v3;
	v9 =	vmul.f32 v9, v3  }
.LBB2_5:
0x58: {  	p0 =	sne.s32 s31, $0x7F  }
0x59: {  	v11 =	vand.u32 $0x7F, v11;
	v5 =	vmul.f32 v5, v3;
	v4 =	vmul.f32 v4, v3;
	[tilespmem:s29+$0x30] =	vst v10;
	s30 =	sadd.s32 $0x80, s30;
	s0 =	smov.u32 s31;
	s31 =	sadd.s32 $0x1, s31  }
0x5a: {  	v10 =	vadd.s32 v1, v11;
	[tilespmem:s29+$0xFFFFFFC0] =	vst v8;
	v8 =	vmul.f32 v2, v3;
	v3 =	vmul.f32 v6, v3  }
0x5b: {  	v6 =	vbroadcast v10, $0x0;
	[tilespmem:s29+$0x10] =	vst v9  }
0x5c: {  	[tilespmem:s29+$0xFFFFFFE0] =	vst v7  }
0x5d: {  	v2 =	vld [tilespmem:s30+$0xFFFFFFF0];
	[tilespmem:s29+$0xFFFFFFF0] =	vst v8  }
0x5e: {  	v7 =	vld [tilespmem:s30+$0x30];
	[tilespmem:s29+$0x0] =	vst v3  }
0x5f: {  	v9 =	vld [tilespmem:s30+$0x10];
	[tilespmem:s29+$0x20] =	vst v4  }
0x60: {  	v8 =	vld [tilespmem:s30+$0xFFFFFFC0];
	[tilespmem:s29+$0xFFFFFFD0] =	vst v5;
	s29 =	smov.u32 s30  }
0x61: {  	v3 =	vld.idx.msk [tilespmem:v6+s21+$0x0], $0xffff  }
0x62: {  	v12 =	vld [tilespmem:s30+$0xFFFFFFE0]  }
0x63: {  	v4 =	vld [tilespmem:s30+$0x20]  }
.Ltmp1:
0x64: {  	v5 =	vld [tilespmem:s30+$0xFFFFFFD0];
	(pc) =	sbr.rel @p0 .LBB2_5-.Ltmp1, $3  }
0x65: {  	v6 =	vld [tilespmem:s30+$0x0];
	_ =	sdelay $0x1  }
0x66: {  	v8 =	vmul.f32 v8, v3;
	v10 =	vmul.f32 v7, v3  }
0x67: {  	v11 =	vmov s0;
	v9 =	vmul.f32 v9, v3;
	v7 =	vmul.f32 v12, v3  }
0x68: {  	[tilespmem:s29+$0x30] =	vst v10;
	v58 =	vand.u32 $0x7F, v11  }
0x69: {  	[tilespmem:s29+$0xFFFFFFC0] =	vst v8;
	v1 =	vadd.s32 v1, v58  }
0x6a: {  	v2 =	vmul.f32 v2, v3;
	[tilespmem:s29+$0x10] =	vst v9;
	v1 =	vbroadcast v1, $0x0  }
0x6b: {  	s0 =	sadd.s32 $0x80, s30;
	[tilespmem:s29+$0xFFFFFFE0] =	vst v7;
	v6 =	vmul.f32 v6, v3  }
0x6c: {  	v4 =	vmul.f32 v4, v3;
	v3 =	vmul.f32 v5, v3;
	v7 =	vld [tilespmem:s0+$0xFFFFFFF0];
	[tilespmem:s29+$0xFFFFFFF0] =	vst v2  }
0x6d: {  	v2 =	vld [tilespmem:s0+$0x30];
	[tilespmem:s29+$0x0] =	vst v6  }
0x6e: {  	v60 =	vld [tilespmem:s0+$0xFFFFFFC0];
	[tilespmem:s29+$0xFFFFFFD0] =	vst v3  }
0x6f: {  	v59 =	vld [tilespmem:s0+$0x10];
	[tilespmem:s29+$0x20] =	vst v4  }
0x70: {  	v1 =	vld.idx.msk [tilespmem:v1+s21+$0x0], $0xffff;
	_ =	sdelay $0x2  }
0x71: {  	v6 =	vld [tilespmem:s0+$0x0]  }
0x72: {  	v3 =	vld [tilespmem:s0+$0xFFFFFFE0]  }
0x73: {  	v2 =	vmul.f32 v2, v1  }
0x74: {  	v61 =	vld [tilespmem:s0+$0x20];
	v4 =	vmul.f32 v60, v1  }
0x75: {  	v62 =	vld [tilespmem:s0+$0xFFFFFFD0];
	v5 =	vmul.f32 v59, v1;
	[tilespmem:s0+$0x30] =	vst v2  }
0x76: {  	v63 =	vmul.f32 v6, v1;
	[tilespmem:s0+$0xFFFFFFC0] =	vst v4  }
0x77: {  	v2 =	vmul.f32 v3, v1;
	[tilespmem:s0+$0x10] =	vst v5  }
0x78: {  	v3 =	vmul.f32 v7, v1;
	[tilespmem:s0+$0x0] =	vst v63  }
0x79: {  	[tilespmem:s0+$0xFFFFFFE0] =	vst v2;
	v2 =	vmul.f32 v61, v1  }
0x7a: {  	s26 =	sadd.s32 $0x1, s26;
	[tilespmem:s0+$0xFFFFFFF0] =	vst v3;
	v1 =	vmul.f32 v62, v1  }
0x7b: {  	p0 =	sne.s32 s26, $0x4F;
	[tilespmem:s0+$0x20] =	vst v2  }
.Ltmp2:
0x7c: {  	s31 =	sadd.s32 $0x2800, s28;
	[tilespmem:s0+$0xFFFFFFD0] =	vst v1;
	(pc) =	sbr.rel @p0 .LBB2_4-.Ltmp2, $4  }
0x7d: {  	[spmem:s2] =	stream.indirect.scatter.add.f32 [tilespmem:s22], [sflag:$0x1], $0x80, s31, s23, $0xb8;
	[tilespmem:$0x1F800] =	vst v63  }
0x7e: {  	_ =	swait.ge [sflag:s19], $0x4000  }
0x7f: {  	[sflag:s19] =	ssyncset.done $0x0  }
0x80: {  	[sflag:s19] =	ssyncadd.s32 $0xFFFFC000  }
0x81: {  	s0 =	sshll.u32 s1, $0x6  }
0x82: {  	[bflag:$0x0] =	sbarrier.arrive $0xFFFF;
	s25 =	sshrl.u32 s8, $0x3;
	s0 =	sor.u32 $0x1C01, s0  }
0x83: {  	[hbm:s13], [sflag:s0] =	dma.local [spmem:s25], $0x800  }
0x84: {  	_ =	swait.ge [sflag:s19], $0x800  }
0x85: {  	[sflag:s19] =	ssyncset.done $0x0  }
0x86: {  	s28 =	sshrl.u32 s9, $0x3;
	[sflag:s19] =	ssyncadd.s32 $0xFFFFF800  }
0x87: {  	[hbm:s14], [sflag:s0] =	dma.local [spmem:s28], $0x800  }
0x88: {  	_ =	swait.ge [sflag:s19], $0x800  }
0x89: {  	[sflag:s19] =	ssyncset.done $0x0  }
0x8a: {  	s29 =	sshrl.u32 s10, $0x3;
	[sflag:s19] =	ssyncadd.s32 $0xFFFFF800  }
0x8b: {  	[hbm:s15], [sflag:s0] =	dma.local [spmem:s29], $0x800  }
0x8c: {  	_ =	swait.ge [sflag:s19], $0x800  }
0x8d: {  	[sflag:s19] =	ssyncset.done $0x0  }
0x8e: {  	s30 =	sshrl.u32 s11, $0x3;
	[sflag:s19] =	ssyncadd.s32 $0xFFFFF800  }
0x8f: {  	[hbm:s16], [sflag:s0] =	dma.local [spmem:s30], $0x800  }
0x90: {  	s24 =	sadd.s32 $0x1, s24;
	_ =	swait.ge [sflag:s19], $0x800  }
0x91: {  	p0 =	sne.s32 s24, s18;
	[sflag:s19] =	ssyncset.done $0x0  }
.Ltmp3:
0x92: {  	s31 =	sshrl.u32 s12, $0x3;
	[sflag:s19] =	ssyncadd.s32 $0xFFFFF800;
	(pc) =	sbr.rel @p0 .LBB2_1-.Ltmp3, $4  }
0x93: {  	[hbm:s17], [sflag:s0] =	dma.local [spmem:s31], $0x800  }
0x94: {  	_ =	swait.ge [sflag:s19], $0x800  }
0x95: {  	[sflag:s19] =	ssyncset.done $0x0  }
0x96: {  	[sflag:s19] =	ssyncadd.s32 $0xFFFFF800  }
0x97: {  	_ =	sfence.sel $0x180000  }
0x98: {  	[bflag:$0x0] =	sbarrier.arrive $0xFFFF  }
0x99: {  	_ =	strace $0x9000004D  }
0x9a: {  	[bflag:$0x2] =	sbarrier.arrive $0xFFFF  }
0x9b: {  	p0 =	sne.s32 s1, $0x0;
	s0 =	rddreg [dreg:$0x4]  }
0x9c: {  	s0 =	sadd.s32 @!p0 $0x100000, s0  }
0x9d: {  	[sflag:s0] =	ssyncadd.tile.s32 @!p0 $0x1;
	_ =	shalt  }
.Lfunc_end2:
_tile_overlayer_lowered:
.L_overlay_start_2:
0x9e: {  	(tag) =	ssettag $0x2  }
0x9f: {  	s0 =	rddreg [dreg:$0x0];
	s2 =	stileid.u32  }
0xa0: {  	s1 =	rddreg [dreg:$0x1];
	p0 =	sne.s32 s2, $0x0  }
0xa1: {  	s3 =	rddreg [dreg:$0x2];
	[bflag:$0x3] =	sbarrier.arrive $0xFFFF;
	s2 =	simm.s32 @!p0 $0x1C01  }
0xa2: {  	[timem:s3], [sflag:s2] =	dma.local @!p0 [hbm:s0], s1  }
0xa3: {  	s0 =	simm.s32 @!p0 $0x1  }
0xa4: {  	_ =	swait.ge @!p0 [sflag:s0], s1  }
0xa5: {  	s1 =	ssub.s32 @!p0 $0x0, s1;
	[sflag:s0] =	ssyncset.done @!p0 $0x0  }
0xa6: {  	[sflag:s0] =	ssyncadd.s32 @!p0 s1  }
0xa7: {  	[bflag:$0x3] =	sbarrier.arrive $0xFFFF  }
0xa8: {  	_ =	shalt  }

// kernel: kernel.8.cloned.1.call-start
scs
__scs_entry_jumppad:
0x0: {  	(pc) =	sbr.rel $0x88, $3  }
0x1: {  	(tag) =	ssettag $0x0;
	lr =	simm.s32 $0x1  }
0x2: {  	[smem:$0x3F9D] =	sst lr;
	_ =	strace $0xD0000000  }
0x3: {  	_ = 	snop  }
0x4: {  	_ = 	snop  }
0x5: {  	_ = 	snop  }
0x6: {  	_ = 	snop  }
0x7: {  	_ = 	snop  }
__scs_overlays_trampoline_lowered:
0x8: {  	[smem:$0x3FAC] =	sst s0  }
0x9: {  	[smem:$0x3FAD] =	sst s1  }
0xa: {  	[smem:$0x3FAE] =	sst s2  }
0xb: {  	[smem:$0x3FAF] =	sst s3  }
0xc: {  	[smem:$0x3FB0] =	sst s4  }
0xd: {  	[smem:$0x3FB1] =	sst s5  }
0xe: {  	[smem:$0x3FB2] =	sst s6  }
0xf: {  	[smem:$0x3FB3] =	sst s7  }
0x10: {  	[smem:$0x3FB4] =	sst s8  }
0x11: {  	[smem:$0x3FB5] =	sst s9;
	s0 =	simm.s32 @!p0 $0x0  }
0x12: {  	s1 =	sld [smem:$0x3F9B];
	s0 =	simm.s32 @p0 $0x1  }
0x13: {  	[smem:$0x3FB6] =	sst s0;
	s0 =	simm.s32 @!p1 $0x0  }
0x14: {  	s2 =	sld [smem:$0x3F9A];
	s0 =	simm.s32 @p1 $0x1  }
0x15: {  	[smem:$0x3FB7] =	sst s0;
	s0 =	simm.s32 @!p2 $0x0  }
0x16: {  	s3 =	sld [smem:$0x3FDB];
	s0 =	simm.s32 @p2 $0x1  }
0x17: {  	s4 =	simm.s32 $0x1BF5;
	[smem:$0x3FB9] =	sst s0  }
0x18: {  	s0 =	sld [smem:$0x3F9C];
	_ =	swait.ge [sflag:s4], $0x0  }
0x19: {  	s7 =	sld [smem:$0x3F9D]  }
0x1a: {  	s8 =	sadd.s32 $0xFFFFE003, lr  }
0x1b: {  	s9 =	sadd.s32 $0xFFFFFEF7, lr;
	s5 =	simm.s32 $0xFFFFFFFF;
	p2 =	slt.u32 s8, $0xFFFFF086  }
0x1c: {  	p1 =	slt.u32 s9, $0xF7A;
	s5 =	simm.s32 @!p2 $0x0  }
0x1d: {  	s5 =	simm.s32 @p1 $0x1;
	p0 =	seq.s32 s7, s2  }
0x1e: {  	s7 =	smul.u32 @!p0 $0xF7A, s2;
	p2 =	seq.s32 @!p0 s5, $0x0  }
0x1f: {  	s9 =	smul.u32 $0xF7A, s1;
	s8 =	simm.s32 @!p0 $0x1BF5;
	p2 =	por !p2, p0  }
0x20: {  	[sflag:s8] =	ssyncset.s32 @!p0 $0xFFFFF086;
	s6 =	sadd.s32 @!p0 s3, s7;
	s7 =	simm.s32 @!p0 $0x108  }
0x21: {  	s3 =	sadd.s32 s3, s9;
	s6 =	sadd.s32 @!p0 $0x88, s6;
	s7 =	simm.s32 @p2 $0x1082  }
0x22: {  	[simem:s7], [sflag:s8] =	dma.local @!p0 [hbm:s6], $0xF7A  }
0x23: {  	s9 =	sor.u32 $0xD0000000, s2;
	s6 =	simm.s32 $0x108;
	_ =	swait.ge @!p0 [sflag:s8], $0x0  }
0x24: {  	s3 =	sadd.s32 $0x88, s3;
	s6 =	simm.s32 @!p1 $0x1082;
	[sflag:s4] =	ssyncset.s32 $0xFFFFF086  }
0x25: {  	[simem:s6], [sflag:s4] =	dma.local [hbm:s3], $0xF7A  }
0x26: {  	[smem:$0x3F9D] =	sst s1;
	(tag) =	ssettag s2;
	_ =	strace s9  }
0x27: {  	s1 =	sld [smem:$0x3FAD]  }
0x28: {  	s2 =	sld [smem:$0x3FAE]  }
0x29: {  	s4 =	sld [smem:$0x3FB0]  }
0x2a: {  	p0 =	seq.s32 s5, $0x0;
	s5 =	sld [smem:$0x3FB1]  }
0x2b: {  	s6 =	sld [smem:$0x3FB2]  }
0x2c: {  	s7 =	sld [smem:$0x3FB3]  }
0x2d: {  	s3 =	simm.s32 $0x108;
	s8 =	sld [smem:$0x3FB4]  }
0x2e: {  	s3 =	simm.s32 @!p0 $0x1082;
	s9 =	sld [smem:$0x3FB5]  }
0x2f: {  	lr =	sadd.s32 s0, s3;
	s0 =	sld [smem:$0x3FAC]  }
0x30: {  	s3 =	sld [smem:$0x3FAF]  }
0x31: {  	[smem:$0x3FB8] =	sst s10  }
0x32: {  	s10 =	sld [smem:$0x3FB6];
	_ =	sdelay $0x3  }
0x33: {  	p0 =	seq.s32 s10, $0x1;
	s10 =	sld [smem:$0x3FB8];
	_ =	sdelay $0x3  }
0x34: {  	[smem:$0x3FB8] =	sst s10  }
0x35: {  	s10 =	sld [smem:$0x3FB7];
	_ =	sdelay $0x3  }
0x36: {  	p1 =	seq.s32 s10, $0x1;
	s10 =	sld [smem:$0x3FB8];
	_ =	sdelay $0x3  }
0x37: {  	[smem:$0x3FB8] =	sst s10  }
0x38: {  	s10 =	sld [smem:$0x3FB9]  }
0x39: {  	_ = 	snop;
	(pc) =	sbr.ind lr, $3  }
0x3a: {  	_ = 	snop  }
0x3b: {  	_ = 	snop  }
0x3c: {  	p2 =	seq.s32 s10, $0x1;
	s10 =	sld [smem:$0x3FB8]  }
0x3d: {  	_ =	shalt  }
0x3e: {  	_ =	shalt  }
0x3f: {  	_ =	shalt  }
0x40: {  	_ =	shalt  }
0x41: {  	_ =	shalt  }
0x42: {  	_ =	shalt  }
0x43: {  	_ =	shalt  }
0x44: {  	_ =	shalt  }
0x45: {  	_ =	shalt  }
0x46: {  	_ =	shalt  }
0x47: {  	_ =	shalt  }
0x48: {  	_ =	shalt  }
0x49: {  	_ =	shalt  }
0x4a: {  	_ =	shalt  }
0x4b: {  	_ =	shalt  }
0x4c: {  	_ =	shalt  }
0x4d: {  	_ =	shalt  }
0x4e: {  	_ =	shalt  }
0x4f: {  	_ =	shalt  }
0x50: {  	_ =	shalt  }
0x51: {  	_ =	shalt  }
0x52: {  	_ =	shalt  }
0x53: {  	_ =	shalt  }
0x54: {  	_ =	shalt  }
0x55: {  	_ =	shalt  }
0x56: {  	_ =	shalt  }
0x57: {  	_ =	shalt  }
0x58: {  	_ =	shalt  }
0x59: {  	_ =	shalt  }
0x5a: {  	_ =	shalt  }
0x5b: {  	_ =	shalt  }
0x5c: {  	_ =	shalt  }
0x5d: {  	_ =	shalt  }
0x5e: {  	_ =	shalt  }
0x5f: {  	_ =	shalt  }
0x60: {  	_ =	shalt  }
0x61: {  	_ =	shalt  }
0x62: {  	_ =	shalt  }
0x63: {  	_ =	shalt  }
0x64: {  	_ =	shalt  }
0x65: {  	_ =	shalt  }
0x66: {  	_ =	shalt  }
0x67: {  	_ =	shalt  }
0x68: {  	_ =	shalt  }
0x69: {  	_ =	shalt  }
0x6a: {  	_ =	shalt  }
0x6b: {  	_ =	shalt  }
0x6c: {  	_ =	shalt  }
0x6d: {  	_ =	shalt  }
0x6e: {  	_ =	shalt  }
0x6f: {  	_ =	shalt  }
0x70: {  	_ =	shalt  }
0x71: {  	_ =	shalt  }
0x72: {  	_ =	shalt  }
0x73: {  	_ =	shalt  }
0x74: {  	_ =	shalt  }
0x75: {  	_ =	shalt  }
0x76: {  	_ =	shalt  }
0x77: {  	_ =	shalt  }
0x78: {  	_ =	shalt  }
0x79: {  	_ =	shalt  }
0x7a: {  	_ =	shalt  }
0x7b: {  	_ =	shalt  }
0x7c: {  	_ =	shalt  }
0x7d: {  	_ =	shalt  }
0x7e: {  	_ =	shalt  }
0x7f: {  	_ =	shalt  }
0x80: {  	_ =	shalt  }
0x81: {  	_ =	shalt  }
0x82: {  	_ =	shalt  }
0x83: {  	_ =	shalt  }
0x84: {  	_ =	shalt  }
0x85: {  	_ =	shalt  }
0x86: {  	_ =	shalt  }
0x87: {  	_ =	shalt  }
.Lfunc_end0:
.L_simem_size_0:
called_computation_lowered:
.L_overlay_start_0:
0x88: {  	s2 =	sld [smem:$0x3FD9]  }
0x89: {  	s3 =	sld [smem:$0x3FFE];
	_ =	sdelay $0x1  }
0x8a: {  	s1 =	srdreg.scid  }
0x8b: {  	s0 =	sand.u32 $0x1, s1  }
0x8c: {  	s14 =	sshll.u32 s0, $0xA;
	s2 =	sadd.s32 s3, s2  }
0x8d: {  	s2 =	sadd.s32 s2, s14  }
0x8e: {  	[smem:$0x3FC4] =	sst s2  }
0x8f: {  	_ = 	snop  }
0x90: {  	s2 =	sld [smem:$0x3FD0];
	_ =	sdelay $0x2  }
0x91: {  	s15 =	simm.s32 $0xA;
	s4 =	simm.s32 $0x10  }
0x92: {  	[smem:s4], [sflag:s15] =	dma.local [hbm:s2], $0x1  }
0x93: {  	_ =	swait.eq [sflag:s15], $0x1  }
0x94: {  	[sflag:s15] =	ssyncset.done $0x0  }
0x95: {  	s16 =	sld [smem:$0x10];
	[sflag:s15] =	ssyncadd.s32 $0xFFFFFFFF  }
0x96: {  	s17 =	sld [smem:$0x11];
	(tm) =	ssettm $0x1  }
0x97: {  	s18 =	sld [smem:$0x3FFB];
	_ =	sdelay $0x3  }
0x98: {  	_ =	strace s18  }
0x99: {  	s4 =	sld [smem:$0x3FFC];
	_ =	sdelay $0x3  }
0x9a: {  	_ =	strace s4  }
0x9b: {  	s4 =	sld [smem:$0x3FFD];
	_ =	sdelay $0x3  }
0x9c: {  	_ =	strace s4  }
0x9d: {  	_ =	strace $0x8FFFFFFF  }
0x9e: {  	s19 =	sld [smem:$0x3FDB];
	_ =	sdelay $0x1  }
0x9f: {  	s5 =	simm.s32 $_scs_section_size  }
0xa0: {  	s6 =	simm.s32 $_size__tile_overlayer_lowered;
	s7 =	simm.s32 $_tile_overlayer_lowered  }
0xa1: {  	s22 =	simm.s32 $0x1BFF;
	s21 =	sshll.u32 s7, $0x1;
	s4 =	sadd.s32 s5, s19  }
0xa2: {  	s8 =	simm.s32 $0x0;
	s20 =	sshll.u32 s6, $0x1;
	s6 =	sadd.s32 s21, s4  }
0xa3: {  	[timem:s8], [sflag:s22] =	dma.local [hbm:s6], s20  }
0xa4: {  	_ =	swait.ge [sflag:s22], s20  }
0xa5: {  	s5 =	ssub.s32 $0x0, s20;
	[sflag:s22] =	ssyncset.done $0x0  }
0xa6: {  	[sflag:s22] =	ssyncadd.s32 s5;
	_ =	sdelay $0x1  }
0xa7: {  	s23 =	simm.s32 $0x1B8B  }
0xa8: {  	_ =	swait.ge [sflag:s23], $0x1  }
0xa9: {  	[sflag:s23] =	ssyncset.done $0x0  }
0xaa: {  	s25 =	simm.s32 $0x1B8E;
	s24 =	sld [smem:$0x3FFE];
	[sflag:s23] =	ssyncadd.s32 $0xFFFFFFFF  }
0xab: {  	s26 =	simm.s32 $execute0_lowered;
	[smem:$0x3FD2] =	sst s25  }
0xac: {  	s6 =	sshll.u32 s26, $0x1;
	_ =	strace $0x80000046;
	[dreg:$0x1] =	wrdreg $0xFFFFFFFF  }
0xad: {  	s28 =	simm.s32 $_size_execute0_lowered;
	s4 =	sadd.s32 s4, s6;
	[dreg:$0x0] =	wrdreg $0x0  }
0xae: {  	s6 =	sshll.u32 s28, $0x1;
	[dreg:$0x2] =	wrdreg s4  }
0xaf: {  	[dreg:$0x3] =	wrdreg s6  }
0xb0: {  	[dreg:$0x4] =	wrdreg $0xC0  }
0xb1: {  	_ =	task [dreg:s8], $0x5FFFF  }
0xb2: {  	[dreg:$0x1] =	wrdreg $0xFFFFFFFF  }
0xb3: {  	[dreg:$0x0] =	wrdreg $0x60  }
0xb4: {  	[dreg:$0x2] =	wrdreg s24  }
0xb5: {  	[dreg:$0x3] =	wrdreg s17  }
0xb6: {  	[dreg:$0x4] =	wrdreg s16  }
0xb7: {  	[dreg:$0x5] =	wrdreg $0xB8000  }
0xb8: {  	[dreg:$0x6] =	wrdreg $0x9  }
0xb9: {  	_ =	task.clear_ibuf [dreg:s8], $0x7FFFF;
	_ =	strace $0x90000046  }
0xba: {  	s29 =	simm.s32 $0x9;
	_ =	strace $0x80000048  }
0xbb: {  	_ =	swait.ge [sflag:s29], $0x1  }
0xbc: {  	[sflag:s29] =	ssyncadd.s32 $0xFFFFFFFF  }
0xbd: {  	_ =	strace $0x90000048  }
0xbe: {  	_ =	sfence  }
0xbf: {  	s30 =	sld [smem:$0x0];
	_ =	sdelay $0x2  }
0xc0: {  	s31 =	sshll.u32 s1, $0xD;
	s1 =	sshrl.u32 s1, $0x2  }
0xc1: {  	s3 =	sand.u32 $0x4000, s31;
	s1 =	sadd.s32 s1, s30  }
0xc2: {  	s0 =	sor.u32 s3, s0;
	s1 =	sshll.u32 s1, $0x11  }
0xc3: {  	s0 =	sor.u32 s1, s0  }
0xc4: {  	s0 =	sadd.s32 $0x8F2B, s0  }
0xc5: {  	[sflag:s0] =	ssyncadd.remote.s32 $0x1  }
0xc6: {  	_ =	sfence.sel $0xFFFF  }
0xc7: {  	[dreg:$0x0] =	wrdreg $0xFFFFFFFF;
	(pc) =	sbr.abs _section_cstart, $3  }
0xc8: {  	[dreg:$0x1] =	wrdreg $0xFFFFFFFF  }
0xc9: {  	_ =	task.clear_ibuf [dreg:s8], $0x2FFFF;
	_ =	strace $0x9FFFFFFF  }
0xca: {  	(tm) =	ssettm $0x7FFFFFFF  }
0xcb: {  	_ =	shalt  }
tec
execute0_lowered:
.L_overlay_start_1:
0x0: {  	(tag) =	ssettag $0x1  }
0x1: {  	s5 =	rddreg [dreg:$0x0]  }
0x2: {  	s6 =	rddreg [dreg:$0x1]  }
0x3: {  	s0 =	srdreg.scid;
	s7 =	rddreg [dreg:$0x2]  }
0x4: {  	s2 =	rddreg [dreg:$0x3];
	s1 =	stileid.u32  }
0x5: {  	s3 =	simm.s32 $0x0;
	s22 =	simm.s32 $0x7800;
	s23 =	simm.s32 $0x80  }
0x6: {  	s24 =	simm.s32 $0x0;
	s9 =	sand.u32 $0x1, s0;
	s13 =	smul.u32 $0x50000, s1  }
0x7: {  	[smem:$0x7FF] =	sst s3;
	s17 =	sadd.s32 $0x33C00, s5;
	s29 =	smul.u32 $0x14000, s1  }
0x8: {  	s4 =	sshll.u32 s9, $0x4;
	_ =	strace $0x80000047;
	s10 =	ssub.s32 $0x2, s9  }
0x9: {  	s19 =	smul.u32 $0x140000, s9;
	s4 =	sor.u32 s1, s4;
	s12 =	sshrl.u32 s10, $0x1  }
0xa: {  	s30 =	sshrl.u32 s13, $0x2;
	s31 =	sadd.s32 $0x4000, s29;
	s15 =	sadd.s32 $0x8000, s29  }
0xb: {  	s16 =	sadd.s32 $0xC000, s29;
	s20 =	sadd.s32 $0x10000, s29;
	s8 =	smul.u32 $0x500, s4  }
0xc: {  	s4 =	sadd.s32 $0xBC00, s5;
	s18 =	ssub.s32 s10, s12;
	s9 =	sadd.s32 s31, s2  }
0xd: {  	s10 =	sadd.s32 s15, s2;
	s14 =	sadd.s32 s29, s19;
	s13 =	sadd.s32 s19, s31  }
0xe: {  	s12 =	sadd.s32 s20, s2;
	s15 =	sadd.s32 s19, s15;
	s14 =	sshrl.u32 s14, $0x3  }
0xf: {  	s21 =	sshrl.u32 s13, $0x3;
	s15 =	sshrl.u32 s15, $0x3;
	s18 =	smax.u32 s18, $0x1  }
0x10: {  	s11 =	sadd.s32 s8, s5;
	s5 =	sadd.s32 s6, s8;
	s6 =	sadd.s32 s7, s8  }
0x11: {  	s8 =	sadd.s32 s30, s2;
	s13 =	sadd.s32 s17, s14;
	s14 =	sadd.s32 s17, s21  }
0x12: {  	s15 =	sadd.s32 s17, s15;
	s21 =	simm.s32 $0x5000;
	s7 =	sadd.s32 $0x1C00, s11  }
0x13: {  	s11 =	sadd.s32 s16, s2;
	s16 =	sadd.s32 s19, s16;
	s19 =	sadd.s32 s19, s20  }
0x14: {  	s20 =	simm.s32 $0x2800;
	s16 =	sshrl.u32 s16, $0x3;
	s19 =	sshrl.u32 s19, $0x3  }
0x15: {  	v0 =	vimm.f32 $0.0e+00;
	s16 =	sadd.s32 s17, s16;
	s17 =	sadd.s32 s17, s19;
	s19 =	simm.s32 $0x1  }
.LBB2_1:
0x16: {  	[tilespmem:s3], [sflag:$0x1] =	stream.linear.gather [hbm4b:s5+s3], $0x2780, $0x38;
	[tilespmem:$0x1F800] =	vst v63  }
0x17: {  	_ =	swait.ge [sflag:s19], $0x2780  }
0x18: {  	[sflag:s19] =	ssyncset.done $0x0  }
0x19: {  	[sflag:s19] =	ssyncadd.s32 $0xFFFFD880  }
0x1a: {  	[tilespmem:s20], [sflag:$0x1] =	stream.linear.gather [hbm4b:s6+s3], $0x2780, $0x38;
	[tilespmem:$0x1F800] =	vst v63  }
0x1b: {  	_ =	swait.ge [sflag:s19], $0x2780  }
0x1c: {  	[sflag:s19] =	ssyncset.done $0x0  }
0x1d: {  	[sflag:s19] =	ssyncadd.s32 $0xFFFFD880  }
0x1e: {  	[tilespmem:s21], [sflag:$0x1] =	stream.linear.gather [hbm4b:s7+s3], $0x2780, $0x38;
	[tilespmem:$0x1F800] =	vst v63  }
0x1f: {  	_ =	swait.ge [sflag:s19], $0x2780  }
0x20: {  	[sflag:s19] =	ssyncset.done $0x0  }
0x21: {  	s25 =	simm.s32 $0x0;
	s26 =	simm.s32 $0x200;
	[sflag:s19] =	ssyncadd.s32 $0xFFFFD880  }
.LBB2_2:
0x22: {  	p0 =	sne.s32 s26, $0xFE00;
	[tilespmem:s25+$0x7870] =	vst v0  }
0x23: {  	[tilespmem:s25+$0x7800] =	vst v0  }
0x24: {  	[tilespmem:s25+$0x7810] =	vst v0  }
.Ltmp0:
0x25: {  	[tilespmem:s25+$0x7820] =	vst v0;
	(pc) =	sbr.rel @p0 .LBB2_2-.Ltmp0, $4  }
0x26: {  	[tilespmem:s25+$0x7830] =	vst v0  }
0x27: {  	[tilespmem:s25+$0x7840] =	vst v0  }
0x28: {  	[tilespmem:s25+$0x7850] =	vst v0  }
0x29: {  	[tilespmem:s25+$0x7860] =	vst v0;
	s25 =	sshra.s32 s26, $0x2;
	s26 =	sadd.s32 $0x200, s26  }
0x2a: {  	[tilespmem:s25+$0x7870] =	vst v0  }
0x2b: {  	[tilespmem:s25+$0x7800] =	vst v0  }
0x2c: {  	[tilespmem:s25+$0x7810] =	vst v0  }
0x2d: {  	[tilespmem:s25+$0x7820] =	vst v0  }
0x2e: {  	[tilespmem:s25+$0x7830] =	vst v0  }
0x2f: {  	[tilespmem:s25+$0x7840] =	vst v0  }
0x30: {  	[tilespmem:s25+$0x7850] =	vst v0  }
0x31: {  	[tilespmem:s25+$0x7860] =	vst v0  }
0x32: {  	[spmem:s8] =	stream.linear.scatter [tilespmem:s22], [sflag:$0x1], $0x4000, $0x38;
	[tilespmem:$0x1F800] =	vst v63  }
0x33: {  	_ =	swait.ge [sflag:s19], $0x4000  }
0x34: {  	[sflag:s19] =	ssyncset.done $0x0  }
0x35: {  	[sflag:s19] =	ssyncadd.s32 $0xFFFFC000  }
0x36: {  	[spmem:s9] =	stream.linear.scatter [tilespmem:s22], [sflag:$0x1], $0x4000, $0x38;
	[tilespmem:$0x1F800] =	vst v63  }
0x37: {  	_ =	swait.ge [sflag:s19], $0x4000  }
0x38: {  	[sflag:s19] =	ssyncset.done $0x0  }
0x39: {  	[sflag:s19] =	ssyncadd.s32 $0xFFFFC000  }
0x3a: {  	[spmem:s10] =	stream.linear.scatter [tilespmem:s22], [sflag:$0x1], $0x4000, $0x38;
	[tilespmem:$0x1F800] =	vst v63  }
0x3b: {  	_ =	swait.ge [sflag:s19], $0x4000  }
0x3c: {  	[sflag:s19] =	ssyncset.done $0x0  }
0x3d: {  	[sflag:s19] =	ssyncadd.s32 $0xFFFFC000  }
0x3e: {  	[spmem:s11] =	stream.linear.scatter [tilespmem:s22], [sflag:$0x1], $0x4000, $0x38;
	[tilespmem:$0x1F800] =	vst v63  }
0x3f: {  	_ =	swait.ge [sflag:s19], $0x4000  }
0x40: {  	[sflag:s19] =	ssyncset.done $0x0  }
0x41: {  	[sflag:s19] =	ssyncadd.s32 $0xFFFFC000  }
0x42: {  	[spmem:s12] =	stream.linear.scatter [tilespmem:s22], [sflag:$0x1], $0x4000, $0x38;
	[tilespmem:$0x1F800] =	vst v63  }
0x43: {  	_ =	swait.ge [sflag:s19], $0x4000  }
0x44: {  	[sflag:s19] =	ssyncset.done $0x0  }
0x45: {  	[sflag:s19] =	ssyncadd.s32 $0xFFFFC000  }
0x46: {  	s25 =	simm.s32 $0x0;
	s26 =	simm.s32 $0x0;
	[bflag:$0x0] =	sbarrier.arrive $0xFFFF  }
.LBB2_4:
0x47: {  	s28 =	sshll.u32 s26, $0x7;
	v2 =	vmov s25  }
0x48: {  	v1 =	vmov s28;
	v2 =	vand.u32 $0x7F, v2  }
0x49: {  	[tilespmem:s22], [sflag:$0x1] =	stream.indirect.gather [hbm4b:s4+s23], $0x80, s28, s23, $0xb8;
	v2 =	vadd.s32 v1, v2;
	[tilespmem:$0x1F800] =	vst v63  }
0x4a: {  	_ =	swait.ge [sflag:s19], $0x4000;
	v2 =	vbroadcast v2, $0x0  }
0x4b: {  	[sflag:s19] =	ssyncset.done $0x0  }
0x4c: {  	s29 =	simm.s32 $0x7840;
	[sflag:s19] =	ssyncadd.s32 $0xFFFFC000  }
0x4d: {  	v6 =	vld [tilespmem:s29+$0x30]  }
0x4e: {  	v9 =	vld [tilespmem:s29+$0x10]  }
0x4f: {  	v7 =	vld [tilespmem:s29+$0xFFFFFFC0]  }
0x50: {  	v3 =	vld.idx.msk [tilespmem:v2+s21+$0x0], $0xffff  }
0x51: {  	v12 =	vld [tilespmem:s29+$0xFFFFFFE0]  }
0x52: {  	v4 =	vld [tilespmem:s29+$0x20]  }
0x53: {  	v5 =	vld [tilespmem:s29+$0xFFFFFFD0]  }
0x54: {  	v2 =	vld [tilespmem:s29+$0xFFFFFFF0]  }
0x55: {  	v10 =	vmul.f32 v6, v3;
	v6 =	vld [tilespmem:s29+$0x0]  }
0x56: {  	s30 =	simm.s32 $0x1;
	v8 =	vmul.f32 v7, v3  }
0x57: {  	s31 =	simm.s32 $0x2;
	v11 =	vmov s30;
	s30 =	simm.s32 $0x7840;
	v7 =	vmul.f32 v12, v3;
	v9 =	vmul.f32 v9, v3  }
.LBB2_5:
0x58: {  	p0 =	sne.s32 s31, $0x7F  }
0x59: {  	v11 =	vand.u32 $0x7F, v11;
	v5 =	vmul.f32 v5, v3;
	v4 =	vmul.f32 v4, v3;
	[tilespmem:s29+$0x30] =	vst v10;
	s30 =	sadd.s32 $0x80, s30;
	s0 =	smov.u32 s31;
	s31 =	sadd.s32 $0x1, s31  }
0x5a: {  	v10 =	vadd.s32 v1, v11;
	[tilespmem:s29+$0xFFFFFFC0] =	vst v8;
	v8 =	vmul.f32 v2, v3;
	v3 =	vmul.f32 v6, v3  }
0x5b: {  	v6 =	vbroadcast v10, $0x0;
	[tilespmem:s29+$0x10] =	vst v9  }
0x5c: {  	[tilespmem:s29+$0xFFFFFFE0] =	vst v7  }
0x5d: {  	v2 =	vld [tilespmem:s30+$0xFFFFFFF0];
	[tilespmem:s29+$0xFFFFFFF0] =	vst v8  }
0x5e: {  	v7 =	vld [tilespmem:s30+$0x30];
	[tilespmem:s29+$0x0] =	vst v3  }
0x5f: {  	v9 =	vld [tilespmem:s30+$0x10];
	[tilespmem:s29+$0x20] =	vst v4  }
0x60: {  	v8 =	vld [tilespmem:s30+$0xFFFFFFC0];
	[tilespmem:s29+$0xFFFFFFD0] =	vst v5;
	s29 =	smov.u32 s30  }
0x61: {  	v3 =	vld.idx.msk [tilespmem:v6+s21+$0x0], $0xffff  }
0x62: {  	v12 =	vld [tilespmem:s30+$0xFFFFFFE0]  }
0x63: {  	v4 =	vld [tilespmem:s30+$0x20]  }
.Ltmp1:
0x64: {  	v5 =	vld [tilespmem:s30+$0xFFFFFFD0];
	(pc) =	sbr.rel @p0 .LBB2_5-.Ltmp1, $3  }
0x65: {  	v6 =	vld [tilespmem:s30+$0x0];
	_ =	sdelay $0x1  }
0x66: {  	v8 =	vmul.f32 v8, v3;
	v10 =	vmul.f32 v7, v3  }
0x67: {  	v11 =	vmov s0;
	v9 =	vmul.f32 v9, v3;
	v7 =	vmul.f32 v12, v3  }
0x68: {  	[tilespmem:s29+$0x30] =	vst v10;
	v58 =	vand.u32 $0x7F, v11  }
0x69: {  	[tilespmem:s29+$0xFFFFFFC0] =	vst v8;
	v1 =	vadd.s32 v1, v58  }
0x6a: {  	v2 =	vmul.f32 v2, v3;
	[tilespmem:s29+$0x10] =	vst v9;
	v1 =	vbroadcast v1, $0x0  }
0x6b: {  	s0 =	sadd.s32 $0x80, s30;
	[tilespmem:s29+$0xFFFFFFE0] =	vst v7;
	v6 =	vmul.f32 v6, v3  }
0x6c: {  	v4 =	vmul.f32 v4, v3;
	v3 =	vmul.f32 v5, v3;
	v7 =	vld [tilespmem:s0+$0xFFFFFFF0];
	[tilespmem:s29+$0xFFFFFFF0] =	vst v2  }
0x6d: {  	v2 =	vld [tilespmem:s0+$0x30];
	[tilespmem:s29+$0x0] =	vst v6  }
0x6e: {  	v60 =	vld [tilespmem:s0+$0xFFFFFFC0];
	[tilespmem:s29+$0xFFFFFFD0] =	vst v3  }
0x6f: {  	v59 =	vld [tilespmem:s0+$0x10];
	[tilespmem:s29+$0x20] =	vst v4  }
0x70: {  	v1 =	vld.idx.msk [tilespmem:v1+s21+$0x0], $0xffff;
	_ =	sdelay $0x2  }
0x71: {  	v6 =	vld [tilespmem:s0+$0x0]  }
0x72: {  	v3 =	vld [tilespmem:s0+$0xFFFFFFE0]  }
0x73: {  	v2 =	vmul.f32 v2, v1  }
0x74: {  	v61 =	vld [tilespmem:s0+$0x20];
	v4 =	vmul.f32 v60, v1  }
0x75: {  	v62 =	vld [tilespmem:s0+$0xFFFFFFD0];
	v5 =	vmul.f32 v59, v1;
	[tilespmem:s0+$0x30] =	vst v2  }
0x76: {  	v63 =	vmul.f32 v6, v1;
	[tilespmem:s0+$0xFFFFFFC0] =	vst v4  }
0x77: {  	v2 =	vmul.f32 v3, v1;
	[tilespmem:s0+$0x10] =	vst v5  }
0x78: {  	v3 =	vmul.f32 v7, v1;
	[tilespmem:s0+$0x0] =	vst v63  }
0x79: {  	[tilespmem:s0+$0xFFFFFFE0] =	vst v2;
	v2 =	vmul.f32 v61, v1  }
0x7a: {  	s26 =	sadd.s32 $0x1, s26;
	[tilespmem:s0+$0xFFFFFFF0] =	vst v3;
	v1 =	vmul.f32 v62, v1  }
0x7b: {  	p0 =	sne.s32 s26, $0x4F;
	[tilespmem:s0+$0x20] =	vst v2  }
.Ltmp2:
0x7c: {  	s31 =	sadd.s32 $0x2800, s28;
	[tilespmem:s0+$0xFFFFFFD0] =	vst v1;
	(pc) =	sbr.rel @p0 .LBB2_4-.Ltmp2, $4  }
0x7d: {  	[spmem:s2] =	stream.indirect.scatter.add.f32 [tilespmem:s22], [sflag:$0x1], $0x80, s31, s23, $0xb8;
	[tilespmem:$0x1F800] =	vst v63  }
0x7e: {  	_ =	swait.ge [sflag:s19], $0x4000  }
0x7f: {  	[sflag:s19] =	ssyncset.done $0x0  }
0x80: {  	[sflag:s19] =	ssyncadd.s32 $0xFFFFC000  }
0x81: {  	s0 =	sshll.u32 s1, $0x6  }
0x82: {  	[bflag:$0x0] =	sbarrier.arrive $0xFFFF;
	s25 =	sshrl.u32 s8, $0x3;
	s0 =	sor.u32 $0x1C01, s0  }
0x83: {  	[hbm:s13], [sflag:s0] =	dma.local [spmem:s25], $0x800  }
0x84: {  	_ =	swait.ge [sflag:s19], $0x800  }
0x85: {  	[sflag:s19] =	ssyncset.done $0x0  }
0x86: {  	s28 =	sshrl.u32 s9, $0x3;
	[sflag:s19] =	ssyncadd.s32 $0xFFFFF800  }
0x87: {  	[hbm:s14], [sflag:s0] =	dma.local [spmem:s28], $0x800  }
0x88: {  	_ =	swait.ge [sflag:s19], $0x800  }
0x89: {  	[sflag:s19] =	ssyncset.done $0x0  }
0x8a: {  	s29 =	sshrl.u32 s10, $0x3;
	[sflag:s19] =	ssyncadd.s32 $0xFFFFF800  }
0x8b: {  	[hbm:s15], [sflag:s0] =	dma.local [spmem:s29], $0x800  }
0x8c: {  	_ =	swait.ge [sflag:s19], $0x800  }
0x8d: {  	[sflag:s19] =	ssyncset.done $0x0  }
0x8e: {  	s30 =	sshrl.u32 s11, $0x3;
	[sflag:s19] =	ssyncadd.s32 $0xFFFFF800  }
0x8f: {  	[hbm:s16], [sflag:s0] =	dma.local [spmem:s30], $0x800  }
0x90: {  	s24 =	sadd.s32 $0x1, s24;
	_ =	swait.ge [sflag:s19], $0x800  }
0x91: {  	p0 =	sne.s32 s24, s18;
	[sflag:s19] =	ssyncset.done $0x0  }
.Ltmp3:
0x92: {  	s31 =	sshrl.u32 s12, $0x3;
	[sflag:s19] =	ssyncadd.s32 $0xFFFFF800;
	(pc) =	sbr.rel @p0 .LBB2_1-.Ltmp3, $4  }
0x93: {  	[hbm:s17], [sflag:s0] =	dma.local [spmem:s31], $0x800  }
0x94: {  	_ =	swait.ge [sflag:s19], $0x800  }
0x95: {  	[sflag:s19] =	ssyncset.done $0x0  }
0x96: {  	[sflag:s19] =	ssyncadd.s32 $0xFFFFF800  }
0x97: {  	_ =	sfence.sel $0x180000  }
0x98: {  	[bflag:$0x0] =	sbarrier.arrive $0xFFFF  }
0x99: {  	_ =	strace $0x90000047  }
0x9a: {  	[bflag:$0x2] =	sbarrier.arrive $0xFFFF  }
0x9b: {  	p0 =	sne.s32 s1, $0x0;
	s0 =	rddreg [dreg:$0x4]  }
0x9c: {  	s0 =	sadd.s32 @!p0 $0x100000, s0  }
0x9d: {  	[sflag:s0] =	ssyncadd.tile.s32 @!p0 $0x1;
	_ =	shalt  }
.Lfunc_end2:
_tile_overlayer_lowered:
.L_overlay_start_2:
0x9e: {  	(tag) =	ssettag $0x2  }
0x9f: {  	s0 =	rddreg [dreg:$0x0];
	s2 =	stileid.u32  }
0xa0: {  	s1 =	rddreg [dreg:$0x1];
	p0 =	sne.s32 s2, $0x0  }
0xa1: {  	s3 =	rddreg [dreg:$0x2];
	[bflag:$0x3] =	sbarrier.arrive $0xFFFF;
	s2 =	simm.s32 @!p0 $0x1C01  }
0xa2: {  	[timem:s3], [sflag:s2] =	dma.local @!p0 [hbm:s0], s1  }
0xa3: {  	s0 =	simm.s32 @!p0 $0x1  }
0xa4: {  	_ =	swait.ge @!p0 [sflag:s0], s1  }
0xa5: {  	s1 =	ssub.s32 @!p0 $0x0, s1;
	[sflag:s0] =	ssyncset.done @!p0 $0x0  }
0xa6: {  	[sflag:s0] =	ssyncadd.s32 @!p0 s1  }
0xa7: {  	[bflag:$0x3] =	sbarrier.arrive $0xFFFF  }
0xa8: {  	_ =	shalt  }

</sc_bundles>
